<compile_context>
chip_gen: v7x
topology: tpu7x:2x2x1
jax: 0.10.2.dev20260603
libtpu: 0.0.44.dev20260713+nightly
codegen_flags: <defaults>
</compile_context>

<pallas_src>
import functools

import jax
import jax.numpy as jnp
from jax import lax
from jax.experimental import pallas as pl
from jax.experimental.pallas import tpu as pltpu
from jax.experimental.pallas import tpu_sc as plsc

N = 10000
D = 128
E = 320000
LANES = 16
NC, NS = 2, 16
HALF = 5120
NPAD = NC * HALF
RPT = HALF // NS
SCAN = E // NS
SSTG = 2000
NSTG = SCAN // SSTG
LIST = 20480
C = 128
BR = 1024


def _sc_agg(feats, col1, row1, ew1):
    mesh = plsc.VectorSubcoreMesh(core_axis_name="c", subcore_axis_name="s")

    @functools.partial(
        pl.kernel,
        out_type=(
            jax.ShapeDtypeStruct((NPAD, D), jnp.float32),
            jax.ShapeDtypeStruct((NPAD,), jnp.float32),
        ),
        mesh=mesh,
        compiler_params=pltpu.CompilerParams(use_tc_tiling_on_sc=False,
                                             needs_layout_passes=False),
        scratch_types=[
            pltpu.VMEM((SSTG,), jnp.int32),
            pltpu.VMEM((SSTG,), jnp.int32),
            pltpu.VMEM((SSTG,), jnp.float32),
            pltpu.VMEM((LIST,), jnp.int32),
            pltpu.VMEM((LIST,), jnp.int32),
            pltpu.VMEM((LIST,), jnp.float32),
            pltpu.VMEM((C, D), jnp.float32),
            pltpu.VMEM((C,), jnp.int32),
            pltpu.VMEM((C,), jnp.float32),
            pltpu.VMEM((RPT,), jnp.float32),
            pltpu.VMEM_SHARED((HALF, D), jnp.float32),
            pltpu.VMEM_SHARED((HALF,), jnp.float32),
            pltpu.SemaphoreType.DMA,
        ],
    )
    def body(feats_hbm, col_hbm, row_hbm, ew_hbm, out_hbm, deg_hbm,
             scol, srow, sew, ccol, crow, cew, gbuf, rowb, ewb, zdbuf,
             acc, dacc, sem):
        cid = lax.axis_index("c")
        sid = lax.axis_index("s")

        lo = cid * HALF
        lo_v = jnp.full((LANES,), lo, jnp.int32)
        hi_v = lo_v + HALF

        zero16 = jnp.zeros((LANES,), jnp.float32)

        def zrow(r, carry):
            for j in range(D // LANES):
                gbuf[r, pl.ds(j * LANES, LANES)] = zero16
            return carry

        lax.fori_loop(0, C, zrow, 0)

        def zdeg(r, carry):
            zdbuf[pl.ds(r * LANES, LANES)] = zero16
            return carry

        lax.fori_loop(0, RPT // LANES, zdeg, 0)

        for t in range(RPT // 64):
            pltpu.sync_copy(gbuf.at[pl.ds(0, 64)],
                            acc.at[pl.ds(sid * RPT + t * 64, 64)])
        pltpu.sync_copy(zdbuf, dacc.at[pl.ds(sid * RPT, RPT)])

        plsc.subcore_barrier()

        def scan_stage(j, n0):
            base = sid * SCAN + j * SSTG
            pltpu.sync_copy(col_hbm.at[pl.ds(base, SSTG)], scol)
            pltpu.sync_copy(row_hbm.at[pl.ds(base, SSTG)], srow)
            pltpu.sync_copy(ew_hbm.at[pl.ds(base, SSTG)], sew)

            def scan_group(g, n):
                col16 = scol[pl.ds(g * LANES, LANES)]
                row16 = srow[pl.ds(g * LANES, LANES)]
                ew16 = sew[pl.ds(g * LANES, LANES)]
                m = (row16 >= lo_v) & (row16 < hi_v)
                mi = lax.select(m, jnp.ones((LANES,), jnp.int32),
                                jnp.zeros((LANES,), jnp.int32))
                pc = plsc.cumsum(mi)
                pos = pc + lax.broadcast(n - 1, (LANES,))
                plsc.store_scatter(ccol, [pos], col16, mask=m)
                plsc.store_scatter(crow, [pos], row16 - lo_v, mask=m)
                plsc.store_scatter(cew, [pos], ew16, mask=m)
                return n + pc[LANES - 1]

            return lax.fori_loop(0, SSTG // LANES, scan_group, n0)

        n = lax.fori_loop(0, NSTG, scan_stage, jnp.int32(0))

        zero16i = jnp.zeros((LANES,), jnp.int32)
        for t in range(C // LANES):
            sl = pl.ds(n + t * LANES, LANES)
            ccol[sl] = zero16i
            crow[sl] = zero16i
            cew[sl] = zero16

        def group_body(k, g, carry):
            base = k * C + g * LANES
            wvec = cew[pl.ds(base, LANES)]
            ewb[pl.ds(g * LANES, LANES)] = wvec
            rowb[pl.ds(g * LANES, LANES)] = crow[pl.ds(base, LANES)]
            for i in range(LANES):
                e = g * LANES + i
                wv = lax.broadcast(wvec[i], (LANES,))
                for j in range(D // LANES):
                    sl = pl.ds(j * LANES, LANES)
                    gbuf[e, sl] = gbuf[e, sl] * wv
            return carry

        def chunk_body(k, carry):
            pltpu.async_copy(feats_hbm.at[ccol.at[pl.ds(k * C, C)]],
                             gbuf, sem).wait()
            lax.fori_loop(0, C // LANES, functools.partial(group_body, k), 0)
            pltpu.sync_copy(gbuf, acc.at[rowb], add=True)
            pltpu.sync_copy(ewb, dacc.at[rowb], add=True)
            return carry

        nch = (n + C - 1) // C
        lax.fori_loop(0, nch, chunk_body, 0)

        plsc.subcore_barrier()

        r0 = sid * RPT
        pltpu.sync_copy(acc.at[pl.ds(r0, RPT)],
                        out_hbm.at[pl.ds(lo + r0, RPT)])
        pltpu.sync_copy(dacc.at[pl.ds(r0, RPT)],
                        deg_hbm.at[pl.ds(lo + r0, RPT)])

    return body(feats, col1, row1, ew1)


def _tc_body(pa_ref, dp_ref, f_ref, w_ref, b_ref, o_ref):
    x = pa_ref[...]
    deg = dp_ref[...]
    h = x / deg
    y = lax.dot_general(h, w_ref[...], (((1,), (1,)), ((), ())),
                        preferred_element_type=jnp.float32)
    o_ref[...] = f_ref[...] + jnp.maximum(y + b_ref[...], 0.0)


def _tc_post(part, degp, feats, W, b2):
    return pl.pallas_call(
        _tc_body,
        grid=(NPAD // BR,),
        in_specs=[
            pl.BlockSpec((BR, D), lambda i: (i, 0)),
            pl.BlockSpec((BR, 1), lambda i: (i, 0)),
            pl.BlockSpec((BR, D), lambda i: (i, 0)),
            pl.BlockSpec((D, D), lambda i: (0, 0)),
            pl.BlockSpec((1, D), lambda i: (0, 0)),
        ],
        out_specs=pl.BlockSpec((BR, D), lambda i: (i, 0)),
        out_shape=jax.ShapeDtypeStruct((N, D), jnp.float32),
    )(part, degp, feats, W, b2)


@jax.jit
def kernel(feats, edge_index, edge_weight, W, b):
    part, degp = _sc_agg(feats, edge_index[1], edge_index[0], edge_weight)
    return _tc_post(part, degp.reshape(NPAD, 1), feats, W, b.reshape(1, D))

# --- scband reference (transcript-rebuilt; emitter-appended) ---
"""Pipeline reference for scband-graph-convolution1-25357486915828 (READ-ONLY COPY).

The authoritative reference and input builder live on the scoring server;
editing this copy changes nothing except your own understanding.
"""

import jax, jax.numpy as jnp
import numpy as np

N = 10000
E = 320000
D = 128

def setup_inputs(seed: int = 0) -> dict:
    key = jax.random.key(seed)
    k1, k2, k3, k4 = jax.random.split(key, 4)
    feats = jax.random.normal(k1, (N, D), dtype=jnp.float32)
    edge_index = jax.random.randint(k2, (2, E), 0, N, dtype=jnp.int32)
    edge_weight = jax.random.uniform(k3, (E,), dtype=jnp.float32)
    # nn.Linear(input_dim, output_dim) params with xavier_uniform_ weight, default bias
    limit = float(np.sqrt(6.0 / (D + D)))
    W = jax.random.uniform(k4, (D, D), minval=-limit, maxval=limit, dtype=jnp.float32)
    b = jnp.zeros((D,), dtype=jnp.float32)
    return {"feats": feats, "edge_index": edge_index, "edge_weight": edge_weight, "W": W, "b": b}

def reference(feats, edge_index, edge_weight, W, b):
    # adj is sparse COO [N, N] with rows=edge_index[0], cols=edge_index[1], vals=edge_weight
    row = edge_index[0]
    col = edge_index[1]
    # torch.sparse.mm(adj, feats): gather source features, scatter-add to destination rows
    gathered = feats[col] * edge_weight[:, None]
    to_feats = jax.ops.segment_sum(gathered, row, num_segments=N)
    # torch.sparse.sum(adj, dim=1).to_dense().reshape(-1, 1)
    degree = jax.ops.segment_sum(edge_weight, row, num_segments=N).reshape(-1, 1)
    to_feats = to_feats / degree
    # self.linear (featureless=False)
    to_feats = to_feats @ W.T + b
    # act_func = relu
    to_feats = jax.nn.relu(to_feats)
    # residual, input_dim == output_dim -> plain add
    to_feats = feats + to_feats
    return to_feats

if __name__ == "__main__":
    import jax
    _d = setup_inputs()
    print(jax.jit(kernel)(*tuple(_d.values())))

</pallas_src>

<mosaic_0001>
#map = affine_map<(d0, d1) -> (0, 0)>
#map1 = affine_map<(d0, d1) -> (0)>
module attributes {stable_mosaic.version = 14 : i64} {
  func.func @body(%arg0: i32, %arg1: i32, %arg2: memref<10000x128xf32, #tpu.memory_space<hbm>>, %arg3: memref<320000xi32, #tpu.memory_space<hbm>>, %arg4: memref<320000xi32, #tpu.memory_space<hbm>>, %arg5: memref<320000xf32, #tpu.memory_space<hbm>>, %arg6: memref<10240x128xf32, #tpu.memory_space<hbm>>, %arg7: memref<10240xf32, #tpu.memory_space<hbm>>, %arg8: memref<2000xi32, #tpu.memory_space<vmem>>, %arg9: memref<2000xi32, #tpu.memory_space<vmem>>, %arg10: memref<2000xf32, #tpu.memory_space<vmem>>, %arg11: memref<20480xi32, #tpu.memory_space<vmem>>, %arg12: memref<20480xi32, #tpu.memory_space<vmem>>, %arg13: memref<20480xf32, #tpu.memory_space<vmem>>, %arg14: memref<128x128xf32, #tpu.memory_space<vmem>>, %arg15: memref<128xi32, #tpu.memory_space<vmem>>, %arg16: memref<128xf32, #tpu.memory_space<vmem>>, %arg17: memref<320xf32, #tpu.memory_space<vmem>>, %arg18: memref<5120x128xf32, #tpu.memory_space<vmem_shared>>, %arg19: memref<5120xf32, #tpu.memory_space<vmem_shared>>, %arg20: memref<!tpu.dma_semaphore, #tpu.memory_space<semaphore_mem>>) attributes {dimension_semantics = [#tpu.dimension_semantics<core_parallel>, #tpu.dimension_semantics<subcore_parallel>], iteration_bounds = array<i64: 2, 16>, scalar_prefetch = 0 : i64, scratch_operands = 13 : i64, tpu.core_type = #tpu.core_type<sc_vector_subcore>, window_params = [{transform_indices = #map}, {transform_indices = #map1}, {transform_indices = #map1}, {transform_indices = #map1}, {transform_indices = #map}, {transform_indices = #map1}]} {
    %mul3A = arith.constant 5120 : i32
    %mul3A_0 = arith.muli %arg0, %mul3A : i32
    %broadcast_in_dim3A = vector.broadcast %mul3A_0 : i32 to vector<16xi32>
    %add3A = arith.constant 5120 : i32
    %add3A_1 = vector.broadcast %add3A : i32 to vector<16xi32>
    %add3A_2 = arith.addi %broadcast_in_dim3A, %add3A_1 : vector<16xi32>
    %broadcast_in_dim3A_3 = arith.constant 0.000000e+00 : f32
    %broadcast_in_dim3A_4 = vector.broadcast %broadcast_in_dim3A_3 : f32 to vector<16xf32>
    %scan3A = arith.constant 0 : i32
    %scan3A_5 = arith.constant 0 : i32
    %scan3A_6 = arith.constant 128 : i32
    %scan3A_7 = arith.addi %scan3A_5, %scan3A_6 : i32
    %scan3A_8 = arith.constant 1 : i32
    scf.for %scan3A_144 = %scan3A_5 to %scan3A_7 step %scan3A_8  : i32 {
      %swap3A_145 = arith.index_cast %scan3A_144 : i32 to index
      %swap3A_146 = arith.constant 0 : index
      %swap3A_147 = tpu.vector_load %arg14[%swap3A_145, %swap3A_146] {strides = array<i32>} : memref<128x128xf32, #tpu.memory_space<vmem>>, vector<16xf32>,
      tpu.vector_store %arg14[%swap3A_145, %swap3A_146], %broadcast_in_dim3A_4 {strides = array<i32>} : memref<128x128xf32, #tpu.memory_space<vmem>>, vector<16xf32>,
      %swap3A_148 = arith.index_cast %scan3A_144 : i32 to index
      %swap3A_149 = arith.constant 16 : index
      %swap3A_150 = tpu.vector_load %arg14[%swap3A_148, %swap3A_149] {strides = array<i32>} : memref<128x128xf32, #tpu.memory_space<vmem>>, vector<16xf32>,
      tpu.vector_store %arg14[%swap3A_148, %swap3A_149], %broadcast_in_dim3A_4 {strides = array<i32>} : memref<128x128xf32, #tpu.memory_space<vmem>>, vector<16xf32>,
      %swap3A_151 = arith.index_cast %scan3A_144 : i32 to index
      %swap3A_152 = arith.constant 32 : index
      %swap3A_153 = tpu.vector_load %arg14[%swap3A_151, %swap3A_152] {strides = array<i32>} : memref<128x128xf32, #tpu.memory_space<vmem>>, vector<16xf32>,
      tpu.vector_store %arg14[%swap3A_151, %swap3A_152], %broadcast_in_dim3A_4 {strides = array<i32>} : memref<128x128xf32, #tpu.memory_space<vmem>>, vector<16xf32>,
      %swap3A_154 = arith.index_cast %scan3A_144 : i32 to index
      %swap3A_155 = arith.constant 48 : index
      %swap3A_156 = tpu.vector_load %arg14[%swap3A_154, %swap3A_155] {strides = array<i32>} : memref<128x128xf32, #tpu.memory_space<vmem>>, vector<16xf32>,
      tpu.vector_store %arg14[%swap3A_154, %swap3A_155], %broadcast_in_dim3A_4 {strides = array<i32>} : memref<128x128xf32, #tpu.memory_space<vmem>>, vector<16xf32>,
      %swap3A_157 = arith.index_cast %scan3A_144 : i32 to index
      %swap3A_158 = arith.constant 64 : index
      %swap3A_159 = tpu.vector_load %arg14[%swap3A_157, %swap3A_158] {strides = array<i32>} : memref<128x128xf32, #tpu.memory_space<vmem>>, vector<16xf32>,
      tpu.vector_store %arg14[%swap3A_157, %swap3A_158], %broadcast_in_dim3A_4 {strides = array<i32>} : memref<128x128xf32, #tpu.memory_space<vmem>>, vector<16xf32>,
      %swap3A_160 = arith.index_cast %scan3A_144 : i32 to index
      %swap3A_161 = arith.constant 80 : index
      %swap3A_162 = tpu.vector_load %arg14[%swap3A_160, %swap3A_161] {strides = array<i32>} : memref<128x128xf32, #tpu.memory_space<vmem>>, vector<16xf32>,
      tpu.vector_store %arg14[%swap3A_160, %swap3A_161], %broadcast_in_dim3A_4 {strides = array<i32>} : memref<128x128xf32, #tpu.memory_space<vmem>>, vector<16xf32>,
      %swap3A_163 = arith.index_cast %scan3A_144 : i32 to index
      %swap3A_164 = arith.constant 96 : index
      %swap3A_165 = tpu.vector_load %arg14[%swap3A_163, %swap3A_164] {strides = array<i32>} : memref<128x128xf32, #tpu.memory_space<vmem>>, vector<16xf32>,
      tpu.vector_store %arg14[%swap3A_163, %swap3A_164], %broadcast_in_dim3A_4 {strides = array<i32>} : memref<128x128xf32, #tpu.memory_space<vmem>>, vector<16xf32>,
      %swap3A_166 = arith.index_cast %scan3A_144 : i32 to index
      %swap3A_167 = arith.constant 112 : index
      %swap3A_168 = tpu.vector_load %arg14[%swap3A_166, %swap3A_167] {strides = array<i32>} : memref<128x128xf32, #tpu.memory_space<vmem>>, vector<16xf32>,
      tpu.vector_store %arg14[%swap3A_166, %swap3A_167], %broadcast_in_dim3A_4 {strides = array<i32>} : memref<128x128xf32, #tpu.memory_space<vmem>>, vector<16xf32>,
    }
    %scan3A_9 = arith.constant 128 : i32
    %scan3A_10 = arith.constant 0 : i32
    %scan3A_11 = arith.constant 0 : i32
    %scan3A_12 = arith.constant 20 : i32
    %scan3A_13 = arith.addi %scan3A_11, %scan3A_12 : i32
    %scan3A_14 = arith.constant 1 : i32
    scf.for %scan3A_144 = %scan3A_11 to %scan3A_13 step %scan3A_14  : i32 {
      %mul3A_145 = arith.constant 16 : i32
      %mul3A_146 = arith.muli %scan3A_144, %mul3A_145 : i32
      %swap3A_147 = arith.index_cast %mul3A_146 : i32 to index
      %swap3A_148 = tpu.vector_load %arg17[%swap3A_147] {strides = array<i32>} : memref<320xf32, #tpu.memory_space<vmem>>, vector<16xf32>,
      tpu.vector_store %arg17[%swap3A_147], %broadcast_in_dim3A_4 {strides = array<i32>} : memref<320xf32, #tpu.memory_space<vmem>>, vector<16xf32>,
    }
    %scan3A_15 = arith.constant 20 : i32
    %mul3A_16 = arith.constant 320 : i32
    %mul3A_17 = arith.muli %arg1, %mul3A_16 : i32
    %add3A_18 = arith.constant 0 : i32
    %add3A_19 = arith.addi %mul3A_17, %add3A_18 : i32
    "tpu.region"() ({
      %run_scoped3A = tpu.sem_alloc : memref<!tpu.dma_semaphore, #tpu.memory_space<semaphore_mem>>
      %dma_start3A = arith.constant 0 : i32
      %dma_start3A_144 = arith.constant 0 : i32
      %dma_start3A_145 = tpu.memref_slice %arg14[%dma_start3A, %dma_start3A_144] : memref<128x128xf32, #tpu.memory_space<vmem>> -> memref<64x128xf32, #tpu.memory_space<vmem>>
      %dma_start3A_146 = arith.constant 0 : i32
      %dma_start3A_147 = tpu.memref_slice %arg18[%add3A_19, %dma_start3A_146] : memref<5120x128xf32, #tpu.memory_space<vmem_shared>> -> memref<64x128xf32, #tpu.memory_space<vmem_shared>>
      %dma_start3A_148 = arith.constant 0 : i32
      %dma_start3A_149 = tpu.memref_slice %arg18[%add3A_19, %dma_start3A_148] : memref<5120x128xf32, #tpu.memory_space<vmem_shared>> -> memref<64x128xf32, #tpu.memory_space<vmem_shared>>
      %dma_start3A_150 = arith.constant 0 : i32
      %dma_start3A_151 = arith.constant 0 : i32
      %dma_start3A_152 = tpu.memref_slice %arg14[%dma_start3A_150, %dma_start3A_151] : memref<128x128xf32, #tpu.memory_space<vmem>> -> memref<64x128xf32, #tpu.memory_space<vmem>>
      tpu.enqueue_dma source(%dma_start3A_152 : memref<64x128xf32, #tpu.memory_space<vmem>>) target(%dma_start3A_149 : memref<64x128xf32, #tpu.memory_space<vmem_shared>>) target_semaphore(%run_scoped3A : memref<!tpu.dma_semaphore, #tpu.memory_space<semaphore_mem>>)
      %dma_wait3A = arith.constant 0 : i32
      %dma_wait3A_153 = arith.constant 0 : i32
      %dma_wait3A_154 = tpu.memref_slice %arg14[%dma_wait3A, %dma_wait3A_153] : memref<128x128xf32, #tpu.memory_space<vmem>> -> memref<64x128xf32, #tpu.memory_space<vmem>>
      %dma_wait3A_155 = arith.constant 0 : i32
      %dma_wait3A_156 = tpu.memref_slice %arg18[%add3A_19, %dma_wait3A_155] : memref<5120x128xf32, #tpu.memory_space<vmem_shared>> -> memref<64x128xf32, #tpu.memory_space<vmem_shared>>
      %dma_wait3A_157 = arith.constant 0 : i32
      %dma_wait3A_158 = tpu.memref_slice %arg18[%add3A_19, %dma_wait3A_157] : memref<5120x128xf32, #tpu.memory_space<vmem_shared>> -> memref<64x128xf32, #tpu.memory_space<vmem_shared>>
      %dma_wait3A_159 = arith.constant 0 : i32
      %dma_wait3A_160 = arith.constant 0 : i32
      %dma_wait3A_161 = tpu.memref_slice %arg14[%dma_wait3A_159, %dma_wait3A_160] : memref<128x128xf32, #tpu.memory_space<vmem>> -> memref<64x128xf32, #tpu.memory_space<vmem>>
      tpu.wait_dma2 semaphore(%run_scoped3A : memref<!tpu.dma_semaphore, #tpu.memory_space<semaphore_mem>>) src(%dma_wait3A_161 : memref<64x128xf32, #tpu.memory_space<vmem>>) dst(%dma_wait3A_158 : memref<64x128xf32, #tpu.memory_space<vmem_shared>>)
      tpu.yield
    }) : () -> ()
    %mul3A_20 = arith.constant 320 : i32
    %mul3A_21 = arith.muli %arg1, %mul3A_20 : i32
    %add3A_22 = arith.constant 64 : i32
    %add3A_23 = arith.addi %mul3A_21, %add3A_22 : i32
    "tpu.region"() ({
      %run_scoped3A = tpu.sem_alloc : memref<!tpu.dma_semaphore, #tpu.memory_space<semaphore_mem>>
      %dma_start3A = arith.constant 0 : i32
      %dma_start3A_144 = arith.constant 0 : i32
      %dma_start3A_145 = tpu.memref_slice %arg14[%dma_start3A, %dma_start3A_144] : memref<128x128xf32, #tpu.memory_space<vmem>> -> memref<64x128xf32, #tpu.memory_space<vmem>>
      %dma_start3A_146 = arith.constant 0 : i32
      %dma_start3A_147 = tpu.memref_slice %arg18[%add3A_23, %dma_start3A_146] : memref<5120x128xf32, #tpu.memory_space<vmem_shared>> -> memref<64x128xf32, #tpu.memory_space<vmem_shared>>
      %dma_start3A_148 = arith.constant 0 : i32
      %dma_start3A_149 = tpu.memref_slice %arg18[%add3A_23, %dma_start3A_148] : memref<5120x128xf32, #tpu.memory_space<vmem_shared>> -> memref<64x128xf32, #tpu.memory_space<vmem_shared>>
      %dma_start3A_150 = arith.constant 0 : i32
      %dma_start3A_151 = arith.constant 0 : i32
      %dma_start3A_152 = tpu.memref_slice %arg14[%dma_start3A_150, %dma_start3A_151] : memref<128x128xf32, #tpu.memory_space<vmem>> -> memref<64x128xf32, #tpu.memory_space<vmem>>
      tpu.enqueue_dma source(%dma_start3A_152 : memref<64x128xf32, #tpu.memory_space<vmem>>) target(%dma_start3A_149 : memref<64x128xf32, #tpu.memory_space<vmem_shared>>) target_semaphore(%run_scoped3A : memref<!tpu.dma_semaphore, #tpu.memory_space<semaphore_mem>>)
      %dma_wait3A = arith.constant 0 : i32
      %dma_wait3A_153 = arith.constant 0 : i32
      %dma_wait3A_154 = tpu.memref_slice %arg14[%dma_wait3A, %dma_wait3A_153] : memref<128x128xf32, #tpu.memory_space<vmem>> -> memref<64x128xf32, #tpu.memory_space<vmem>>
      %dma_wait3A_155 = arith.constant 0 : i32
      %dma_wait3A_156 = tpu.memref_slice %arg18[%add3A_23, %dma_wait3A_155] : memref<5120x128xf32, #tpu.memory_space<vmem_shared>> -> memref<64x128xf32, #tpu.memory_space<vmem_shared>>
      %dma_wait3A_157 = arith.constant 0 : i32
      %dma_wait3A_158 = tpu.memref_slice %arg18[%add3A_23, %dma_wait3A_157] : memref<5120x128xf32, #tpu.memory_space<vmem_shared>> -> memref<64x128xf32, #tpu.memory_space<vmem_shared>>
      %dma_wait3A_159 = arith.constant 0 : i32
      %dma_wait3A_160 = arith.constant 0 : i32
      %dma_wait3A_161 = tpu.memref_slice %arg14[%dma_wait3A_159, %dma_wait3A_160] : memref<128x128xf32, #tpu.memory_space<vmem>> -> memref<64x128xf32, #tpu.memory_space<vmem>>
      tpu.wait_dma2 semaphore(%run_scoped3A : memref<!tpu.dma_semaphore, #tpu.memory_space<semaphore_mem>>) src(%dma_wait3A_161 : memref<64x128xf32, #tpu.memory_space<vmem>>) dst(%dma_wait3A_158 : memref<64x128xf32, #tpu.memory_space<vmem_shared>>)
      tpu.yield
    }) : () -> ()
    %mul3A_24 = arith.constant 320 : i32
    %mul3A_25 = arith.muli %arg1, %mul3A_24 : i32
    %add3A_26 = arith.constant 128 : i32
    %add3A_27 = arith.addi %mul3A_25, %add3A_26 : i32
    "tpu.region"() ({
      %run_scoped3A = tpu.sem_alloc : memref<!tpu.dma_semaphore, #tpu.memory_space<semaphore_mem>>
      %dma_start3A = arith.constant 0 : i32
      %dma_start3A_144 = arith.constant 0 : i32
      %dma_start3A_145 = tpu.memref_slice %arg14[%dma_start3A, %dma_start3A_144] : memref<128x128xf32, #tpu.memory_space<vmem>> -> memref<64x128xf32, #tpu.memory_space<vmem>>
      %dma_start3A_146 = arith.constant 0 : i32
      %dma_start3A_147 = tpu.memref_slice %arg18[%add3A_27, %dma_start3A_146] : memref<5120x128xf32, #tpu.memory_space<vmem_shared>> -> memref<64x128xf32, #tpu.memory_space<vmem_shared>>
      %dma_start3A_148 = arith.constant 0 : i32
      %dma_start3A_149 = tpu.memref_slice %arg18[%add3A_27, %dma_start3A_148] : memref<5120x128xf32, #tpu.memory_space<vmem_shared>> -> memref<64x128xf32, #tpu.memory_space<vmem_shared>>
      %dma_start3A_150 = arith.constant 0 : i32
      %dma_start3A_151 = arith.constant 0 : i32
      %dma_start3A_152 = tpu.memref_slice %arg14[%dma_start3A_150, %dma_start3A_151] : memref<128x128xf32, #tpu.memory_space<vmem>> -> memref<64x128xf32, #tpu.memory_space<vmem>>
      tpu.enqueue_dma source(%dma_start3A_152 : memref<64x128xf32, #tpu.memory_space<vmem>>) target(%dma_start3A_149 : memref<64x128xf32, #tpu.memory_space<vmem_shared>>) target_semaphore(%run_scoped3A : memref<!tpu.dma_semaphore, #tpu.memory_space<semaphore_mem>>)
      %dma_wait3A = arith.constant 0 : i32
      %dma_wait3A_153 = arith.constant 0 : i32
      %dma_wait3A_154 = tpu.memref_slice %arg14[%dma_wait3A, %dma_wait3A_153] : memref<128x128xf32, #tpu.memory_space<vmem>> -> memref<64x128xf32, #tpu.memory_space<vmem>>
      %dma_wait3A_155 = arith.constant 0 : i32
      %dma_wait3A_156 = tpu.memref_slice %arg18[%add3A_27, %dma_wait3A_155] : memref<5120x128xf32, #tpu.memory_space<vmem_shared>> -> memref<64x128xf32, #tpu.memory_space<vmem_shared>>
      %dma_wait3A_157 = arith.constant 0 : i32
      %dma_wait3A_158 = tpu.memref_slice %arg18[%add3A_27, %dma_wait3A_157] : memref<5120x128xf32, #tpu.memory_space<vmem_shared>> -> memref<64x128xf32, #tpu.memory_space<vmem_shared>>
      %dma_wait3A_159 = arith.constant 0 : i32
      %dma_wait3A_160 = arith.constant 0 : i32
      %dma_wait3A_161 = tpu.memref_slice %arg14[%dma_wait3A_159, %dma_wait3A_160] : memref<128x128xf32, #tpu.memory_space<vmem>> -> memref<64x128xf32, #tpu.memory_space<vmem>>
      tpu.wait_dma2 semaphore(%run_scoped3A : memref<!tpu.dma_semaphore, #tpu.memory_space<semaphore_mem>>) src(%dma_wait3A_161 : memref<64x128xf32, #tpu.memory_space<vmem>>) dst(%dma_wait3A_158 : memref<64x128xf32, #tpu.memory_space<vmem_shared>>)
      tpu.yield
    }) : () -> ()
    %mul3A_28 = arith.constant 320 : i32
    %mul3A_29 = arith.muli %arg1, %mul3A_28 : i32
    %add3A_30 = arith.constant 192 : i32
    %add3A_31 = arith.addi %mul3A_29, %add3A_30 : i32
    "tpu.region"() ({
      %run_scoped3A = tpu.sem_alloc : memref<!tpu.dma_semaphore, #tpu.memory_space<semaphore_mem>>
      %dma_start3A = arith.constant 0 : i32
      %dma_start3A_144 = arith.constant 0 : i32
      %dma_start3A_145 = tpu.memref_slice %arg14[%dma_start3A, %dma_start3A_144] : memref<128x128xf32, #tpu.memory_space<vmem>> -> memref<64x128xf32, #tpu.memory_space<vmem>>
      %dma_start3A_146 = arith.constant 0 : i32
      %dma_start3A_147 = tpu.memref_slice %arg18[%add3A_31, %dma_start3A_146] : memref<5120x128xf32, #tpu.memory_space<vmem_shared>> -> memref<64x128xf32, #tpu.memory_space<vmem_shared>>
      %dma_start3A_148 = arith.constant 0 : i32
      %dma_start3A_149 = tpu.memref_slice %arg18[%add3A_31, %dma_start3A_148] : memref<5120x128xf32, #tpu.memory_space<vmem_shared>> -> memref<64x128xf32, #tpu.memory_space<vmem_shared>>
      %dma_start3A_150 = arith.constant 0 : i32
      %dma_start3A_151 = arith.constant 0 : i32
      %dma_start3A_152 = tpu.memref_slice %arg14[%dma_start3A_150, %dma_start3A_151] : memref<128x128xf32, #tpu.memory_space<vmem>> -> memref<64x128xf32, #tpu.memory_space<vmem>>
      tpu.enqueue_dma source(%dma_start3A_152 : memref<64x128xf32, #tpu.memory_space<vmem>>) target(%dma_start3A_149 : memref<64x128xf32, #tpu.memory_space<vmem_shared>>) target_semaphore(%run_scoped3A : memref<!tpu.dma_semaphore, #tpu.memory_space<semaphore_mem>>)
      %dma_wait3A = arith.constant 0 : i32
      %dma_wait3A_153 = arith.constant 0 : i32
      %dma_wait3A_154 = tpu.memref_slice %arg14[%dma_wait3A, %dma_wait3A_153] : memref<128x128xf32, #tpu.memory_space<vmem>> -> memref<64x128xf32, #tpu.memory_space<vmem>>
      %dma_wait3A_155 = arith.constant 0 : i32
      %dma_wait3A_156 = tpu.memref_slice %arg18[%add3A_31, %dma_wait3A_155] : memref<5120x128xf32, #tpu.memory_space<vmem_shared>> -> memref<64x128xf32, #tpu.memory_space<vmem_shared>>
      %dma_wait3A_157 = arith.constant 0 : i32
      %dma_wait3A_158 = tpu.memref_slice %arg18[%add3A_31, %dma_wait3A_157] : memref<5120x128xf32, #tpu.memory_space<vmem_shared>> -> memref<64x128xf32, #tpu.memory_space<vmem_shared>>
      %dma_wait3A_159 = arith.constant 0 : i32
      %dma_wait3A_160 = arith.constant 0 : i32
      %dma_wait3A_161 = tpu.memref_slice %arg14[%dma_wait3A_159, %dma_wait3A_160] : memref<128x128xf32, #tpu.memory_space<vmem>> -> memref<64x128xf32, #tpu.memory_space<vmem>>
      tpu.wait_dma2 semaphore(%run_scoped3A : memref<!tpu.dma_semaphore, #tpu.memory_space<semaphore_mem>>) src(%dma_wait3A_161 : memref<64x128xf32, #tpu.memory_space<vmem>>) dst(%dma_wait3A_158 : memref<64x128xf32, #tpu.memory_space<vmem_shared>>)
      tpu.yield
    }) : () -> ()
    %mul3A_32 = arith.constant 320 : i32
    %mul3A_33 = arith.muli %arg1, %mul3A_32 : i32
    %add3A_34 = arith.constant 256 : i32
    %add3A_35 = arith.addi %mul3A_33, %add3A_34 : i32
    "tpu.region"() ({
      %run_scoped3A = tpu.sem_alloc : memref<!tpu.dma_semaphore, #tpu.memory_space<semaphore_mem>>
      %dma_start3A = arith.constant 0 : i32
      %dma_start3A_144 = arith.constant 0 : i32
      %dma_start3A_145 = tpu.memref_slice %arg14[%dma_start3A, %dma_start3A_144] : memref<128x128xf32, #tpu.memory_space<vmem>> -> memref<64x128xf32, #tpu.memory_space<vmem>>
      %dma_start3A_146 = arith.constant 0 : i32
      %dma_start3A_147 = tpu.memref_slice %arg18[%add3A_35, %dma_start3A_146] : memref<5120x128xf32, #tpu.memory_space<vmem_shared>> -> memref<64x128xf32, #tpu.memory_space<vmem_shared>>
      %dma_start3A_148 = arith.constant 0 : i32
      %dma_start3A_149 = tpu.memref_slice %arg18[%add3A_35, %dma_start3A_148] : memref<5120x128xf32, #tpu.memory_space<vmem_shared>> -> memref<64x128xf32, #tpu.memory_space<vmem_shared>>
      %dma_start3A_150 = arith.constant 0 : i32
      %dma_start3A_151 = arith.constant 0 : i32
      %dma_start3A_152 = tpu.memref_slice %arg14[%dma_start3A_150, %dma_start3A_151] : memref<128x128xf32, #tpu.memory_space<vmem>> -> memref<64x128xf32, #tpu.memory_space<vmem>>
      tpu.enqueue_dma source(%dma_start3A_152 : memref<64x128xf32, #tpu.memory_space<vmem>>) target(%dma_start3A_149 : memref<64x128xf32, #tpu.memory_space<vmem_shared>>) target_semaphore(%run_scoped3A : memref<!tpu.dma_semaphore, #tpu.memory_space<semaphore_mem>>)
      %dma_wait3A = arith.constant 0 : i32
      %dma_wait3A_153 = arith.constant 0 : i32
      %dma_wait3A_154 = tpu.memref_slice %arg14[%dma_wait3A, %dma_wait3A_153] : memref<128x128xf32, #tpu.memory_space<vmem>> -> memref<64x128xf32, #tpu.memory_space<vmem>>
      %dma_wait3A_155 = arith.constant 0 : i32
      %dma_wait3A_156 = tpu.memref_slice %arg18[%add3A_35, %dma_wait3A_155] : memref<5120x128xf32, #tpu.memory_space<vmem_shared>> -> memref<64x128xf32, #tpu.memory_space<vmem_shared>>
      %dma_wait3A_157 = arith.constant 0 : i32
      %dma_wait3A_158 = tpu.memref_slice %arg18[%add3A_35, %dma_wait3A_157] : memref<5120x128xf32, #tpu.memory_space<vmem_shared>> -> memref<64x128xf32, #tpu.memory_space<vmem_shared>>
      %dma_wait3A_159 = arith.constant 0 : i32
      %dma_wait3A_160 = arith.constant 0 : i32
      %dma_wait3A_161 = tpu.memref_slice %arg14[%dma_wait3A_159, %dma_wait3A_160] : memref<128x128xf32, #tpu.memory_space<vmem>> -> memref<64x128xf32, #tpu.memory_space<vmem>>
      tpu.wait_dma2 semaphore(%run_scoped3A : memref<!tpu.dma_semaphore, #tpu.memory_space<semaphore_mem>>) src(%dma_wait3A_161 : memref<64x128xf32, #tpu.memory_space<vmem>>) dst(%dma_wait3A_158 : memref<64x128xf32, #tpu.memory_space<vmem_shared>>)
      tpu.yield
    }) : () -> ()
    %mul3A_36 = arith.constant 320 : i32
    %mul3A_37 = arith.muli %arg1, %mul3A_36 : i32
    "tpu.region"() ({
      %run_scoped3A = tpu.sem_alloc : memref<!tpu.dma_semaphore, #tpu.memory_space<semaphore_mem>>
      %dma_start3A = tpu.memref_slice %arg19[%mul3A_37] : memref<5120xf32, #tpu.memory_space<vmem_shared>> -> memref<320xf32, #tpu.memory_space<vmem_shared>>
      %dma_start3A_144 = tpu.memref_slice %arg19[%mul3A_37] : memref<5120xf32, #tpu.memory_space<vmem_shared>> -> memref<320xf32, #tpu.memory_space<vmem_shared>>
      tpu.enqueue_dma source(%arg17 : memref<320xf32, #tpu.memory_space<vmem>>) target(%dma_start3A_144 : memref<320xf32, #tpu.memory_space<vmem_shared>>) target_semaphore(%run_scoped3A : memref<!tpu.dma_semaphore, #tpu.memory_space<semaphore_mem>>)
      %dma_wait3A = tpu.memref_slice %arg19[%mul3A_37] : memref<5120xf32, #tpu.memory_space<vmem_shared>> -> memref<320xf32, #tpu.memory_space<vmem_shared>>
      %dma_wait3A_145 = tpu.memref_slice %arg19[%mul3A_37] : memref<5120xf32, #tpu.memory_space<vmem_shared>> -> memref<320xf32, #tpu.memory_space<vmem_shared>>
      tpu.wait_dma2 semaphore(%run_scoped3A : memref<!tpu.dma_semaphore, #tpu.memory_space<semaphore_mem>>) src(%arg17 : memref<320xf32, #tpu.memory_space<vmem>>) dst(%dma_wait3A_145 : memref<320xf32, #tpu.memory_space<vmem_shared>>)
      tpu.yield
    }) : () -> ()
    %barrier3A = arith.constant 0 : index
    tpu.barrier barrier_id(%barrier3A)
    %scan3A_38 = arith.constant 0 : i32
    %scan3A_39 = arith.constant 0 : i32
    %scan3A_40 = arith.constant 10 : i32
    %scan3A_41 = arith.addi %scan3A_39, %scan3A_40 : i32
    %scan3A_42 = arith.constant 1 : i32
    %scan3A_43 = scf.for %scan3A_144 = %scan3A_39 to %scan3A_41 step %scan3A_42 iter_args(%scan3A_145 = %scan3A_38) -> (i32)  : i32 {
      %mul3A_146 = arith.constant 20000 : i32
      %mul3A_147 = arith.muli %arg1, %mul3A_146 : i32
      %mul3A_148 = arith.constant 2000 : i32
      %mul3A_149 = arith.muli %scan3A_144, %mul3A_148 : i32
      %add3A_150 = arith.addi %mul3A_147, %mul3A_149 : i32
      "tpu.region"() ({
        %run_scoped3A = tpu.sem_alloc : memref<!tpu.dma_semaphore, #tpu.memory_space<semaphore_mem>>
        %dma_start3A = tpu.memref_slice %arg3[%add3A_150] : memref<320000xi32, #tpu.memory_space<hbm>> -> memref<2000xi32, #tpu.memory_space<hbm>>
        %dma_start3A_157 = tpu.memref_slice %arg3[%add3A_150] : memref<320000xi32, #tpu.memory_space<hbm>> -> memref<2000xi32, #tpu.memory_space<hbm>>
        tpu.enqueue_dma source(%dma_start3A_157 : memref<2000xi32, #tpu.memory_space<hbm>>) target(%arg8 : memref<2000xi32, #tpu.memory_space<vmem>>) target_semaphore(%run_scoped3A : memref<!tpu.dma_semaphore, #tpu.memory_space<semaphore_mem>>)
        %dma_wait3A = tpu.memref_slice %arg3[%add3A_150] : memref<320000xi32, #tpu.memory_space<hbm>> -> memref<2000xi32, #tpu.memory_space<hbm>>
        %dma_wait3A_158 = tpu.memref_slice %arg3[%add3A_150] : memref<320000xi32, #tpu.memory_space<hbm>> -> memref<2000xi32, #tpu.memory_space<hbm>>
        tpu.wait_dma2 semaphore(%run_scoped3A : memref<!tpu.dma_semaphore, #tpu.memory_space<semaphore_mem>>) src(%dma_wait3A_158 : memref<2000xi32, #tpu.memory_space<hbm>>) dst(%arg8 : memref<2000xi32, #tpu.memory_space<vmem>>)
        tpu.yield
      }) : () -> ()
      "tpu.region"() ({
        %run_scoped3A = tpu.sem_alloc : memref<!tpu.dma_semaphore, #tpu.memory_space<semaphore_mem>>
        %dma_start3A = tpu.memref_slice %arg4[%add3A_150] : memref<320000xi32, #tpu.memory_space<hbm>> -> memref<2000xi32, #tpu.memory_space<hbm>>
        %dma_start3A_157 = tpu.memref_slice %arg4[%add3A_150] : memref<320000xi32, #tpu.memory_space<hbm>> -> memref<2000xi32, #tpu.memory_space<hbm>>
        tpu.enqueue_dma source(%dma_start3A_157 : memref<2000xi32, #tpu.memory_space<hbm>>) target(%arg9 : memref<2000xi32, #tpu.memory_space<vmem>>) target_semaphore(%run_scoped3A : memref<!tpu.dma_semaphore, #tpu.memory_space<semaphore_mem>>)
        %dma_wait3A = tpu.memref_slice %arg4[%add3A_150] : memref<320000xi32, #tpu.memory_space<hbm>> -> memref<2000xi32, #tpu.memory_space<hbm>>
        %dma_wait3A_158 = tpu.memref_slice %arg4[%add3A_150] : memref<320000xi32, #tpu.memory_space<hbm>> -> memref<2000xi32, #tpu.memory_space<hbm>>
        tpu.wait_dma2 semaphore(%run_scoped3A : memref<!tpu.dma_semaphore, #tpu.memory_space<semaphore_mem>>) src(%dma_wait3A_158 : memref<2000xi32, #tpu.memory_space<hbm>>) dst(%arg9 : memref<2000xi32, #tpu.memory_space<vmem>>)
        tpu.yield
      }) : () -> ()
      "tpu.region"() ({
        %run_scoped3A = tpu.sem_alloc : memref<!tpu.dma_semaphore, #tpu.memory_space<semaphore_mem>>
        %dma_start3A = tpu.memref_slice %arg5[%add3A_150] : memref<320000xf32, #tpu.memory_space<hbm>> -> memref<2000xf32, #tpu.memory_space<hbm>>
        %dma_start3A_157 = tpu.memref_slice %arg5[%add3A_150] : memref<320000xf32, #tpu.memory_space<hbm>> -> memref<2000xf32, #tpu.memory_space<hbm>>
        tpu.enqueue_dma source(%dma_start3A_157 : memref<2000xf32, #tpu.memory_space<hbm>>) target(%arg10 : memref<2000xf32, #tpu.memory_space<vmem>>) target_semaphore(%run_scoped3A : memref<!tpu.dma_semaphore, #tpu.memory_space<semaphore_mem>>)
        %dma_wait3A = tpu.memref_slice %arg5[%add3A_150] : memref<320000xf32, #tpu.memory_space<hbm>> -> memref<2000xf32, #tpu.memory_space<hbm>>
        %dma_wait3A_158 = tpu.memref_slice %arg5[%add3A_150] : memref<320000xf32, #tpu.memory_space<hbm>> -> memref<2000xf32, #tpu.memory_space<hbm>>
        tpu.wait_dma2 semaphore(%run_scoped3A : memref<!tpu.dma_semaphore, #tpu.memory_space<semaphore_mem>>) src(%dma_wait3A_158 : memref<2000xf32, #tpu.memory_space<hbm>>) dst(%arg10 : memref<2000xf32, #tpu.memory_space<vmem>>)
        tpu.yield
      }) : () -> ()
      %scan3A_151 = arith.constant 0 : i32
      %scan3A_152 = arith.constant 125 : i32
      %scan3A_153 = arith.addi %scan3A_151, %scan3A_152 : i32
      %scan3A_154 = arith.constant 1 : i32
      %scan3A_155 = scf.for %scan3A_157 = %scan3A_151 to %scan3A_153 step %scan3A_154 iter_args(%scan3A_158 = %scan3A_145) -> (i32)  : i32 {
        %mul3A_159 = arith.constant 16 : i32
        %mul3A_160 = arith.muli %scan3A_157, %mul3A_159 : i32
        %get3A = arith.index_cast %mul3A_160 : i32 to index
        %get3A_161 = tpu.vector_load %arg8[%get3A] {strides = array<i32>} : memref<2000xi32, #tpu.memory_space<vmem>>, vector<16xi32>,
        %mul3A_162 = arith.constant 16 : i32
        %mul3A_163 = arith.muli %scan3A_157, %mul3A_162 : i32
        %get3A_164 = arith.index_cast %mul3A_163 : i32 to index
        %get3A_165 = tpu.vector_load %arg9[%get3A_164] {strides = array<i32>} : memref<2000xi32, #tpu.memory_space<vmem>>, vector<16xi32>,
        %mul3A_166 = arith.constant 16 : i32
        %mul3A_167 = arith.muli %scan3A_157, %mul3A_166 : i32
        %get3A_168 = arith.index_cast %mul3A_167 : i32 to index
        %get3A_169 = tpu.vector_load %arg10[%get3A_168] {strides = array<i32>} : memref<2000xf32, #tpu.memory_space<vmem>>, vector<16xf32>,
        %ge3A = arith.cmpi sge, %get3A_165, %broadcast_in_dim3A : vector<16xi32>
        %lt3A = arith.cmpi slt, %get3A_165, %add3A_2 : vector<16xi32>
        %and3A_170 = arith.andi %ge3A, %lt3A : vector<16xi1>
        %broadcast_in_dim3A_171 = arith.constant 1 : i32
        %broadcast_in_dim3A_172 = vector.broadcast %broadcast_in_dim3A_171 : i32 to vector<16xi32>
        %broadcast_in_dim3A_173 = arith.constant 0 : i32
        %broadcast_in_dim3A_174 = vector.broadcast %broadcast_in_dim3A_173 : i32 to vector<16xi32>
        %select_n3A_175 = arith.select %and3A_170, %broadcast_in_dim3A_172, %broadcast_in_dim3A_174 : vector<16xi1>, vector<16xi32>
        %broadcast_in_dim3A_176 = arith.constant true
        %broadcast_in_dim3A_177 = vector.broadcast %broadcast_in_dim3A_176 : i1 to vector<16xi1>
        %masked_cumsum3A = tpu.scan <sum>, %select_n3A_175 masked %broadcast_in_dim3A_177 : vector<16xi32>, vector<16xi1> -> vector<16xi32>
        %sub3A_178 = arith.constant 1 : i32
        %sub3A_179 = arith.subi %scan3A_158, %sub3A_178 : i32
        %broadcast_in_dim3A_180 = vector.broadcast %sub3A_179 : i32 to vector<16xi32>
        %add3A_181 = arith.addi %masked_cumsum3A, %broadcast_in_dim3A_180 : vector<16xi32>
        tpu.vector_store_idx %arg11[%add3A_181], %get3A_161 masked %and3A_170 : memref<20480xi32, #tpu.memory_space<vmem>>[vector<16xi32>], vector<16xi32>, vector<16xi1>
        %sub3A_182 = arith.subi %get3A_165, %broadcast_in_dim3A : vector<16xi32>
        tpu.vector_store_idx %arg12[%add3A_181], %sub3A_182 masked %and3A_170 : memref<20480xi32, #tpu.memory_space<vmem>>[vector<16xi32>], vector<16xi32>, vector<16xi1>
        tpu.vector_store_idx %arg13[%add3A_181], %get3A_169 masked %and3A_170 : memref<20480xf32, #tpu.memory_space<vmem>>[vector<16xi32>], vector<16xf32>, vector<16xi1>
        %slice3A = vector.extract_strided_slice %masked_cumsum3A {offsets = [15], sizes = [1], strides = [1]} : vector<16xi32> to vector<1xi32>
        %squeeze3A = vector.extract %slice3A[0] : i32 from vector<1xi32>
        %add3A_183 = arith.addi %scan3A_158, %squeeze3A : i32
        scf.yield %add3A_183 : i32
      }
      %scan3A_156 = arith.constant 125 : i32
      scf.yield %scan3A_155 : i32
    }
    %scan3A_44 = arith.constant 10 : i32
    %broadcast_in_dim3A_45 = arith.constant 0 : i32
    %broadcast_in_dim3A_46 = vector.broadcast %broadcast_in_dim3A_45 : i32 to vector<16xi32>
    %add3A_47 = arith.constant 0 : i32
    %add3A_48 = arith.addi %scan3A_43, %add3A_47 : i32
    %swap3A = arith.index_cast %add3A_48 : i32 to index
    %swap3A_49 = tpu.vector_load %arg11[%swap3A] {strides = array<i32>} : memref<20480xi32, #tpu.memory_space<vmem>>, vector<16xi32>,
    tpu.vector_store %arg11[%swap3A], %broadcast_in_dim3A_46 {strides = array<i32>} : memref<20480xi32, #tpu.memory_space<vmem>>, vector<16xi32>,
    %swap3A_50 = arith.index_cast %add3A_48 : i32 to index
    %swap3A_51 = tpu.vector_load %arg12[%swap3A_50] {strides = array<i32>} : memref<20480xi32, #tpu.memory_space<vmem>>, vector<16xi32>,
    tpu.vector_store %arg12[%swap3A_50], %broadcast_in_dim3A_46 {strides = array<i32>} : memref<20480xi32, #tpu.memory_space<vmem>>, vector<16xi32>,
    %swap3A_52 = arith.index_cast %add3A_48 : i32 to index
    %swap3A_53 = tpu.vector_load %arg13[%swap3A_52] {strides = array<i32>} : memref<20480xf32, #tpu.memory_space<vmem>>, vector<16xf32>,
    tpu.vector_store %arg13[%swap3A_52], %broadcast_in_dim3A_4 {strides = array<i32>} : memref<20480xf32, #tpu.memory_space<vmem>>, vector<16xf32>,
    %add3A_54 = arith.constant 16 : i32
    %add3A_55 = arith.addi %scan3A_43, %add3A_54 : i32
    %swap3A_56 = arith.index_cast %add3A_55 : i32 to index
    %swap3A_57 = tpu.vector_load %arg11[%swap3A_56] {strides = array<i32>} : memref<20480xi32, #tpu.memory_space<vmem>>, vector<16xi32>,
    tpu.vector_store %arg11[%swap3A_56], %broadcast_in_dim3A_46 {strides = array<i32>} : memref<20480xi32, #tpu.memory_space<vmem>>, vector<16xi32>,
    %swap3A_58 = arith.index_cast %add3A_55 : i32 to index
    %swap3A_59 = tpu.vector_load %arg12[%swap3A_58] {strides = array<i32>} : memref<20480xi32, #tpu.memory_space<vmem>>, vector<16xi32>,
    tpu.vector_store %arg12[%swap3A_58], %broadcast_in_dim3A_46 {strides = array<i32>} : memref<20480xi32, #tpu.memory_space<vmem>>, vector<16xi32>,
    %swap3A_60 = arith.index_cast %add3A_55 : i32 to index
    %swap3A_61 = tpu.vector_load %arg13[%swap3A_60] {strides = array<i32>} : memref<20480xf32, #tpu.memory_space<vmem>>, vector<16xf32>,
    tpu.vector_store %arg13[%swap3A_60], %broadcast_in_dim3A_4 {strides = array<i32>} : memref<20480xf32, #tpu.memory_space<vmem>>, vector<16xf32>,
    %add3A_62 = arith.constant 32 : i32
    %add3A_63 = arith.addi %scan3A_43, %add3A_62 : i32
    %swap3A_64 = arith.index_cast %add3A_63 : i32 to index
    %swap3A_65 = tpu.vector_load %arg11[%swap3A_64] {strides = array<i32>} : memref<20480xi32, #tpu.memory_space<vmem>>, vector<16xi32>,
    tpu.vector_store %arg11[%swap3A_64], %broadcast_in_dim3A_46 {strides = array<i32>} : memref<20480xi32, #tpu.memory_space<vmem>>, vector<16xi32>,
    %swap3A_66 = arith.index_cast %add3A_63 : i32 to index
    %swap3A_67 = tpu.vector_load %arg12[%swap3A_66] {strides = array<i32>} : memref<20480xi32, #tpu.memory_space<vmem>>, vector<16xi32>,
    tpu.vector_store %arg12[%swap3A_66], %broadcast_in_dim3A_46 {strides = array<i32>} : memref<20480xi32, #tpu.memory_space<vmem>>, vector<16xi32>,
    %swap3A_68 = arith.index_cast %add3A_63 : i32 to index
    %swap3A_69 = tpu.vector_load %arg13[%swap3A_68] {strides = array<i32>} : memref<20480xf32, #tpu.memory_space<vmem>>, vector<16xf32>,
    tpu.vector_store %arg13[%swap3A_68], %broadcast_in_dim3A_4 {strides = array<i32>} : memref<20480xf32, #tpu.memory_space<vmem>>, vector<16xf32>,
    %add3A_70 = arith.constant 48 : i32
    %add3A_71 = arith.addi %scan3A_43, %add3A_70 : i32
    %swap3A_72 = arith.index_cast %add3A_71 : i32 to index
    %swap3A_73 = tpu.vector_load %arg11[%swap3A_72] {strides = array<i32>} : memref<20480xi32, #tpu.memory_space<vmem>>, vector<16xi32>,
    tpu.vector_store %arg11[%swap3A_72], %broadcast_in_dim3A_46 {strides = array<i32>} : memref<20480xi32, #tpu.memory_space<vmem>>, vector<16xi32>,
    %swap3A_74 = arith.index_cast %add3A_71 : i32 to index
    %swap3A_75 = tpu.vector_load %arg12[%swap3A_74] {strides = array<i32>} : memref<20480xi32, #tpu.memory_space<vmem>>, vector<16xi32>,
    tpu.vector_store %arg12[%swap3A_74], %broadcast_in_dim3A_46 {strides = array<i32>} : memref<20480xi32, #tpu.memory_space<vmem>>, vector<16xi32>,
    %swap3A_76 = arith.index_cast %add3A_71 : i32 to index
    %swap3A_77 = tpu.vector_load %arg13[%swap3A_76] {strides = array<i32>} : memref<20480xf32, #tpu.memory_space<vmem>>, vector<16xf32>,
    tpu.vector_store %arg13[%swap3A_76], %broadcast_in_dim3A_4 {strides = array<i32>} : memref<20480xf32, #tpu.memory_space<vmem>>, vector<16xf32>,
    %add3A_78 = arith.constant 64 : i32
    %add3A_79 = arith.addi %scan3A_43, %add3A_78 : i32
    %swap3A_80 = arith.index_cast %add3A_79 : i32 to index
    %swap3A_81 = tpu.vector_load %arg11[%swap3A_80] {strides = array<i32>} : memref<20480xi32, #tpu.memory_space<vmem>>, vector<16xi32>,
    tpu.vector_store %arg11[%swap3A_80], %broadcast_in_dim3A_46 {strides = array<i32>} : memref<20480xi32, #tpu.memory_space<vmem>>, vector<16xi32>,
    %swap3A_82 = arith.index_cast %add3A_79 : i32 to index
    %swap3A_83 = tpu.vector_load %arg12[%swap3A_82] {strides = array<i32>} : memref<20480xi32, #tpu.memory_space<vmem>>, vector<16xi32>,
    tpu.vector_store %arg12[%swap3A_82], %broadcast_in_dim3A_46 {strides = array<i32>} : memref<20480xi32, #tpu.memory_space<vmem>>, vector<16xi32>,
    %swap3A_84 = arith.index_cast %add3A_79 : i32 to index
    %swap3A_85 = tpu.vector_load %arg13[%swap3A_84] {strides = array<i32>} : memref<20480xf32, #tpu.memory_space<vmem>>, vector<16xf32>,
    tpu.vector_store %arg13[%swap3A_84], %broadcast_in_dim3A_4 {strides = array<i32>} : memref<20480xf32, #tpu.memory_space<vmem>>, vector<16xf32>,
    %add3A_86 = arith.constant 80 : i32
    %add3A_87 = arith.addi %scan3A_43, %add3A_86 : i32
    %swap3A_88 = arith.index_cast %add3A_87 : i32 to index
    %swap3A_89 = tpu.vector_load %arg11[%swap3A_88] {strides = array<i32>} : memref<20480xi32, #tpu.memory_space<vmem>>, vector<16xi32>,
    tpu.vector_store %arg11[%swap3A_88], %broadcast_in_dim3A_46 {strides = array<i32>} : memref<20480xi32, #tpu.memory_space<vmem>>, vector<16xi32>,
    %swap3A_90 = arith.index_cast %add3A_87 : i32 to index
    %swap3A_91 = tpu.vector_load %arg12[%swap3A_90] {strides = array<i32>} : memref<20480xi32, #tpu.memory_space<vmem>>, vector<16xi32>,
    tpu.vector_store %arg12[%swap3A_90], %broadcast_in_dim3A_46 {strides = array<i32>} : memref<20480xi32, #tpu.memory_space<vmem>>, vector<16xi32>,
    %swap3A_92 = arith.index_cast %add3A_87 : i32 to index
    %swap3A_93 = tpu.vector_load %arg13[%swap3A_92] {strides = array<i32>} : memref<20480xf32, #tpu.memory_space<vmem>>, vector<16xf32>,
    tpu.vector_store %arg13[%swap3A_92], %broadcast_in_dim3A_4 {strides = array<i32>} : memref<20480xf32, #tpu.memory_space<vmem>>, vector<16xf32>,
    %add3A_94 = arith.constant 96 : i32
    %add3A_95 = arith.addi %scan3A_43, %add3A_94 : i32
    %swap3A_96 = arith.index_cast %add3A_95 : i32 to index
    %swap3A_97 = tpu.vector_load %arg11[%swap3A_96] {strides = array<i32>} : memref<20480xi32, #tpu.memory_space<vmem>>, vector<16xi32>,
    tpu.vector_store %arg11[%swap3A_96], %broadcast_in_dim3A_46 {strides = array<i32>} : memref<20480xi32, #tpu.memory_space<vmem>>, vector<16xi32>,
    %swap3A_98 = arith.index_cast %add3A_95 : i32 to index
    %swap3A_99 = tpu.vector_load %arg12[%swap3A_98] {strides = array<i32>} : memref<20480xi32, #tpu.memory_space<vmem>>, vector<16xi32>,
    tpu.vector_store %arg12[%swap3A_98], %broadcast_in_dim3A_46 {strides = array<i32>} : memref<20480xi32, #tpu.memory_space<vmem>>, vector<16xi32>,
    %swap3A_100 = arith.index_cast %add3A_95 : i32 to index
    %swap3A_101 = tpu.vector_load %arg13[%swap3A_100] {strides = array<i32>} : memref<20480xf32, #tpu.memory_space<vmem>>, vector<16xf32>,
    tpu.vector_store %arg13[%swap3A_100], %broadcast_in_dim3A_4 {strides = array<i32>} : memref<20480xf32, #tpu.memory_space<vmem>>, vector<16xf32>,
    %add3A_102 = arith.constant 112 : i32
    %add3A_103 = arith.addi %scan3A_43, %add3A_102 : i32
    %swap3A_104 = arith.index_cast %add3A_103 : i32 to index
    %swap3A_105 = tpu.vector_load %arg11[%swap3A_104] {strides = array<i32>} : memref<20480xi32, #tpu.memory_space<vmem>>, vector<16xi32>,
    tpu.vector_store %arg11[%swap3A_104], %broadcast_in_dim3A_46 {strides = array<i32>} : memref<20480xi32, #tpu.memory_space<vmem>>, vector<16xi32>,
    %swap3A_106 = arith.index_cast %add3A_103 : i32 to index
    %swap3A_107 = tpu.vector_load %arg12[%swap3A_106] {strides = array<i32>} : memref<20480xi32, #tpu.memory_space<vmem>>, vector<16xi32>,
    tpu.vector_store %arg12[%swap3A_106], %broadcast_in_dim3A_46 {strides = array<i32>} : memref<20480xi32, #tpu.memory_space<vmem>>, vector<16xi32>,
    %swap3A_108 = arith.index_cast %add3A_103 : i32 to index
    %swap3A_109 = tpu.vector_load %arg13[%swap3A_108] {strides = array<i32>} : memref<20480xf32, #tpu.memory_space<vmem>>, vector<16xf32>,
    tpu.vector_store %arg13[%swap3A_108], %broadcast_in_dim3A_4 {strides = array<i32>} : memref<20480xf32, #tpu.memory_space<vmem>>, vector<16xf32>,
    %add3A_110 = arith.constant 128 : i32
    %add3A_111 = arith.addi %scan3A_43, %add3A_110 : i32
    %sub3A = arith.constant 1 : i32
    %sub3A_112 = arith.subi %add3A_111, %sub3A : i32
    %jit3A = arith.constant 128 : i32
    %div3A = arith.divsi %sub3A_112, %jit3A : i32
    %sign3A = arith.constant 0 : i32
    %sign3A_113 = arith.cmpi sgt, %sub3A_112, %sign3A : i32
    %sign3A_114 = arith.extui %sign3A_113 : i1 to i32
    %sign3A_115 = arith.constant 0 : i32
    %sign3A_116 = arith.cmpi slt, %sub3A_112, %sign3A_115 : i32
    %sign3A_117 = arith.extui %sign3A_116 : i1 to i32
    %sign3A_118 = arith.subi %sign3A_114, %sign3A_117 : i32
    %sign3A_119 = arith.constant 0 : i32
    %sign3A_120 = arith.cmpi sgt, %jit3A, %sign3A_119 : i32
    %sign3A_121 = arith.extui %sign3A_120 : i1 to i32
    %sign3A_122 = arith.constant 0 : i32
    %sign3A_123 = arith.cmpi slt, %jit3A, %sign3A_122 : i32
    %sign3A_124 = arith.extui %sign3A_123 : i1 to i32
    %sign3A_125 = arith.subi %sign3A_121, %sign3A_124 : i32
    %ne3A = arith.cmpi ne, %sign3A_118, %sign3A_125 : i32
    %rem3A = arith.remsi %sub3A_112, %jit3A : i32
    %ne3A_126 = arith.constant 0 : i32
    %ne3A_127 = arith.cmpi ne, %rem3A, %ne3A_126 : i32
    %and3A = arith.andi %ne3A, %ne3A_127 : i1
    %sub3A_128 = arith.constant 1 : i32
    %sub3A_129 = arith.subi %div3A, %sub3A_128 : i32
    %select_n3A = arith.select %and3A, %sub3A_129, %div3A : i32
    %while3A = arith.constant 0 : i32
    %while3A_130 = arith.constant 0 : i32
    %while3A_131 = arith.subi %select_n3A, %while3A_130 : i32
    %while3A_132 = arith.addi %while3A_130, %while3A_131 : i32
    %while3A_133 = arith.constant 1 : i32
    %while3A_134 = arith.divsi %while3A_131, %while3A_133 : i32
    %while3A_135 = arith.muli %while3A_134, %while3A_133 : i32
    %while3A_136 = arith.addi %while3A_130, %while3A_135 : i32
    %while3A_137 = arith.constant 1 : i32
    scf.for %while3A_144 = %while3A_130 to %while3A_136 step %while3A_137  : i32 {
      %mul3A_145 = arith.constant 128 : i32
      %mul3A_146 = arith.muli %while3A_144, %mul3A_145 : i32
      %dma_start3A = tpu.memref_slice %arg11[%mul3A_146] : memref<20480xi32, #tpu.memory_space<vmem>> -> memref<128xi32, #tpu.memory_space<vmem>>
      %dma_start3A_147 = arith.constant 0 : i32
      %dma_start3A_148 = arith.constant 0 : i32
      %dma_start3A_149 = tpu.memref_slice %arg2[%dma_start3A_147, %dma_start3A_148] : memref<10000x128xf32, #tpu.memory_space<hbm>> -> memref<10000x128xf32, #tpu.memory_space<hbm>>
      tpu.enqueue_indirect_dma source(%dma_start3A_149 : memref<10000x128xf32, #tpu.memory_space<hbm>>) target(%arg14 : memref<128x128xf32, #tpu.memory_space<vmem>>) offsets(%dma_start3A : memref<128xi32, #tpu.memory_space<vmem>>) semaphore(%arg20 : memref<!tpu.dma_semaphore, #tpu.memory_space<semaphore_mem>>)
      %dma_wait3A = tpu.memref_slice %arg11[%mul3A_146] : memref<20480xi32, #tpu.memory_space<vmem>> -> memref<128xi32, #tpu.memory_space<vmem>>
      %dma_wait3A_150 = arith.constant 0 : i32
      %dma_wait3A_151 = arith.constant 0 : i32
      %dma_wait3A_152 = tpu.memref_slice %arg2[%dma_wait3A_150, %dma_wait3A_151] : memref<10000x128xf32, #tpu.memory_space<hbm>> -> memref<10000x128xf32, #tpu.memory_space<hbm>>
      tpu.wait_indirect_dma semaphore(%arg20 : memref<!tpu.dma_semaphore, #tpu.memory_space<semaphore_mem>>) src(%dma_wait3A_152 : memref<10000x128xf32, #tpu.memory_space<hbm>>) dst(%arg14 : memref<128x128xf32, #tpu.memory_space<vmem>>)
      %scan3A_153 = arith.constant 0 : i32
      %scan3A_154 = arith.constant 0 : i32
      %scan3A_155 = arith.constant 8 : i32
      %scan3A_156 = arith.addi %scan3A_154, %scan3A_155 : i32
      %scan3A_157 = arith.constant 1 : i32
      scf.for %scan3A_159 = %scan3A_154 to %scan3A_156 step %scan3A_157  : i32 {
        %mul3A_160 = arith.constant 128 : i32
        %mul3A_161 = arith.muli %while3A_144, %mul3A_160 : i32
        %mul3A_162 = arith.constant 16 : i32
        %mul3A_163 = arith.muli %scan3A_159, %mul3A_162 : i32
        %add3A_164 = arith.addi %mul3A_161, %mul3A_163 : i32
        %get3A = arith.index_cast %add3A_164 : i32 to index
        %get3A_165 = tpu.vector_load %arg13[%get3A] {strides = array<i32>} : memref<20480xf32, #tpu.memory_space<vmem>>, vector<16xf32>,
        %mul3A_166 = arith.constant 16 : i32
        %mul3A_167 = arith.muli %scan3A_159, %mul3A_166 : i32
        %swap3A_168 = arith.index_cast %mul3A_167 : i32 to index
        %swap3A_169 = tpu.vector_load %arg16[%swap3A_168] {strides = array<i32>} : memref<128xf32, #tpu.memory_space<vmem>>, vector<16xf32>,
        tpu.vector_store %arg16[%swap3A_168], %get3A_165 {strides = array<i32>} : memref<128xf32, #tpu.memory_space<vmem>>, vector<16xf32>,
        %get3A_170 = arith.index_cast %add3A_164 : i32 to index
        %get3A_171 = tpu.vector_load %arg12[%get3A_170] {strides = array<i32>} : memref<20480xi32, #tpu.memory_space<vmem>>, vector<16xi32>,
        %mul3A_172 = arith.constant 16 : i32
        %mul3A_173 = arith.muli %scan3A_159, %mul3A_172 : i32
        %swap3A_174 = arith.index_cast %mul3A_173 : i32 to index
        %swap3A_175 = tpu.vector_load %arg15[%swap3A_174] {strides = array<i32>} : memref<128xi32, #tpu.memory_space<vmem>>, vector<16xi32>,
        tpu.vector_store %arg15[%swap3A_174], %get3A_171 {strides = array<i32>} : memref<128xi32, #tpu.memory_space<vmem>>, vector<16xi32>,
        %mul3A_176 = arith.constant 16 : i32
        %mul3A_177 = arith.muli %scan3A_159, %mul3A_176 : i32
        %add3A_178 = arith.constant 0 : i32
        %add3A_179 = arith.addi %mul3A_177, %add3A_178 : i32
        %slice3A = vector.extract_strided_slice %get3A_165 {offsets = [0], sizes = [1], strides = [1]} : vector<16xf32> to vector<1xf32>
        %squeeze3A = vector.extract %slice3A[0] : f32 from vector<1xf32>
        %broadcast_in_dim3A_180 = vector.broadcast %squeeze3A : f32 to vector<16xf32>
        %get3A_181 = arith.index_cast %add3A_179 : i32 to index
        %get3A_182 = arith.constant 0 : index
        %get3A_183 = tpu.vector_load %arg14[%get3A_181, %get3A_182] {strides = array<i32>} : memref<128x128xf32, #tpu.memory_space<vmem>>, vector<16xf32>,
        %mul3A_184 = arith.mulf %get3A_183, %broadcast_in_dim3A_180 : vector<16xf32>
        %swap3A_185 = arith.index_cast %add3A_179 : i32 to index
        %swap3A_186 = arith.constant 0 : index
        %swap3A_187 = tpu.vector_load %arg14[%swap3A_185, %swap3A_186] {strides = array<i32>} : memref<128x128xf32, #tpu.memory_space<vmem>>, vector<16xf32>,
        tpu.vector_store %arg14[%swap3A_185, %swap3A_186], %mul3A_184 {strides = array<i32>} : memref<128x128xf32, #tpu.memory_space<vmem>>, vector<16xf32>,
        %get3A_188 = arith.index_cast %add3A_179 : i32 to index
        %get3A_189 = arith.constant 16 : index
        %get3A_190 = tpu.vector_load %arg14[%get3A_188, %get3A_189] {strides = array<i32>} : memref<128x128xf32, #tpu.memory_space<vmem>>, vector<16xf32>,
        %mul3A_191 = arith.mulf %get3A_190, %broadcast_in_dim3A_180 : vector<16xf32>
        %swap3A_192 = arith.index_cast %add3A_179 : i32 to index
        %swap3A_193 = arith.constant 16 : index
        %swap3A_194 = tpu.vector_load %arg14[%swap3A_192, %swap3A_193] {strides = array<i32>} : memref<128x128xf32, #tpu.memory_space<vmem>>, vector<16xf32>,
        tpu.vector_store %arg14[%swap3A_192, %swap3A_193], %mul3A_191 {strides = array<i32>} : memref<128x128xf32, #tpu.memory_space<vmem>>, vector<16xf32>,
        %get3A_195 = arith.index_cast %add3A_179 : i32 to index
        %get3A_196 = arith.constant 32 : index
        %get3A_197 = tpu.vector_load %arg14[%get3A_195, %get3A_196] {strides = array<i32>} : memref<128x128xf32, #tpu.memory_space<vmem>>, vector<16xf32>,
        %mul3A_198 = arith.mulf %get3A_197, %broadcast_in_dim3A_180 : vector<16xf32>
        %swap3A_199 = arith.index_cast %add3A_179 : i32 to index
        %swap3A_200 = arith.constant 32 : index
        %swap3A_201 = tpu.vector_load %arg14[%swap3A_199, %swap3A_200] {strides = array<i32>} : memref<128x128xf32, #tpu.memory_space<vmem>>, vector<16xf32>,
        tpu.vector_store %arg14[%swap3A_199, %swap3A_200], %mul3A_198 {strides = array<i32>} : memref<128x128xf32, #tpu.memory_space<vmem>>, vector<16xf32>,
        %get3A_202 = arith.index_cast %add3A_179 : i32 to index
        %get3A_203 = arith.constant 48 : index
        %get3A_204 = tpu.vector_load %arg14[%get3A_202, %get3A_203] {strides = array<i32>} : memref<128x128xf32, #tpu.memory_space<vmem>>, vector<16xf32>,
        %mul3A_205 = arith.mulf %get3A_204, %broadcast_in_dim3A_180 : vector<16xf32>
        %swap3A_206 = arith.index_cast %add3A_179 : i32 to index
        %swap3A_207 = arith.constant 48 : index
        %swap3A_208 = tpu.vector_load %arg14[%swap3A_206, %swap3A_207] {strides = array<i32>} : memref<128x128xf32, #tpu.memory_space<vmem>>, vector<16xf32>,
        tpu.vector_store %arg14[%swap3A_206, %swap3A_207], %mul3A_205 {strides = array<i32>} : memref<128x128xf32, #tpu.memory_space<vmem>>, vector<16xf32>,
        %get3A_209 = arith.index_cast %add3A_179 : i32 to index
        %get3A_210 = arith.constant 64 : index
        %get3A_211 = tpu.vector_load %arg14[%get3A_209, %get3A_210] {strides = array<i32>} : memref<128x128xf32, #tpu.memory_space<vmem>>, vector<16xf32>,
        %mul3A_212 = arith.mulf %get3A_211, %broadcast_in_dim3A_180 : vector<16xf32>
        %swap3A_213 = arith.index_cast %add3A_179 : i32 to index
        %swap3A_214 = arith.constant 64 : index
        %swap3A_215 = tpu.vector_load %arg14[%swap3A_213, %swap3A_214] {strides = array<i32>} : memref<128x128xf32, #tpu.memory_space<vmem>>, vector<16xf32>,
        tpu.vector_store %arg14[%swap3A_213, %swap3A_214], %mul3A_212 {strides = array<i32>} : memref<128x128xf32, #tpu.memory_space<vmem>>, vector<16xf32>,
        %get3A_216 = arith.index_cast %add3A_179 : i32 to index
        %get3A_217 = arith.constant 80 : index
        %get3A_218 = tpu.vector_load %arg14[%get3A_216, %get3A_217] {strides = array<i32>} : memref<128x128xf32, #tpu.memory_space<vmem>>, vector<16xf32>,
        %mul3A_219 = arith.mulf %get3A_218, %broadcast_in_dim3A_180 : vector<16xf32>
        %swap3A_220 = arith.index_cast %add3A_179 : i32 to index
        %swap3A_221 = arith.constant 80 : index
        %swap3A_222 = tpu.vector_load %arg14[%swap3A_220, %swap3A_221] {strides = array<i32>} : memref<128x128xf32, #tpu.memory_space<vmem>>, vector<16xf32>,
        tpu.vector_store %arg14[%swap3A_220, %swap3A_221], %mul3A_219 {strides = array<i32>} : memref<128x128xf32, #tpu.memory_space<vmem>>, vector<16xf32>,
        %get3A_223 = arith.index_cast %add3A_179 : i32 to index
        %get3A_224 = arith.constant 96 : index
        %get3A_225 = tpu.vector_load %arg14[%get3A_223, %get3A_224] {strides = array<i32>} : memref<128x128xf32, #tpu.memory_space<vmem>>, vector<16xf32>,
        %mul3A_226 = arith.mulf %get3A_225, %broadcast_in_dim3A_180 : vector<16xf32>
        %swap3A_227 = arith.index_cast %add3A_179 : i32 to index
        %swap3A_228 = arith.constant 96 : index
        %swap3A_229 = tpu.vector_load %arg14[%swap3A_227, %swap3A_228] {strides = array<i32>} : memref<128x128xf32, #tpu.memory_space<vmem>>, vector<16xf32>,
        tpu.vector_store %arg14[%swap3A_227, %swap3A_228], %mul3A_226 {strides = array<i32>} : memref<128x128xf32, #tpu.memory_space<vmem>>, vector<16xf32>,
        %get3A_230 = arith.index_cast %add3A_179 : i32 to index
        %get3A_231 = arith.constant 112 : index
        %get3A_232 = tpu.vector_load %arg14[%get3A_230, %get3A_231] {strides = array<i32>} : memref<128x128xf32, #tpu.memory_space<vmem>>, vector<16xf32>,
        %mul3A_233 = arith.mulf %get3A_232, %broadcast_in_dim3A_180 : vector<16xf32>
        %swap3A_234 = arith.index_cast %add3A_179 : i32 to index
        %swap3A_235 = arith.constant 112 : index
        %swap3A_236 = tpu.vector_load %arg14[%swap3A_234, %swap3A_235] {strides = array<i32>} : memref<128x128xf32, #tpu.memory_space<vmem>>, vector<16xf32>,
        tpu.vector_store %arg14[%swap3A_234, %swap3A_235], %mul3A_233 {strides = array<i32>} : memref<128x128xf32, #tpu.memory_space<vmem>>, vector<16xf32>,
        %mul3A_237 = arith.constant 16 : i32
        %mul3A_238 = arith.muli %scan3A_159, %mul3A_237 : i32
        %add3A_239 = arith.constant 1 : i32
        %add3A_240 = arith.addi %mul3A_238, %add3A_239 : i32
        %slice3A_241 = vector.extract_strided_slice %get3A_165 {offsets = [1], sizes = [1], strides = [1]} : vector<16xf32> to vector<1xf32>
        %squeeze3A_242 = vector.extract %slice3A_241[0] : f32 from vector<1xf32>
        %broadcast_in_dim3A_243 = vector.broadcast %squeeze3A_242 : f32 to vector<16xf32>
        %get3A_244 = arith.index_cast %add3A_240 : i32 to index
        %get3A_245 = arith.constant 0 : index
        %get3A_246 = tpu.vector_load %arg14[%get3A_244, %get3A_245] {strides = array<i32>} : memref<128x128xf32, #tpu.memory_space<vmem>>, vector<16xf32>,
        %mul3A_247 = arith.mulf %get3A_246, %broadcast_in_dim3A_243 : vector<16xf32>
        %swap3A_248 = arith.index_cast %add3A_240 : i32 to index
        %swap3A_249 = arith.constant 0 : index
        %swap3A_250 = tpu.vector_load %arg14[%swap3A_248, %swap3A_249] {strides = array<i32>} : memref<128x128xf32, #tpu.memory_space<vmem>>, vector<16xf32>,
        tpu.vector_store %arg14[%swap3A_248, %swap3A_249], %mul3A_247 {strides = array<i32>} : memref<128x128xf32, #tpu.memory_space<vmem>>, vector<16xf32>,
        %get3A_251 = arith.index_cast %add3A_240 : i32 to index
        %get3A_252 = arith.constant 16 : index
        %get3A_253 = tpu.vector_load %arg14[%get3A_251, %get3A_252] {strides = array<i32>} : memref<128x128xf32, #tpu.memory_space<vmem>>, vector<16xf32>,
        %mul3A_254 = arith.mulf %get3A_253, %broadcast_in_dim3A_243 : vector<16xf32>
        %swap3A_255 = arith.index_cast %add3A_240 : i32 to index
        %swap3A_256 = arith.constant 16 : index
        %swap3A_257 = tpu.vector_load %arg14[%swap3A_255, %swap3A_256] {strides = array<i32>} : memref<128x128xf32, #tpu.memory_space<vmem>>, vector<16xf32>,
        tpu.vector_store %arg14[%swap3A_255, %swap3A_256], %mul3A_254 {strides = array<i32>} : memref<128x128xf32, #tpu.memory_space<vmem>>, vector<16xf32>,
        %get3A_258 = arith.index_cast %add3A_240 : i32 to index
        %get3A_259 = arith.constant 32 : index
        %get3A_260 = tpu.vector_load %arg14[%get3A_258, %get3A_259] {strides = array<i32>} : memref<128x128xf32, #tpu.memory_space<vmem>>, vector<16xf32>,
        %mul3A_261 = arith.mulf %get3A_260, %broadcast_in_dim3A_243 : vector<16xf32>
        %swap3A_262 = arith.index_cast %add3A_240 : i32 to index
        %swap3A_263 = arith.constant 32 : index
        %swap3A_264 = tpu.vector_load %arg14[%swap3A_262, %swap3A_263] {strides = array<i32>} : memref<128x128xf32, #tpu.memory_space<vmem>>, vector<16xf32>,
        tpu.vector_store %arg14[%swap3A_262, %swap3A_263], %mul3A_261 {strides = array<i32>} : memref<128x128xf32, #tpu.memory_space<vmem>>, vector<16xf32>,
        %get3A_265 = arith.index_cast %add3A_240 : i32 to index
        %get3A_266 = arith.constant 48 : index
        %get3A_267 = tpu.vector_load %arg14[%get3A_265, %get3A_266] {strides = array<i32>} : memref<128x128xf32, #tpu.memory_space<vmem>>, vector<16xf32>,
        %mul3A_268 = arith.mulf %get3A_267, %broadcast_in_dim3A_243 : vector<16xf32>
        %swap3A_269 = arith.index_cast %add3A_240 : i32 to index
        %swap3A_270 = arith.constant 48 : index
        %swap3A_271 = tpu.vector_load %arg14[%swap3A_269, %swap3A_270] {strides = array<i32>} : memref<128x128xf32, #tpu.memory_space<vmem>>, vector<16xf32>,
        tpu.vector_store %arg14[%swap3A_269, %swap3A_270], %mul3A_268 {strides = array<i32>} : memref<128x128xf32, #tpu.memory_space<vmem>>, vector<16xf32>,
        %get3A_272 = arith.index_cast %add3A_240 : i32 to index
        %get3A_273 = arith.constant 64 : index
        %get3A_274 = tpu.vector_load %arg14[%get3A_272, %get3A_273] {strides = array<i32>} : memref<128x128xf32, #tpu.memory_space<vmem>>, vector<16xf32>,
        %mul3A_275 = arith.mulf %get3A_274, %broadcast_in_dim3A_243 : vector<16xf32>
        %swap3A_276 = arith.index_cast %add3A_240 : i32 to index
        %swap3A_277 = arith.constant 64 : index
        %swap3A_278 = tpu.vector_load %arg14[%swap3A_276, %swap3A_277] {strides = array<i32>} : memref<128x128xf32, #tpu.memory_space<vmem>>, vector<16xf32>,
        tpu.vector_store %arg14[%swap3A_276, %swap3A_277], %mul3A_275 {strides = array<i32>} : memref<128x128xf32, #tpu.memory_space<vmem>>, vector<16xf32>,
        %get3A_279 = arith.index_cast %add3A_240 : i32 to index
        %get3A_280 = arith.constant 80 : index
        %get3A_281 = tpu.vector_load %arg14[%get3A_279, %get3A_280] {strides = array<i32>} : memref<128x128xf32, #tpu.memory_space<vmem>>, vector<16xf32>,
        %mul3A_282 = arith.mulf %get3A_281, %broadcast_in_dim3A_243 : vector<16xf32>
        %swap3A_283 = arith.index_cast %add3A_240 : i32 to index
        %swap3A_284 = arith.constant 80 : index
        %swap3A_285 = tpu.vector_load %arg14[%swap3A_283, %swap3A_284] {strides = array<i32>} : memref<128x128xf32, #tpu.memory_space<vmem>>, vector<16xf32>,
        tpu.vector_store %arg14[%swap3A_283, %swap3A_284], %mul3A_282 {strides = array<i32>} : memref<128x128xf32, #tpu.memory_space<vmem>>, vector<16xf32>,
        %get3A_286 = arith.index_cast %add3A_240 : i32 to index
        %get3A_287 = arith.constant 96 : index
        %get3A_288 = tpu.vector_load %arg14[%get3A_286, %get3A_287] {strides = array<i32>} : memref<128x128xf32, #tpu.memory_space<vmem>>, vector<16xf32>,
        %mul3A_289 = arith.mulf %get3A_288, %broadcast_in_dim3A_243 : vector<16xf32>
        %swap3A_290 = arith.index_cast %add3A_240 : i32 to index
        %swap3A_291 = arith.constant 96 : index
        %swap3A_292 = tpu.vector_load %arg14[%swap3A_290, %swap3A_291] {strides = array<i32>} : memref<128x128xf32, #tpu.memory_space<vmem>>, vector<16xf32>,
        tpu.vector_store %arg14[%swap3A_290, %swap3A_291], %mul3A_289 {strides = array<i32>} : memref<128x128xf32, #tpu.memory_space<vmem>>, vector<16xf32>,
        %get3A_293 = arith.index_cast %add3A_240 : i32 to index
        %get3A_294 = arith.constant 112 : index
        %get3A_295 = tpu.vector_load %arg14[%get3A_293, %get3A_294] {strides = array<i32>} : memref<128x128xf32, #tpu.memory_space<vmem>>, vector<16xf32>,
        %mul3A_296 = arith.mulf %get3A_295, %broadcast_in_dim3A_243 : vector<16xf32>
        %swap3A_297 = arith.index_cast %add3A_240 : i32 to index
        %swap3A_298 = arith.constant 112 : index
        %swap3A_299 = tpu.vector_load %arg14[%swap3A_297, %swap3A_298] {strides = array<i32>} : memref<128x128xf32, #tpu.memory_space<vmem>>, vector<16xf32>,
        tpu.vector_store %arg14[%swap3A_297, %swap3A_298], %mul3A_296 {strides = array<i32>} : memref<128x128xf32, #tpu.memory_space<vmem>>, vector<16xf32>,
        %mul3A_300 = arith.constant 16 : i32
        %mul3A_301 = arith.muli %scan3A_159, %mul3A_300 : i32
        %add3A_302 = arith.constant 2 : i32
        %add3A_303 = arith.addi %mul3A_301, %add3A_302 : i32
        %slice3A_304 = vector.extract_strided_slice %get3A_165 {offsets = [2], sizes = [1], strides = [1]} : vector<16xf32> to vector<1xf32>
        %squeeze3A_305 = vector.extract %slice3A_304[0] : f32 from vector<1xf32>
        %broadcast_in_dim3A_306 = vector.broadcast %squeeze3A_305 : f32 to vector<16xf32>
        %get3A_307 = arith.index_cast %add3A_303 : i32 to index
        %get3A_308 = arith.constant 0 : index
        %get3A_309 = tpu.vector_load %arg14[%get3A_307, %get3A_308] {strides = array<i32>} : memref<128x128xf32, #tpu.memory_space<vmem>>, vector<16xf32>,
        %mul3A_310 = arith.mulf %get3A_309, %broadcast_in_dim3A_306 : vector<16xf32>
        %swap3A_311 = arith.index_cast %add3A_303 : i32 to index
        %swap3A_312 = arith.constant 0 : index
        %swap3A_313 = tpu.vector_load %arg14[%swap3A_311, %swap3A_312] {strides = array<i32>} : memref<128x128xf32, #tpu.memory_space<vmem>>, vector<16xf32>,
        tpu.vector_store %arg14[%swap3A_311, %swap3A_312], %mul3A_310 {strides = array<i32>} : memref<128x128xf32, #tpu.memory_space<vmem>>, vector<16xf32>,
        %get3A_314 = arith.index_cast %add3A_303 : i32 to index
        %get3A_315 = arith.constant 16 : index
        %get3A_316 = tpu.vector_load %arg14[%get3A_314, %get3A_315] {strides = array<i32>} : memref<128x128xf32, #tpu.memory_space<vmem>>, vector<16xf32>,
        %mul3A_317 = arith.mulf %get3A_316, %broadcast_in_dim3A_306 : vector<16xf32>
        %swap3A_318 = arith.index_cast %add3A_303 : i32 to index
        %swap3A_319 = arith.constant 16 : index
        %swap3A_320 = tpu.vector_load %arg14[%swap3A_318, %swap3A_319] {strides = array<i32>} : memref<128x128xf32, #tpu.memory_space<vmem>>, vector<16xf32>,
        tpu.vector_store %arg14[%swap3A_318, %swap3A_319], %mul3A_317 {strides = array<i32>} : memref<128x128xf32, #tpu.memory_space<vmem>>, vector<16xf32>,
        %get3A_321 = arith.index_cast %add3A_303 : i32 to index
        %get3A_322 = arith.constant 32 : index
        %get3A_323 = tpu.vector_load %arg14[%get3A_321, %get3A_322] {strides = array<i32>} : memref<128x128xf32, #tpu.memory_space<vmem>>, vector<16xf32>,
        %mul3A_324 = arith.mulf %get3A_323, %broadcast_in_dim3A_306 : vector<16xf32>
        %swap3A_325 = arith.index_cast %add3A_303 : i32 to index
        %swap3A_326 = arith.constant 32 : index
        %swap3A_327 = tpu.vector_load %arg14[%swap3A_325, %swap3A_326] {strides = array<i32>} : memref<128x128xf32, #tpu.memory_space<vmem>>, vector<16xf32>,
        tpu.vector_store %arg14[%swap3A_325, %swap3A_326], %mul3A_324 {strides = array<i32>} : memref<128x128xf32, #tpu.memory_space<vmem>>, vector<16xf32>,
        %get3A_328 = arith.index_cast %add3A_303 : i32 to index
        %get3A_329 = arith.constant 48 : index
        %get3A_330 = tpu.vector_load %arg14[%get3A_328, %get3A_329] {strides = array<i32>} : memref<128x128xf32, #tpu.memory_space<vmem>>, vector<16xf32>,
        %mul3A_331 = arith.mulf %get3A_330, %broadcast_in_dim3A_306 : vector<16xf32>
        %swap3A_332 = arith.index_cast %add3A_303 : i32 to index
        %swap3A_333 = arith.constant 48 : index
        %swap3A_334 = tpu.vector_load %arg14[%swap3A_332, %swap3A_333] {strides = array<i32>} : memref<128x128xf32, #tpu.memory_space<vmem>>, vector<16xf32>,
        tpu.vector_store %arg14[%swap3A_332, %swap3A_333], %mul3A_331 {strides = array<i32>} : memref<128x128xf32, #tpu.memory_space<vmem>>, vector<16xf32>,
        %get3A_335 = arith.index_cast %add3A_303 : i32 to index
        %get3A_336 = arith.constant 64 : index
        %get3A_337 = tpu.vector_load %arg14[%get3A_335, %get3A_336] {strides = array<i32>} : memref<128x128xf32, #tpu.memory_space<vmem>>, vector<16xf32>,
        %mul3A_338 = arith.mulf %get3A_337, %broadcast_in_dim3A_306 : vector<16xf32>
        %swap3A_339 = arith.index_cast %add3A_303 : i32 to index
        %swap3A_340 = arith.constant 64 : index
        %swap3A_341 = tpu.vector_load %arg14[%swap3A_339, %swap3A_340] {strides = array<i32>} : memref<128x128xf32, #tpu.memory_space<vmem>>, vector<16xf32>,
        tpu.vector_store %arg14[%swap3A_339, %swap3A_340], %mul3A_338 {strides = array<i32>} : memref<128x128xf32, #tpu.memory_space<vmem>>, vector<16xf32>,
        %get3A_342 = arith.index_cast %add3A_303 : i32 to index
        %get3A_343 = arith.constant 80 : index
        %get3A_344 = tpu.vector_load %arg14[%get3A_342, %get3A_343] {strides = array<i32>} : memref<128x128xf32, #tpu.memory_space<vmem>>, vector<16xf32>,
        %mul3A_345 = arith.mulf %get3A_344, %broadcast_in_dim3A_306 : vector<16xf32>
        %swap3A_346 = arith.index_cast %add3A_303 : i32 to index
        %swap3A_347 = arith.constant 80 : index
        %swap3A_348 = tpu.vector_load %arg14[%swap3A_346, %swap3A_347] {strides = array<i32>} : memref<128x128xf32, #tpu.memory_space<vmem>>, vector<16xf32>,
        tpu.vector_store %arg14[%swap3A_346, %swap3A_347], %mul3A_345 {strides = array<i32>} : memref<128x128xf32, #tpu.memory_space<vmem>>, vector<16xf32>,
        %get3A_349 = arith.index_cast %add3A_303 : i32 to index
        %get3A_350 = arith.constant 96 : index
        %get3A_351 = tpu.vector_load %arg14[%get3A_349, %get3A_350] {strides = array<i32>} : memref<128x128xf32, #tpu.memory_space<vmem>>, vector<16xf32>,
        %mul3A_352 = arith.mulf %get3A_351, %broadcast_in_dim3A_306 : vector<16xf32>
        %swap3A_353 = arith.index_cast %add3A_303 : i32 to index
        %swap3A_354 = arith.constant 96 : index
        %swap3A_355 = tpu.vector_load %arg14[%swap3A_353, %swap3A_354] {strides = array<i32>} : memref<128x128xf32, #tpu.memory_space<vmem>>, vector<16xf32>,
        tpu.vector_store %arg14[%swap3A_353, %swap3A_354], %mul3A_352 {strides = array<i32>} : memref<128x128xf32, #tpu.memory_space<vmem>>, vector<16xf32>,
        %get3A_356 = arith.index_cast %add3A_303 : i32 to index
        %get3A_357 = arith.constant 112 : index
        %get3A_358 = tpu.vector_load %arg14[%get3A_356, %get3A_357] {strides = array<i32>} : memref<128x128xf32, #tpu.memory_space<vmem>>, vector<16xf32>,
        %mul3A_359 = arith.mulf %get3A_358, %broadcast_in_dim3A_306 : vector<16xf32>
        %swap3A_360 = arith.index_cast %add3A_303 : i32 to index
        %swap3A_361 = arith.constant 112 : index
        %swap3A_362 = tpu.vector_load %arg14[%swap3A_360, %swap3A_361] {strides = array<i32>} : memref<128x128xf32, #tpu.memory_space<vmem>>, vector<16xf32>,
        tpu.vector_store %arg14[%swap3A_360, %swap3A_361], %mul3A_359 {strides = array<i32>} : memref<128x128xf32, #tpu.memory_space<vmem>>, vector<16xf32>,
        %mul3A_363 = arith.constant 16 : i32
        %mul3A_364 = arith.muli %scan3A_159, %mul3A_363 : i32
        %add3A_365 = arith.constant 3 : i32
        %add3A_366 = arith.addi %mul3A_364, %add3A_365 : i32
        %slice3A_367 = vector.extract_strided_slice %get3A_165 {offsets = [3], sizes = [1], strides = [1]} : vector<16xf32> to vector<1xf32>
        %squeeze3A_368 = vector.extract %slice3A_367[0] : f32 from vector<1xf32>
        %broadcast_in_dim3A_369 = vector.broadcast %squeeze3A_368 : f32 to vector<16xf32>
        %get3A_370 = arith.index_cast %add3A_366 : i32 to index
        %get3A_371 = arith.constant 0 : index
        %get3A_372 = tpu.vector_load %arg14[%get3A_370, %get3A_371] {strides = array<i32>} : memref<128x128xf32, #tpu.memory_space<vmem>>, vector<16xf32>,
        %mul3A_373 = arith.mulf %get3A_372, %broadcast_in_dim3A_369 : vector<16xf32>
        %swap3A_374 = arith.index_cast %add3A_366 : i32 to index
        %swap3A_375 = arith.constant 0 : index
        %swap3A_376 = tpu.vector_load %arg14[%swap3A_374, %swap3A_375] {strides = array<i32>} : memref<128x128xf32, #tpu.memory_space<vmem>>, vector<16xf32>,
        tpu.vector_store %arg14[%swap3A_374, %swap3A_375], %mul3A_373 {strides = array<i32>} : memref<128x128xf32, #tpu.memory_space<vmem>>, vector<16xf32>,
        %get3A_377 = arith.index_cast %add3A_366 : i32 to index
        %get3A_378 = arith.constant 16 : index
        %get3A_379 = tpu.vector_load %arg14[%get3A_377, %get3A_378] {strides = array<i32>} : memref<128x128xf32, #tpu.memory_space<vmem>>, vector<16xf32>,
        %mul3A_380 = arith.mulf %get3A_379, %broadcast_in_dim3A_369 : vector<16xf32>
        %swap3A_381 = arith.index_cast %add3A_366 : i32 to index
        %swap3A_382 = arith.constant 16 : index
        %swap3A_383 = tpu.vector_load %arg14[%swap3A_381, %swap3A_382] {strides = array<i32>} : memref<128x128xf32, #tpu.memory_space<vmem>>, vector<16xf32>,
        tpu.vector_store %arg14[%swap3A_381, %swap3A_382], %mul3A_380 {strides = array<i32>} : memref<128x128xf32, #tpu.memory_space<vmem>>, vector<16xf32>,
        %get3A_384 = arith.index_cast %add3A_366 : i32 to index
        %get3A_385 = arith.constant 32 : index
        %get3A_386 = tpu.vector_load %arg14[%get3A_384, %get3A_385] {strides = array<i32>} : memref<128x128xf32, #tpu.memory_space<vmem>>, vector<16xf32>,
        %mul3A_387 = arith.mulf %get3A_386, %broadcast_in_dim3A_369 : vector<16xf32>
        %swap3A_388 = arith.index_cast %add3A_366 : i32 to index
        %swap3A_389 = arith.constant 32 : index
        %swap3A_390 = tpu.vector_load %arg14[%swap3A_388, %swap3A_389] {strides = array<i32>} : memref<128x128xf32, #tpu.memory_space<vmem>>, vector<16xf32>,
        tpu.vector_store %arg14[%swap3A_388, %swap3A_389], %mul3A_387 {strides = array<i32>} : memref<128x128xf32, #tpu.memory_space<vmem>>, vector<16xf32>,
        %get3A_391 = arith.index_cast %add3A_366 : i32 to index
        %get3A_392 = arith.constant 48 : index
        %get3A_393 = tpu.vector_load %arg14[%get3A_391, %get3A_392] {strides = array<i32>} : memref<128x128xf32, #tpu.memory_space<vmem>>, vector<16xf32>,
        %mul3A_394 = arith.mulf %get3A_393, %broadcast_in_dim3A_369 : vector<16xf32>
        %swap3A_395 = arith.index_cast %add3A_366 : i32 to index
        %swap3A_396 = arith.constant 48 : index
        %swap3A_397 = tpu.vector_load %arg14[%swap3A_395, %swap3A_396] {strides = array<i32>} : memref<128x128xf32, #tpu.memory_space<vmem>>, vector<16xf32>,
        tpu.vector_store %arg14[%swap3A_395, %swap3A_396], %mul3A_394 {strides = array<i32>} : memref<128x128xf32, #tpu.memory_space<vmem>>, vector<16xf32>,
        %get3A_398 = arith.index_cast %add3A_366 : i32 to index
        %get3A_399 = arith.constant 64 : index
        %get3A_400 = tpu.vector_load %arg14[%get3A_398, %get3A_399] {strides = array<i32>} : memref<128x128xf32, #tpu.memory_space<vmem>>, vector<16xf32>,
        %mul3A_401 = arith.mulf %get3A_400, %broadcast_in_dim3A_369 : vector<16xf32>
        %swap3A_402 = arith.index_cast %add3A_366 : i32 to index
        %swap3A_403 = arith.constant 64 : index
        %swap3A_404 = tpu.vector_load %arg14[%swap3A_402, %swap3A_403] {strides = array<i32>} : memref<128x128xf32, #tpu.memory_space<vmem>>, vector<16xf32>,
        tpu.vector_store %arg14[%swap3A_402, %swap3A_403], %mul3A_401 {strides = array<i32>} : memref<128x128xf32, #tpu.memory_space<vmem>>, vector<16xf32>,
        %get3A_405 = arith.index_cast %add3A_366 : i32 to index
        %get3A_406 = arith.constant 80 : index
        %get3A_407 = tpu.vector_load %arg14[%get3A_405, %get3A_406] {strides = array<i32>} : memref<128x128xf32, #tpu.memory_space<vmem>>, vector<16xf32>,
        %mul3A_408 = arith.mulf %get3A_407, %broadcast_in_dim3A_369 : vector<16xf32>
        %swap3A_409 = arith.index_cast %add3A_366 : i32 to index
        %swap3A_410 = arith.constant 80 : index
        %swap3A_411 = tpu.vector_load %arg14[%swap3A_409, %swap3A_410] {strides = array<i32>} : memref<128x128xf32, #tpu.memory_space<vmem>>, vector<16xf32>,
        tpu.vector_store %arg14[%swap3A_409, %swap3A_410], %mul3A_408 {strides = array<i32>} : memref<128x128xf32, #tpu.memory_space<vmem>>, vector<16xf32>,
        %get3A_412 = arith.index_cast %add3A_366 : i32 to index
        %get3A_413 = arith.constant 96 : index
        %get3A_414 = tpu.vector_load %arg14[%get3A_412, %get3A_413] {strides = array<i32>} : memref<128x128xf32, #tpu.memory_space<vmem>>, vector<16xf32>,
        %mul3A_415 = arith.mulf %get3A_414, %broadcast_in_dim3A_369 : vector<16xf32>
        %swap3A_416 = arith.index_cast %add3A_366 : i32 to index
        %swap3A_417 = arith.constant 96 : index
        %swap3A_418 = tpu.vector_load %arg14[%swap3A_416, %swap3A_417] {strides = array<i32>} : memref<128x128xf32, #tpu.memory_space<vmem>>, vector<16xf32>,
        tpu.vector_store %arg14[%swap3A_416, %swap3A_417], %mul3A_415 {strides = array<i32>} : memref<128x128xf32, #tpu.memory_space<vmem>>, vector<16xf32>,
        %get3A_419 = arith.index_cast %add3A_366 : i32 to index
        %get3A_420 = arith.constant 112 : index
        %get3A_421 = tpu.vector_load %arg14[%get3A_419, %get3A_420] {strides = array<i32>} : memref<128x128xf32, #tpu.memory_space<vmem>>, vector<16xf32>,
        %mul3A_422 = arith.mulf %get3A_421, %broadcast_in_dim3A_369 : vector<16xf32>
        %swap3A_423 = arith.index_cast %add3A_366 : i32 to index
        %swap3A_424 = arith.constant 112 : index
        %swap3A_425 = tpu.vector_load %arg14[%swap3A_423, %swap3A_424] {strides = array<i32>} : memref<128x128xf32, #tpu.memory_space<vmem>>, vector<16xf32>,
        tpu.vector_store %arg14[%swap3A_423, %swap3A_424], %mul3A_422 {strides = array<i32>} : memref<128x128xf32, #tpu.memory_space<vmem>>, vector<16xf32>,
        %mul3A_426 = arith.constant 16 : i32
        %mul3A_427 = arith.muli %scan3A_159, %mul3A_426 : i32
        %add3A_428 = arith.constant 4 : i32
        %add3A_429 = arith.addi %mul3A_427, %add3A_428 : i32
        %slice3A_430 = vector.extract_strided_slice %get3A_165 {offsets = [4], sizes = [1], strides = [1]} : vector<16xf32> to vector<1xf32>
        %squeeze3A_431 = vector.extract %slice3A_430[0] : f32 from vector<1xf32>
        %broadcast_in_dim3A_432 = vector.broadcast %squeeze3A_431 : f32 to vector<16xf32>
        %get3A_433 = arith.index_cast %add3A_429 : i32 to index
        %get3A_434 = arith.constant 0 : index
        %get3A_435 = tpu.vector_load %arg14[%get3A_433, %get3A_434] {strides = array<i32>} : memref<128x128xf32, #tpu.memory_space<vmem>>, vector<16xf32>,
        %mul3A_436 = arith.mulf %get3A_435, %broadcast_in_dim3A_432 : vector<16xf32>
        %swap3A_437 = arith.index_cast %add3A_429 : i32 to index
        %swap3A_438 = arith.constant 0 : index
        %swap3A_439 = tpu.vector_load %arg14[%swap3A_437, %swap3A_438] {strides = array<i32>} : memref<128x128xf32, #tpu.memory_space<vmem>>, vector<16xf32>,
        tpu.vector_store %arg14[%swap3A_437, %swap3A_438], %mul3A_436 {strides = array<i32>} : memref<128x128xf32, #tpu.memory_space<vmem>>, vector<16xf32>,
        %get3A_440 = arith.index_cast %add3A_429 : i32 to index
        %get3A_441 = arith.constant 16 : index
        %get3A_442 = tpu.vector_load %arg14[%get3A_440, %get3A_441] {strides = array<i32>} : memref<128x128xf32, #tpu.memory_space<vmem>>, vector<16xf32>,
        %mul3A_443 = arith.mulf %get3A_442, %broadcast_in_dim3A_432 : vector<16xf32>
        %swap3A_444 = arith.index_cast %add3A_429 : i32 to index
        %swap3A_445 = arith.constant 16 : index
        %swap3A_446 = tpu.vector_load %arg14[%swap3A_444, %swap3A_445] {strides = array<i32>} : memref<128x128xf32, #tpu.memory_space<vmem>>, vector<16xf32>,
        tpu.vector_store %arg14[%swap3A_444, %swap3A_445], %mul3A_443 {strides = array<i32>} : memref<128x128xf32, #tpu.memory_space<vmem>>, vector<16xf32>,
        %get3A_447 = arith.index_cast %add3A_429 : i32 to index
        %get3A_448 = arith.constant 32 : index
        %get3A_449 = tpu.vector_load %arg14[%get3A_447, %get3A_448] {strides = array<i32>} : memref<128x128xf32, #tpu.memory_space<vmem>>, vector<16xf32>,
        %mul3A_450 = arith.mulf %get3A_449, %broadcast_in_dim3A_432 : vector<16xf32>
        %swap3A_451 = arith.index_cast %add3A_429 : i32 to index
        %swap3A_452 = arith.constant 32 : index
        %swap3A_453 = tpu.vector_load %arg14[%swap3A_451, %swap3A_452] {strides = array<i32>} : memref<128x128xf32, #tpu.memory_space<vmem>>, vector<16xf32>,
        tpu.vector_store %arg14[%swap3A_451, %swap3A_452], %mul3A_450 {strides = array<i32>} : memref<128x128xf32, #tpu.memory_space<vmem>>, vector<16xf32>,
        %get3A_454 = arith.index_cast %add3A_429 : i32 to index
        %get3A_455 = arith.constant 48 : index
        %get3A_456 = tpu.vector_load %arg14[%get3A_454, %get3A_455] {strides = array<i32>} : memref<128x128xf32, #tpu.memory_space<vmem>>, vector<16xf32>,
        %mul3A_457 = arith.mulf %get3A_456, %broadcast_in_dim3A_432 : vector<16xf32>
        %swap3A_458 = arith.index_cast %add3A_429 : i32 to index
        %swap3A_459 = arith.constant 48 : index
        %swap3A_460 = tpu.vector_load %arg14[%swap3A_458, %swap3A_459] {strides = array<i32>} : memref<128x128xf32, #tpu.memory_space<vmem>>, vector<16xf32>,
        tpu.vector_store %arg14[%swap3A_458, %swap3A_459], %mul3A_457 {strides = array<i32>} : memref<128x128xf32, #tpu.memory_space<vmem>>, vector<16xf32>,
        %get3A_461 = arith.index_cast %add3A_429 : i32 to index
        %get3A_462 = arith.constant 64 : index
        %get3A_463 = tpu.vector_load %arg14[%get3A_461, %get3A_462] {strides = array<i32>} : memref<128x128xf32, #tpu.memory_space<vmem>>, vector<16xf32>,
        %mul3A_464 = arith.mulf %get3A_463, %broadcast_in_dim3A_432 : vector<16xf32>
        %swap3A_465 = arith.index_cast %add3A_429 : i32 to index
        %swap3A_466 = arith.constant 64 : index
        %swap3A_467 = tpu.vector_load %arg14[%swap3A_465, %swap3A_466] {strides = array<i32>} : memref<128x128xf32, #tpu.memory_space<vmem>>, vector<16xf32>,
        tpu.vector_store %arg14[%swap3A_465, %swap3A_466], %mul3A_464 {strides = array<i32>} : memref<128x128xf32, #tpu.memory_space<vmem>>, vector<16xf32>,
        %get3A_468 = arith.index_cast %add3A_429 : i32 to index
        %get3A_469 = arith.constant 80 : index
        %get3A_470 = tpu.vector_load %arg14[%get3A_468, %get3A_469] {strides = array<i32>} : memref<128x128xf32, #tpu.memory_space<vmem>>, vector<16xf32>,
        %mul3A_471 = arith.mulf %get3A_470, %broadcast_in_dim3A_432 : vector<16xf32>
        %swap3A_472 = arith.index_cast %add3A_429 : i32 to index
        %swap3A_473 = arith.constant 80 : index
        %swap3A_474 = tpu.vector_load %arg14[%swap3A_472, %swap3A_473] {strides = array<i32>} : memref<128x128xf32, #tpu.memory_space<vmem>>, vector<16xf32>,
        tpu.vector_store %arg14[%swap3A_472, %swap3A_473], %mul3A_471 {strides = array<i32>} : memref<128x128xf32, #tpu.memory_space<vmem>>, vector<16xf32>,
        %get3A_475 = arith.index_cast %add3A_429 : i32 to index
        %get3A_476 = arith.constant 96 : index
        %get3A_477 = tpu.vector_load %arg14[%get3A_475, %get3A_476] {strides = array<i32>} : memref<128x128xf32, #tpu.memory_space<vmem>>, vector<16xf32>,
        %mul3A_478 = arith.mulf %get3A_477, %broadcast_in_dim3A_432 : vector<16xf32>
        %swap3A_479 = arith.index_cast %add3A_429 : i32 to index
        %swap3A_480 = arith.constant 96 : index
        %swap3A_481 = tpu.vector_load %arg14[%swap3A_479, %swap3A_480] {strides = array<i32>} : memref<128x128xf32, #tpu.memory_space<vmem>>, vector<16xf32>,
        tpu.vector_store %arg14[%swap3A_479, %swap3A_480], %mul3A_478 {strides = array<i32>} : memref<128x128xf32, #tpu.memory_space<vmem>>, vector<16xf32>,
        %get3A_482 = arith.index_cast %add3A_429 : i32 to index
        %get3A_483 = arith.constant 112 : index
        %get3A_484 = tpu.vector_load %arg14[%get3A_482, %get3A_483] {strides = array<i32>} : memref<128x128xf32, #tpu.memory_space<vmem>>, vector<16xf32>,
        %mul3A_485 = arith.mulf %get3A_484, %broadcast_in_dim3A_432 : vector<16xf32>
        %swap3A_486 = arith.index_cast %add3A_429 : i32 to index
        %swap3A_487 = arith.constant 112 : index
        %swap3A_488 = tpu.vector_load %arg14[%swap3A_486, %swap3A_487] {strides = array<i32>} : memref<128x128xf32, #tpu.memory_space<vmem>>, vector<16xf32>,
        tpu.vector_store %arg14[%swap3A_486, %swap3A_487], %mul3A_485 {strides = array<i32>} : memref<128x128xf32, #tpu.memory_space<vmem>>, vector<16xf32>,
        %mul3A_489 = arith.constant 16 : i32
        %mul3A_490 = arith.muli %scan3A_159, %mul3A_489 : i32
        %add3A_491 = arith.constant 5 : i32
        %add3A_492 = arith.addi %mul3A_490, %add3A_491 : i32
        %slice3A_493 = vector.extract_strided_slice %get3A_165 {offsets = [5], sizes = [1], strides = [1]} : vector<16xf32> to vector<1xf32>
        %squeeze3A_494 = vector.extract %slice3A_493[0] : f32 from vector<1xf32>
        %broadcast_in_dim3A_495 = vector.broadcast %squeeze3A_494 : f32 to vector<16xf32>
        %get3A_496 = arith.index_cast %add3A_492 : i32 to index
        %get3A_497 = arith.constant 0 : index
        %get3A_498 = tpu.vector_load %arg14[%get3A_496, %get3A_497] {strides = array<i32>} : memref<128x128xf32, #tpu.memory_space<vmem>>, vector<16xf32>,
        %mul3A_499 = arith.mulf %get3A_498, %broadcast_in_dim3A_495 : vector<16xf32>
        %swap3A_500 = arith.index_cast %add3A_492 : i32 to index
        %swap3A_501 = arith.constant 0 : index
        %swap3A_502 = tpu.vector_load %arg14[%swap3A_500, %swap3A_501] {strides = array<i32>} : memref<128x128xf32, #tpu.memory_space<vmem>>, vector<16xf32>,
        tpu.vector_store %arg14[%swap3A_500, %swap3A_501], %mul3A_499 {strides = array<i32>} : memref<128x128xf32, #tpu.memory_space<vmem>>, vector<16xf32>,
        %get3A_503 = arith.index_cast %add3A_492 : i32 to index
        %get3A_504 = arith.constant 16 : index
        %get3A_505 = tpu.vector_load %arg14[%get3A_503, %get3A_504] {strides = array<i32>} : memref<128x128xf32, #tpu.memory_space<vmem>>, vector<16xf32>,
        %mul3A_506 = arith.mulf %get3A_505, %broadcast_in_dim3A_495 : vector<16xf32>
        %swap3A_507 = arith.index_cast %add3A_492 : i32 to index
        %swap3A_508 = arith.constant 16 : index
        %swap3A_509 = tpu.vector_load %arg14[%swap3A_507, %swap3A_508] {strides = array<i32>} : memref<128x128xf32, #tpu.memory_space<vmem>>, vector<16xf32>,
        tpu.vector_store %arg14[%swap3A_507, %swap3A_508], %mul3A_506 {strides = array<i32>} : memref<128x128xf32, #tpu.memory_space<vmem>>, vector<16xf32>,
        %get3A_510 = arith.index_cast %add3A_492 : i32 to index
        %get3A_511 = arith.constant 32 : index
        %get3A_512 = tpu.vector_load %arg14[%get3A_510, %get3A_511] {strides = array<i32>} : memref<128x128xf32, #tpu.memory_space<vmem>>, vector<16xf32>,
        %mul3A_513 = arith.mulf %get3A_512, %broadcast_in_dim3A_495 : vector<16xf32>
        %swap3A_514 = arith.index_cast %add3A_492 : i32 to index
        %swap3A_515 = arith.constant 32 : index
        %swap3A_516 = tpu.vector_load %arg14[%swap3A_514, %swap3A_515] {strides = array<i32>} : memref<128x128xf32, #tpu.memory_space<vmem>>, vector<16xf32>,
        tpu.vector_store %arg14[%swap3A_514, %swap3A_515], %mul3A_513 {strides = array<i32>} : memref<128x128xf32, #tpu.memory_space<vmem>>, vector<16xf32>,
        %get3A_517 = arith.index_cast %add3A_492 : i32 to index
        %get3A_518 = arith.constant 48 : index
        %get3A_519 = tpu.vector_load %arg14[%get3A_517, %get3A_518] {strides = array<i32>} : memref<128x128xf32, #tpu.memory_space<vmem>>, vector<16xf32>,
        %mul3A_520 = arith.mulf %get3A_519, %broadcast_in_dim3A_495 : vector<16xf32>
        %swap3A_521 = arith.index_cast %add3A_492 : i32 to index
        %swap3A_522 = arith.constant 48 : index
        %swap3A_523 = tpu.vector_load %arg14[%swap3A_521, %swap3A_522] {strides = array<i32>} : memref<128x128xf32, #tpu.memory_space<vmem>>, vector<16xf32>,
        tpu.vector_store %arg14[%swap3A_521, %swap3A_522], %mul3A_520 {strides = array<i32>} : memref<128x128xf32, #tpu.memory_space<vmem>>, vector<16xf32>,
        %get3A_524 = arith.index_cast %add3A_492 : i32 to index
        %get3A_525 = arith.constant 64 : index
        %get3A_526 = tpu.vector_load %arg14[%get3A_524, %get3A_525] {strides = array<i32>} : memref<128x128xf32, #tpu.memory_space<vmem>>, vector<16xf32>,
        %mul3A_527 = arith.mulf %get3A_526, %broadcast_in_dim3A_495 : vector<16xf32>
        %swap3A_528 = arith.index_cast %add3A_492 : i32 to index
        %swap3A_529 = arith.constant 64 : index
        %swap3A_530 = tpu.vector_load %arg14[%swap3A_528, %swap3A_529] {strides = array<i32>} : memref<128x128xf32, #tpu.memory_space<vmem>>, vector<16xf32>,
        tpu.vector_store %arg14[%swap3A_528, %swap3A_529], %mul3A_527 {strides = array<i32>} : memref<128x128xf32, #tpu.memory_space<vmem>>, vector<16xf32>,
        %get3A_531 = arith.index_cast %add3A_492 : i32 to index
        %get3A_532 = arith.constant 80 : index
        %get3A_533 = tpu.vector_load %arg14[%get3A_531, %get3A_532] {strides = array<i32>} : memref<128x128xf32, #tpu.memory_space<vmem>>, vector<16xf32>,
        %mul3A_534 = arith.mulf %get3A_533, %broadcast_in_dim3A_495 : vector<16xf32>
        %swap3A_535 = arith.index_cast %add3A_492 : i32 to index
        %swap3A_536 = arith.constant 80 : index
        %swap3A_537 = tpu.vector_load %arg14[%swap3A_535, %swap3A_536] {strides = array<i32>} : memref<128x128xf32, #tpu.memory_space<vmem>>, vector<16xf32>,
        tpu.vector_store %arg14[%swap3A_535, %swap3A_536], %mul3A_534 {strides = array<i32>} : memref<128x128xf32, #tpu.memory_space<vmem>>, vector<16xf32>,
        %get3A_538 = arith.index_cast %add3A_492 : i32 to index
        %get3A_539 = arith.constant 96 : index
        %get3A_540 = tpu.vector_load %arg14[%get3A_538, %get3A_539] {strides = array<i32>} : memref<128x128xf32, #tpu.memory_space<vmem>>, vector<16xf32>,
        %mul3A_541 = arith.mulf %get3A_540, %broadcast_in_dim3A_495 : vector<16xf32>
        %swap3A_542 = arith.index_cast %add3A_492 : i32 to index
        %swap3A_543 = arith.constant 96 : index
        %swap3A_544 = tpu.vector_load %arg14[%swap3A_542, %swap3A_543] {strides = array<i32>} : memref<128x128xf32, #tpu.memory_space<vmem>>, vector<16xf32>,
        tpu.vector_store %arg14[%swap3A_542, %swap3A_543], %mul3A_541 {strides = array<i32>} : memref<128x128xf32, #tpu.memory_space<vmem>>, vector<16xf32>,
        %get3A_545 = arith.index_cast %add3A_492 : i32 to index
        %get3A_546 = arith.constant 112 : index
        %get3A_547 = tpu.vector_load %arg14[%get3A_545, %get3A_546] {strides = array<i32>} : memref<128x128xf32, #tpu.memory_space<vmem>>, vector<16xf32>,
        %mul3A_548 = arith.mulf %get3A_547, %broadcast_in_dim3A_495 : vector<16xf32>
        %swap3A_549 = arith.index_cast %add3A_492 : i32 to index
        %swap3A_550 = arith.constant 112 : index
        %swap3A_551 = tpu.vector_load %arg14[%swap3A_549, %swap3A_550] {strides = array<i32>} : memref<128x128xf32, #tpu.memory_space<vmem>>, vector<16xf32>,
        tpu.vector_store %arg14[%swap3A_549, %swap3A_550], %mul3A_548 {strides = array<i32>} : memref<128x128xf32, #tpu.memory_space<vmem>>, vector<16xf32>,
        %mul3A_552 = arith.constant 16 : i32
        %mul3A_553 = arith.muli %scan3A_159, %mul3A_552 : i32
        %add3A_554 = arith.constant 6 : i32
        %add3A_555 = arith.addi %mul3A_553, %add3A_554 : i32
        %slice3A_556 = vector.extract_strided_slice %get3A_165 {offsets = [6], sizes = [1], strides = [1]} : vector<16xf32> to vector<1xf32>
        %squeeze3A_557 = vector.extract %slice3A_556[0] : f32 from vector<1xf32>
        %broadcast_in_dim3A_558 = vector.broadcast %squeeze3A_557 : f32 to vector<16xf32>
        %get3A_559 = arith.index_cast %add3A_555 : i32 to index
        %get3A_560 = arith.constant 0 : index
        %get3A_561 = tpu.vector_load %arg14[%get3A_559, %get3A_560] {strides = array<i32>} : memref<128x128xf32, #tpu.memory_space<vmem>>, vector<16xf32>,
        %mul3A_562 = arith.mulf %get3A_561, %broadcast_in_dim3A_558 : vector<16xf32>
        %swap3A_563 = arith.index_cast %add3A_555 : i32 to index
        %swap3A_564 = arith.constant 0 : index
        %swap3A_565 = tpu.vector_load %arg14[%swap3A_563, %swap3A_564] {strides = array<i32>} : memref<128x128xf32, #tpu.memory_space<vmem>>, vector<16xf32>,
        tpu.vector_store %arg14[%swap3A_563, %swap3A_564], %mul3A_562 {strides = array<i32>} : memref<128x128xf32, #tpu.memory_space<vmem>>, vector<16xf32>,
        %get3A_566 = arith.index_cast %add3A_555 : i32 to index
        %get3A_567 = arith.constant 16 : index
        %get3A_568 = tpu.vector_load %arg14[%get3A_566, %get3A_567] {strides = array<i32>} : memref<128x128xf32, #tpu.memory_space<vmem>>, vector<16xf32>,
        %mul3A_569 = arith.mulf %get3A_568, %broadcast_in_dim3A_558 : vector<16xf32>
        %swap3A_570 = arith.index_cast %add3A_555 : i32 to index
        %swap3A_571 = arith.constant 16 : index
        %swap3A_572 = tpu.vector_load %arg14[%swap3A_570, %swap3A_571] {strides = array<i32>} : memref<128x128xf32, #tpu.memory_space<vmem>>, vector<16xf32>,
        tpu.vector_store %arg14[%swap3A_570, %swap3A_571], %mul3A_569 {strides = array<i32>} : memref<128x128xf32, #tpu.memory_space<vmem>>, vector<16xf32>,
        %get3A_573 = arith.index_cast %add3A_555 : i32 to index
        %get3A_574 = arith.constant 32 : index
        %get3A_575 = tpu.vector_load %arg14[%get3A_573, %get3A_574] {strides = array<i32>} : memref<128x128xf32, #tpu.memory_space<vmem>>, vector<16xf32>,
        %mul3A_576 = arith.mulf %get3A_575, %broadcast_in_dim3A_558 : vector<16xf32>
        %swap3A_577 = arith.index_cast %add3A_555 : i32 to index
        %swap3A_578 = arith.constant 32 : index
        %swap3A_579 = tpu.vector_load %arg14[%swap3A_577, %swap3A_578] {strides = array<i32>} : memref<128x128xf32, #tpu.memory_space<vmem>>, vector<16xf32>,
        tpu.vector_store %arg14[%swap3A_577, %swap3A_578], %mul3A_576 {strides = array<i32>} : memref<128x128xf32, #tpu.memory_space<vmem>>, vector<16xf32>,
        %get3A_580 = arith.index_cast %add3A_555 : i32 to index
        %get3A_581 = arith.constant 48 : index
        %get3A_582 = tpu.vector_load %arg14[%get3A_580, %get3A_581] {strides = array<i32>} : memref<128x128xf32, #tpu.memory_space<vmem>>, vector<16xf32>,
        %mul3A_583 = arith.mulf %get3A_582, %broadcast_in_dim3A_558 : vector<16xf32>
        %swap3A_584 = arith.index_cast %add3A_555 : i32 to index
        %swap3A_585 = arith.constant 48 : index
        %swap3A_586 = tpu.vector_load %arg14[%swap3A_584, %swap3A_585] {strides = array<i32>} : memref<128x128xf32, #tpu.memory_space<vmem>>, vector<16xf32>,
        tpu.vector_store %arg14[%swap3A_584, %swap3A_585], %mul3A_583 {strides = array<i32>} : memref<128x128xf32, #tpu.memory_space<vmem>>, vector<16xf32>,
        %get3A_587 = arith.index_cast %add3A_555 : i32 to index
        %get3A_588 = arith.constant 64 : index
        %get3A_589 = tpu.vector_load %arg14[%get3A_587, %get3A_588] {strides = array<i32>} : memref<128x128xf32, #tpu.memory_space<vmem>>, vector<16xf32>,
        %mul3A_590 = arith.mulf %get3A_589, %broadcast_in_dim3A_558 : vector<16xf32>
        %swap3A_591 = arith.index_cast %add3A_555 : i32 to index
        %swap3A_592 = arith.constant 64 : index
        %swap3A_593 = tpu.vector_load %arg14[%swap3A_591, %swap3A_592] {strides = array<i32>} : memref<128x128xf32, #tpu.memory_space<vmem>>, vector<16xf32>,
        tpu.vector_store %arg14[%swap3A_591, %swap3A_592], %mul3A_590 {strides = array<i32>} : memref<128x128xf32, #tpu.memory_space<vmem>>, vector<16xf32>,
        %get3A_594 = arith.index_cast %add3A_555 : i32 to index
        %get3A_595 = arith.constant 80 : index
        %get3A_596 = tpu.vector_load %arg14[%get3A_594, %get3A_595] {strides = array<i32>} : memref<128x128xf32, #tpu.memory_space<vmem>>, vector<16xf32>,
        %mul3A_597 = arith.mulf %get3A_596, %broadcast_in_dim3A_558 : vector<16xf32>
        %swap3A_598 = arith.index_cast %add3A_555 : i32 to index
        %swap3A_599 = arith.constant 80 : index
        %swap3A_600 = tpu.vector_load %arg14[%swap3A_598, %swap3A_599] {strides = array<i32>} : memref<128x128xf32, #tpu.memory_space<vmem>>, vector<16xf32>,
        tpu.vector_store %arg14[%swap3A_598, %swap3A_599], %mul3A_597 {strides = array<i32>} : memref<128x128xf32, #tpu.memory_space<vmem>>, vector<16xf32>,
        %get3A_601 = arith.index_cast %add3A_555 : i32 to index
        %get3A_602 = arith.constant 96 : index
        %get3A_603 = tpu.vector_load %arg14[%get3A_601, %get3A_602] {strides = array<i32>} : memref<128x128xf32, #tpu.memory_space<vmem>>, vector<16xf32>,
        %mul3A_604 = arith.mulf %get3A_603, %broadcast_in_dim3A_558 : vector<16xf32>
        %swap3A_605 = arith.index_cast %add3A_555 : i32 to index
        %swap3A_606 = arith.constant 96 : index
        %swap3A_607 = tpu.vector_load %arg14[%swap3A_605, %swap3A_606] {strides = array<i32>} : memref<128x128xf32, #tpu.memory_space<vmem>>, vector<16xf32>,
        tpu.vector_store %arg14[%swap3A_605, %swap3A_606], %mul3A_604 {strides = array<i32>} : memref<128x128xf32, #tpu.memory_space<vmem>>, vector<16xf32>,
        %get3A_608 = arith.index_cast %add3A_555 : i32 to index
        %get3A_609 = arith.constant 112 : index
        %get3A_610 = tpu.vector_load %arg14[%get3A_608, %get3A_609] {strides = array<i32>} : memref<128x128xf32, #tpu.memory_space<vmem>>, vector<16xf32>,
        %mul3A_611 = arith.mulf %get3A_610, %broadcast_in_dim3A_558 : vector<16xf32>
        %swap3A_612 = arith.index_cast %add3A_555 : i32 to index
        %swap3A_613 = arith.constant 112 : index
        %swap3A_614 = tpu.vector_load %arg14[%swap3A_612, %swap3A_613] {strides = array<i32>} : memref<128x128xf32, #tpu.memory_space<vmem>>, vector<16xf32>,
        tpu.vector_store %arg14[%swap3A_612, %swap3A_613], %mul3A_611 {strides = array<i32>} : memref<128x128xf32, #tpu.memory_space<vmem>>, vector<16xf32>,
        %mul3A_615 = arith.constant 16 : i32
        %mul3A_616 = arith.muli %scan3A_159, %mul3A_615 : i32
        %add3A_617 = arith.constant 7 : i32
        %add3A_618 = arith.addi %mul3A_616, %add3A_617 : i32
        %slice3A_619 = vector.extract_strided_slice %get3A_165 {offsets = [7], sizes = [1], strides = [1]} : vector<16xf32> to vector<1xf32>
        %squeeze3A_620 = vector.extract %slice3A_619[0] : f32 from vector<1xf32>
        %broadcast_in_dim3A_621 = vector.broadcast %squeeze3A_620 : f32 to vector<16xf32>
        %get3A_622 = arith.index_cast %add3A_618 : i32 to index
        %get3A_623 = arith.constant 0 : index
        %get3A_624 = tpu.vector_load %arg14[%get3A_622, %get3A_623] {strides = array<i32>} : memref<128x128xf32, #tpu.memory_space<vmem>>, vector<16xf32>,
        %mul3A_625 = arith.mulf %get3A_624, %broadcast_in_dim3A_621 : vector<16xf32>
        %swap3A_626 = arith.index_cast %add3A_618 : i32 to index
        %swap3A_627 = arith.constant 0 : index
        %swap3A_628 = tpu.vector_load %arg14[%swap3A_626, %swap3A_627] {strides = array<i32>} : memref<128x128xf32, #tpu.memory_space<vmem>>, vector<16xf32>,
        tpu.vector_store %arg14[%swap3A_626, %swap3A_627], %mul3A_625 {strides = array<i32>} : memref<128x128xf32, #tpu.memory_space<vmem>>, vector<16xf32>,
        %get3A_629 = arith.index_cast %add3A_618 : i32 to index
        %get3A_630 = arith.constant 16 : index
        %get3A_631 = tpu.vector_load %arg14[%get3A_629, %get3A_630] {strides = array<i32>} : memref<128x128xf32, #tpu.memory_space<vmem>>, vector<16xf32>,
        %mul3A_632 = arith.mulf %get3A_631, %broadcast_in_dim3A_621 : vector<16xf32>
        %swap3A_633 = arith.index_cast %add3A_618 : i32 to index
        %swap3A_634 = arith.constant 16 : index
        %swap3A_635 = tpu.vector_load %arg14[%swap3A_633, %swap3A_634] {strides = array<i32>} : memref<128x128xf32, #tpu.memory_space<vmem>>, vector<16xf32>,
        tpu.vector_store %arg14[%swap3A_633, %swap3A_634], %mul3A_632 {strides = array<i32>} : memref<128x128xf32, #tpu.memory_space<vmem>>, vector<16xf32>,
        %get3A_636 = arith.index_cast %add3A_618 : i32 to index
        %get3A_637 = arith.constant 32 : index
        %get3A_638 = tpu.vector_load %arg14[%get3A_636, %get3A_637] {strides = array<i32>} : memref<128x128xf32, #tpu.memory_space<vmem>>, vector<16xf32>,
        %mul3A_639 = arith.mulf %get3A_638, %broadcast_in_dim3A_621 : vector<16xf32>
        %swap3A_640 = arith.index_cast %add3A_618 : i32 to index
        %swap3A_641 = arith.constant 32 : index
        %swap3A_642 = tpu.vector_load %arg14[%swap3A_640, %swap3A_641] {strides = array<i32>} : memref<128x128xf32, #tpu.memory_space<vmem>>, vector<16xf32>,
        tpu.vector_store %arg14[%swap3A_640, %swap3A_641], %mul3A_639 {strides = array<i32>} : memref<128x128xf32, #tpu.memory_space<vmem>>, vector<16xf32>,
        %get3A_643 = arith.index_cast %add3A_618 : i32 to index
        %get3A_644 = arith.constant 48 : index
        %get3A_645 = tpu.vector_load %arg14[%get3A_643, %get3A_644] {strides = array<i32>} : memref<128x128xf32, #tpu.memory_space<vmem>>, vector<16xf32>,
        %mul3A_646 = arith.mulf %get3A_645, %broadcast_in_dim3A_621 : vector<16xf32>
        %swap3A_647 = arith.index_cast %add3A_618 : i32 to index
        %swap3A_648 = arith.constant 48 : index
        %swap3A_649 = tpu.vector_load %arg14[%swap3A_647, %swap3A_648] {strides = array<i32>} : memref<128x128xf32, #tpu.memory_space<vmem>>, vector<16xf32>,
        tpu.vector_store %arg14[%swap3A_647, %swap3A_648], %mul3A_646 {strides = array<i32>} : memref<128x128xf32, #tpu.memory_space<vmem>>, vector<16xf32>,
        %get3A_650 = arith.index_cast %add3A_618 : i32 to index
        %get3A_651 = arith.constant 64 : index
        %get3A_652 = tpu.vector_load %arg14[%get3A_650, %get3A_651] {strides = array<i32>} : memref<128x128xf32, #tpu.memory_space<vmem>>, vector<16xf32>,
        %mul3A_653 = arith.mulf %get3A_652, %broadcast_in_dim3A_621 : vector<16xf32>
        %swap3A_654 = arith.index_cast %add3A_618 : i32 to index
        %swap3A_655 = arith.constant 64 : index
        %swap3A_656 = tpu.vector_load %arg14[%swap3A_654, %swap3A_655] {strides = array<i32>} : memref<128x128xf32, #tpu.memory_space<vmem>>, vector<16xf32>,
        tpu.vector_store %arg14[%swap3A_654, %swap3A_655], %mul3A_653 {strides = array<i32>} : memref<128x128xf32, #tpu.memory_space<vmem>>, vector<16xf32>,
        %get3A_657 = arith.index_cast %add3A_618 : i32 to index
        %get3A_658 = arith.constant 80 : index
        %get3A_659 = tpu.vector_load %arg14[%get3A_657, %get3A_658] {strides = array<i32>} : memref<128x128xf32, #tpu.memory_space<vmem>>, vector<16xf32>,
        %mul3A_660 = arith.mulf %get3A_659, %broadcast_in_dim3A_621 : vector<16xf32>
        %swap3A_661 = arith.index_cast %add3A_618 : i32 to index
        %swap3A_662 = arith.constant 80 : index
        %swap3A_663 = tpu.vector_load %arg14[%swap3A_661, %swap3A_662] {strides = array<i32>} : memref<128x128xf32, #tpu.memory_space<vmem>>, vector<16xf32>,
        tpu.vector_store %arg14[%swap3A_661, %swap3A_662], %mul3A_660 {strides = array<i32>} : memref<128x128xf32, #tpu.memory_space<vmem>>, vector<16xf32>,
        %get3A_664 = arith.index_cast %add3A_618 : i32 to index
        %get3A_665 = arith.constant 96 : index
        %get3A_666 = tpu.vector_load %arg14[%get3A_664, %get3A_665] {strides = array<i32>} : memref<128x128xf32, #tpu.memory_space<vmem>>, vector<16xf32>,
        %mul3A_667 = arith.mulf %get3A_666, %broadcast_in_dim3A_621 : vector<16xf32>
        %swap3A_668 = arith.index_cast %add3A_618 : i32 to index
        %swap3A_669 = arith.constant 96 : index
        %swap3A_670 = tpu.vector_load %arg14[%swap3A_668, %swap3A_669] {strides = array<i32>} : memref<128x128xf32, #tpu.memory_space<vmem>>, vector<16xf32>,
        tpu.vector_store %arg14[%swap3A_668, %swap3A_669], %mul3A_667 {strides = array<i32>} : memref<128x128xf32, #tpu.memory_space<vmem>>, vector<16xf32>,
        %get3A_671 = arith.index_cast %add3A_618 : i32 to index
        %get3A_672 = arith.constant 112 : index
        %get3A_673 = tpu.vector_load %arg14[%get3A_671, %get3A_672] {strides = array<i32>} : memref<128x128xf32, #tpu.memory_space<vmem>>, vector<16xf32>,
        %mul3A_674 = arith.mulf %get3A_673, %broadcast_in_dim3A_621 : vector<16xf32>
        %swap3A_675 = arith.index_cast %add3A_618 : i32 to index
        %swap3A_676 = arith.constant 112 : index
        %swap3A_677 = tpu.vector_load %arg14[%swap3A_675, %swap3A_676] {strides = array<i32>} : memref<128x128xf32, #tpu.memory_space<vmem>>, vector<16xf32>,
        tpu.vector_store %arg14[%swap3A_675, %swap3A_676], %mul3A_674 {strides = array<i32>} : memref<128x128xf32, #tpu.memory_space<vmem>>, vector<16xf32>,
        %mul3A_678 = arith.constant 16 : i32
        %mul3A_679 = arith.muli %scan3A_159, %mul3A_678 : i32
        %add3A_680 = arith.constant 8 : i32
        %add3A_681 = arith.addi %mul3A_679, %add3A_680 : i32
        %slice3A_682 = vector.extract_strided_slice %get3A_165 {offsets = [8], sizes = [1], strides = [1]} : vector<16xf32> to vector<1xf32>
        %squeeze3A_683 = vector.extract %slice3A_682[0] : f32 from vector<1xf32>
        %broadcast_in_dim3A_684 = vector.broadcast %squeeze3A_683 : f32 to vector<16xf32>
        %get3A_685 = arith.index_cast %add3A_681 : i32 to index
        %get3A_686 = arith.constant 0 : index
        %get3A_687 = tpu.vector_load %arg14[%get3A_685, %get3A_686] {strides = array<i32>} : memref<128x128xf32, #tpu.memory_space<vmem>>, vector<16xf32>,
        %mul3A_688 = arith.mulf %get3A_687, %broadcast_in_dim3A_684 : vector<16xf32>
        %swap3A_689 = arith.index_cast %add3A_681 : i32 to index
        %swap3A_690 = arith.constant 0 : index
        %swap3A_691 = tpu.vector_load %arg14[%swap3A_689, %swap3A_690] {strides = array<i32>} : memref<128x128xf32, #tpu.memory_space<vmem>>, vector<16xf32>,
        tpu.vector_store %arg14[%swap3A_689, %swap3A_690], %mul3A_688 {strides = array<i32>} : memref<128x128xf32, #tpu.memory_space<vmem>>, vector<16xf32>,
        %get3A_692 = arith.index_cast %add3A_681 : i32 to index
        %get3A_693 = arith.constant 16 : index
        %get3A_694 = tpu.vector_load %arg14[%get3A_692, %get3A_693] {strides = array<i32>} : memref<128x128xf32, #tpu.memory_space<vmem>>, vector<16xf32>,
        %mul3A_695 = arith.mulf %get3A_694, %broadcast_in_dim3A_684 : vector<16xf32>
        %swap3A_696 = arith.index_cast %add3A_681 : i32 to index
        %swap3A_697 = arith.constant 16 : index
        %swap3A_698 = tpu.vector_load %arg14[%swap3A_696, %swap3A_697] {strides = array<i32>} : memref<128x128xf32, #tpu.memory_space<vmem>>, vector<16xf32>,
        tpu.vector_store %arg14[%swap3A_696, %swap3A_697], %mul3A_695 {strides = array<i32>} : memref<128x128xf32, #tpu.memory_space<vmem>>, vector<16xf32>,
        %get3A_699 = arith.index_cast %add3A_681 : i32 to index
        %get3A_700 = arith.constant 32 : index
        %get3A_701 = tpu.vector_load %arg14[%get3A_699, %get3A_700] {strides = array<i32>} : memref<128x128xf32, #tpu.memory_space<vmem>>, vector<16xf32>,
        %mul3A_702 = arith.mulf %get3A_701, %broadcast_in_dim3A_684 : vector<16xf32>
        %swap3A_703 = arith.index_cast %add3A_681 : i32 to index
        %swap3A_704 = arith.constant 32 : index
        %swap3A_705 = tpu.vector_load %arg14[%swap3A_703, %swap3A_704] {strides = array<i32>} : memref<128x128xf32, #tpu.memory_space<vmem>>, vector<16xf32>,
        tpu.vector_store %arg14[%swap3A_703, %swap3A_704], %mul3A_702 {strides = array<i32>} : memref<128x128xf32, #tpu.memory_space<vmem>>, vector<16xf32>,
        %get3A_706 = arith.index_cast %add3A_681 : i32 to index
        %get3A_707 = arith.constant 48 : index
        %get3A_708 = tpu.vector_load %arg14[%get3A_706, %get3A_707] {strides = array<i32>} : memref<128x128xf32, #tpu.memory_space<vmem>>, vector<16xf32>,
        %mul3A_709 = arith.mulf %get3A_708, %broadcast_in_dim3A_684 : vector<16xf32>
        %swap3A_710 = arith.index_cast %add3A_681 : i32 to index
        %swap3A_711 = arith.constant 48 : index
        %swap3A_712 = tpu.vector_load %arg14[%swap3A_710, %swap3A_711] {strides = array<i32>} : memref<128x128xf32, #tpu.memory_space<vmem>>, vector<16xf32>,
        tpu.vector_store %arg14[%swap3A_710, %swap3A_711], %mul3A_709 {strides = array<i32>} : memref<128x128xf32, #tpu.memory_space<vmem>>, vector<16xf32>,
        %get3A_713 = arith.index_cast %add3A_681 : i32 to index
        %get3A_714 = arith.constant 64 : index
        %get3A_715 = tpu.vector_load %arg14[%get3A_713, %get3A_714] {strides = array<i32>} : memref<128x128xf32, #tpu.memory_space<vmem>>, vector<16xf32>,
        %mul3A_716 = arith.mulf %get3A_715, %broadcast_in_dim3A_684 : vector<16xf32>
        %swap3A_717 = arith.index_cast %add3A_681 : i32 to index
        %swap3A_718 = arith.constant 64 : index
        %swap3A_719 = tpu.vector_load %arg14[%swap3A_717, %swap3A_718] {strides = array<i32>} : memref<128x128xf32, #tpu.memory_space<vmem>>, vector<16xf32>,
        tpu.vector_store %arg14[%swap3A_717, %swap3A_718], %mul3A_716 {strides = array<i32>} : memref<128x128xf32, #tpu.memory_space<vmem>>, vector<16xf32>,
        %get3A_720 = arith.index_cast %add3A_681 : i32 to index
        %get3A_721 = arith.constant 80 : index
        %get3A_722 = tpu.vector_load %arg14[%get3A_720, %get3A_721] {strides = array<i32>} : memref<128x128xf32, #tpu.memory_space<vmem>>, vector<16xf32>,
        %mul3A_723 = arith.mulf %get3A_722, %broadcast_in_dim3A_684 : vector<16xf32>
        %swap3A_724 = arith.index_cast %add3A_681 : i32 to index
        %swap3A_725 = arith.constant 80 : index
        %swap3A_726 = tpu.vector_load %arg14[%swap3A_724, %swap3A_725] {strides = array<i32>} : memref<128x128xf32, #tpu.memory_space<vmem>>, vector<16xf32>,
        tpu.vector_store %arg14[%swap3A_724, %swap3A_725], %mul3A_723 {strides = array<i32>} : memref<128x128xf32, #tpu.memory_space<vmem>>, vector<16xf32>,
        %get3A_727 = arith.index_cast %add3A_681 : i32 to index
        %get3A_728 = arith.constant 96 : index
        %get3A_729 = tpu.vector_load %arg14[%get3A_727, %get3A_728] {strides = array<i32>} : memref<128x128xf32, #tpu.memory_space<vmem>>, vector<16xf32>,
        %mul3A_730 = arith.mulf %get3A_729, %broadcast_in_dim3A_684 : vector<16xf32>
        %swap3A_731 = arith.index_cast %add3A_681 : i32 to index
        %swap3A_732 = arith.constant 96 : index
        %swap3A_733 = tpu.vector_load %arg14[%swap3A_731, %swap3A_732] {strides = array<i32>} : memref<128x128xf32, #tpu.memory_space<vmem>>, vector<16xf32>,
        tpu.vector_store %arg14[%swap3A_731, %swap3A_732], %mul3A_730 {strides = array<i32>} : memref<128x128xf32, #tpu.memory_space<vmem>>, vector<16xf32>,
        %get3A_734 = arith.index_cast %add3A_681 : i32 to index
        %get3A_735 = arith.constant 112 : index
        %get3A_736 = tpu.vector_load %arg14[%get3A_734, %get3A_735] {strides = array<i32>} : memref<128x128xf32, #tpu.memory_space<vmem>>, vector<16xf32>,
        %mul3A_737 = arith.mulf %get3A_736, %broadcast_in_dim3A_684 : vector<16xf32>
        %swap3A_738 = arith.index_cast %add3A_681 : i32 to index
        %swap3A_739 = arith.constant 112 : index
        %swap3A_740 = tpu.vector_load %arg14[%swap3A_738, %swap3A_739] {strides = array<i32>} : memref<128x128xf32, #tpu.memory_space<vmem>>, vector<16xf32>,
        tpu.vector_store %arg14[%swap3A_738, %swap3A_739], %mul3A_737 {strides = array<i32>} : memref<128x128xf32, #tpu.memory_space<vmem>>, vector<16xf32>,
        %mul3A_741 = arith.constant 16 : i32
        %mul3A_742 = arith.muli %scan3A_159, %mul3A_741 : i32
        %add3A_743 = arith.constant 9 : i32
        %add3A_744 = arith.addi %mul3A_742, %add3A_743 : i32
        %slice3A_745 = vector.extract_strided_slice %get3A_165 {offsets = [9], sizes = [1], strides = [1]} : vector<16xf32> to vector<1xf32>
        %squeeze3A_746 = vector.extract %slice3A_745[0] : f32 from vector<1xf32>
        %broadcast_in_dim3A_747 = vector.broadcast %squeeze3A_746 : f32 to vector<16xf32>
        %get3A_748 = arith.index_cast %add3A_744 : i32 to index
        %get3A_749 = arith.constant 0 : index
        %get3A_750 = tpu.vector_load %arg14[%get3A_748, %get3A_749] {strides = array<i32>} : memref<128x128xf32, #tpu.memory_space<vmem>>, vector<16xf32>,
        %mul3A_751 = arith.mulf %get3A_750, %broadcast_in_dim3A_747 : vector<16xf32>
        %swap3A_752 = arith.index_cast %add3A_744 : i32 to index
        %swap3A_753 = arith.constant 0 : index
        %swap3A_754 = tpu.vector_load %arg14[%swap3A_752, %swap3A_753] {strides = array<i32>} : memref<128x128xf32, #tpu.memory_space<vmem>>, vector<16xf32>,
        tpu.vector_store %arg14[%swap3A_752, %swap3A_753], %mul3A_751 {strides = array<i32>} : memref<128x128xf32, #tpu.memory_space<vmem>>, vector<16xf32>,
        %get3A_755 = arith.index_cast %add3A_744 : i32 to index
        %get3A_756 = arith.constant 16 : index
        %get3A_757 = tpu.vector_load %arg14[%get3A_755, %get3A_756] {strides = array<i32>} : memref<128x128xf32, #tpu.memory_space<vmem>>, vector<16xf32>,
        %mul3A_758 = arith.mulf %get3A_757, %broadcast_in_dim3A_747 : vector<16xf32>
        %swap3A_759 = arith.index_cast %add3A_744 : i32 to index
        %swap3A_760 = arith.constant 16 : index
        %swap3A_761 = tpu.vector_load %arg14[%swap3A_759, %swap3A_760] {strides = array<i32>} : memref<128x128xf32, #tpu.memory_space<vmem>>, vector<16xf32>,
        tpu.vector_store %arg14[%swap3A_759, %swap3A_760], %mul3A_758 {strides = array<i32>} : memref<128x128xf32, #tpu.memory_space<vmem>>, vector<16xf32>,
        %get3A_762 = arith.index_cast %add3A_744 : i32 to index
        %get3A_763 = arith.constant 32 : index
        %get3A_764 = tpu.vector_load %arg14[%get3A_762, %get3A_763] {strides = array<i32>} : memref<128x128xf32, #tpu.memory_space<vmem>>, vector<16xf32>,
        %mul3A_765 = arith.mulf %get3A_764, %broadcast_in_dim3A_747 : vector<16xf32>
        %swap3A_766 = arith.index_cast %add3A_744 : i32 to index
        %swap3A_767 = arith.constant 32 : index
        %swap3A_768 = tpu.vector_load %arg14[%swap3A_766, %swap3A_767] {strides = array<i32>} : memref<128x128xf32, #tpu.memory_space<vmem>>, vector<16xf32>,
        tpu.vector_store %arg14[%swap3A_766, %swap3A_767], %mul3A_765 {strides = array<i32>} : memref<128x128xf32, #tpu.memory_space<vmem>>, vector<16xf32>,
        %get3A_769 = arith.index_cast %add3A_744 : i32 to index
        %get3A_770 = arith.constant 48 : index
        %get3A_771 = tpu.vector_load %arg14[%get3A_769, %get3A_770] {strides = array<i32>} : memref<128x128xf32, #tpu.memory_space<vmem>>, vector<16xf32>,
        %mul3A_772 = arith.mulf %get3A_771, %broadcast_in_dim3A_747 : vector<16xf32>
        %swap3A_773 = arith.index_cast %add3A_744 : i32 to index
        %swap3A_774 = arith.constant 48 : index
        %swap3A_775 = tpu.vector_load %arg14[%swap3A_773, %swap3A_774] {strides = array<i32>} : memref<128x128xf32, #tpu.memory_space<vmem>>, vector<16xf32>,
        tpu.vector_store %arg14[%swap3A_773, %swap3A_774], %mul3A_772 {strides = array<i32>} : memref<128x128xf32, #tpu.memory_space<vmem>>, vector<16xf32>,
        %get3A_776 = arith.index_cast %add3A_744 : i32 to index
        %get3A_777 = arith.constant 64 : index
        %get3A_778 = tpu.vector_load %arg14[%get3A_776, %get3A_777] {strides = array<i32>} : memref<128x128xf32, #tpu.memory_space<vmem>>, vector<16xf32>,
        %mul3A_779 = arith.mulf %get3A_778, %broadcast_in_dim3A_747 : vector<16xf32>
        %swap3A_780 = arith.index_cast %add3A_744 : i32 to index
        %swap3A_781 = arith.constant 64 : index
        %swap3A_782 = tpu.vector_load %arg14[%swap3A_780, %swap3A_781] {strides = array<i32>} : memref<128x128xf32, #tpu.memory_space<vmem>>, vector<16xf32>,
        tpu.vector_store %arg14[%swap3A_780, %swap3A_781], %mul3A_779 {strides = array<i32>} : memref<128x128xf32, #tpu.memory_space<vmem>>, vector<16xf32>,
        %get3A_783 = arith.index_cast %add3A_744 : i32 to index
        %get3A_784 = arith.constant 80 : index
        %get3A_785 = tpu.vector_load %arg14[%get3A_783, %get3A_784] {strides = array<i32>} : memref<128x128xf32, #tpu.memory_space<vmem>>, vector<16xf32>,
        %mul3A_786 = arith.mulf %get3A_785, %broadcast_in_dim3A_747 : vector<16xf32>
        %swap3A_787 = arith.index_cast %add3A_744 : i32 to index
        %swap3A_788 = arith.constant 80 : index
        %swap3A_789 = tpu.vector_load %arg14[%swap3A_787, %swap3A_788] {strides = array<i32>} : memref<128x128xf32, #tpu.memory_space<vmem>>, vector<16xf32>,
        tpu.vector_store %arg14[%swap3A_787, %swap3A_788], %mul3A_786 {strides = array<i32>} : memref<128x128xf32, #tpu.memory_space<vmem>>, vector<16xf32>,
        %get3A_790 = arith.index_cast %add3A_744 : i32 to index
        %get3A_791 = arith.constant 96 : index
        %get3A_792 = tpu.vector_load %arg14[%get3A_790, %get3A_791] {strides = array<i32>} : memref<128x128xf32, #tpu.memory_space<vmem>>, vector<16xf32>,
        %mul3A_793 = arith.mulf %get3A_792, %broadcast_in_dim3A_747 : vector<16xf32>
        %swap3A_794 = arith.index_cast %add3A_744 : i32 to index
        %swap3A_795 = arith.constant 96 : index
        %swap3A_796 = tpu.vector_load %arg14[%swap3A_794, %swap3A_795] {strides = array<i32>} : memref<128x128xf32, #tpu.memory_space<vmem>>, vector<16xf32>,
        tpu.vector_store %arg14[%swap3A_794, %swap3A_795], %mul3A_793 {strides = array<i32>} : memref<128x128xf32, #tpu.memory_space<vmem>>, vector<16xf32>,
        %get3A_797 = arith.index_cast %add3A_744 : i32 to index
        %get3A_798 = arith.constant 112 : index
        %get3A_799 = tpu.vector_load %arg14[%get3A_797, %get3A_798] {strides = array<i32>} : memref<128x128xf32, #tpu.memory_space<vmem>>, vector<16xf32>,
        %mul3A_800 = arith.mulf %get3A_799, %broadcast_in_dim3A_747 : vector<16xf32>
        %swap3A_801 = arith.index_cast %add3A_744 : i32 to index
        %swap3A_802 = arith.constant 112 : index
        %swap3A_803 = tpu.vector_load %arg14[%swap3A_801, %swap3A_802] {strides = array<i32>} : memref<128x128xf32, #tpu.memory_space<vmem>>, vector<16xf32>,
        tpu.vector_store %arg14[%swap3A_801, %swap3A_802], %mul3A_800 {strides = array<i32>} : memref<128x128xf32, #tpu.memory_space<vmem>>, vector<16xf32>,
        %mul3A_804 = arith.constant 16 : i32
        %mul3A_805 = arith.muli %scan3A_159, %mul3A_804 : i32
        %add3A_806 = arith.constant 10 : i32
        %add3A_807 = arith.addi %mul3A_805, %add3A_806 : i32
        %slice3A_808 = vector.extract_strided_slice %get3A_165 {offsets = [10], sizes = [1], strides = [1]} : vector<16xf32> to vector<1xf32>
        %squeeze3A_809 = vector.extract %slice3A_808[0] : f32 from vector<1xf32>
        %broadcast_in_dim3A_810 = vector.broadcast %squeeze3A_809 : f32 to vector<16xf32>
        %get3A_811 = arith.index_cast %add3A_807 : i32 to index
        %get3A_812 = arith.constant 0 : index
        %get3A_813 = tpu.vector_load %arg14[%get3A_811, %get3A_812] {strides = array<i32>} : memref<128x128xf32, #tpu.memory_space<vmem>>, vector<16xf32>,
        %mul3A_814 = arith.mulf %get3A_813, %broadcast_in_dim3A_810 : vector<16xf32>
        %swap3A_815 = arith.index_cast %add3A_807 : i32 to index
        %swap3A_816 = arith.constant 0 : index
        %swap3A_817 = tpu.vector_load %arg14[%swap3A_815, %swap3A_816] {strides = array<i32>} : memref<128x128xf32, #tpu.memory_space<vmem>>, vector<16xf32>,
        tpu.vector_store %arg14[%swap3A_815, %swap3A_816], %mul3A_814 {strides = array<i32>} : memref<128x128xf32, #tpu.memory_space<vmem>>, vector<16xf32>,
        %get3A_818 = arith.index_cast %add3A_807 : i32 to index
        %get3A_819 = arith.constant 16 : index
        %get3A_820 = tpu.vector_load %arg14[%get3A_818, %get3A_819] {strides = array<i32>} : memref<128x128xf32, #tpu.memory_space<vmem>>, vector<16xf32>,
        %mul3A_821 = arith.mulf %get3A_820, %broadcast_in_dim3A_810 : vector<16xf32>
        %swap3A_822 = arith.index_cast %add3A_807 : i32 to index
        %swap3A_823 = arith.constant 16 : index
        %swap3A_824 = tpu.vector_load %arg14[%swap3A_822, %swap3A_823] {strides = array<i32>} : memref<128x128xf32, #tpu.memory_space<vmem>>, vector<16xf32>,
        tpu.vector_store %arg14[%swap3A_822, %swap3A_823], %mul3A_821 {strides = array<i32>} : memref<128x128xf32, #tpu.memory_space<vmem>>, vector<16xf32>,
        %get3A_825 = arith.index_cast %add3A_807 : i32 to index
        %get3A_826 = arith.constant 32 : index
        %get3A_827 = tpu.vector_load %arg14[%get3A_825, %get3A_826] {strides = array<i32>} : memref<128x128xf32, #tpu.memory_space<vmem>>, vector<16xf32>,
        %mul3A_828 = arith.mulf %get3A_827, %broadcast_in_dim3A_810 : vector<16xf32>
        %swap3A_829 = arith.index_cast %add3A_807 : i32 to index
        %swap3A_830 = arith.constant 32 : index
        %swap3A_831 = tpu.vector_load %arg14[%swap3A_829, %swap3A_830] {strides = array<i32>} : memref<128x128xf32, #tpu.memory_space<vmem>>, vector<16xf32>,
        tpu.vector_store %arg14[%swap3A_829, %swap3A_830], %mul3A_828 {strides = array<i32>} : memref<128x128xf32, #tpu.memory_space<vmem>>, vector<16xf32>,
        %get3A_832 = arith.index_cast %add3A_807 : i32 to index
        %get3A_833 = arith.constant 48 : index
        %get3A_834 = tpu.vector_load %arg14[%get3A_832, %get3A_833] {strides = array<i32>} : memref<128x128xf32, #tpu.memory_space<vmem>>, vector<16xf32>,
        %mul3A_835 = arith.mulf %get3A_834, %broadcast_in_dim3A_810 : vector<16xf32>
        %swap3A_836 = arith.index_cast %add3A_807 : i32 to index
        %swap3A_837 = arith.constant 48 : index
        %swap3A_838 = tpu.vector_load %arg14[%swap3A_836, %swap3A_837] {strides = array<i32>} : memref<128x128xf32, #tpu.memory_space<vmem>>, vector<16xf32>,
        tpu.vector_store %arg14[%swap3A_836, %swap3A_837], %mul3A_835 {strides = array<i32>} : memref<128x128xf32, #tpu.memory_space<vmem>>, vector<16xf32>,
        %get3A_839 = arith.index_cast %add3A_807 : i32 to index
        %get3A_840 = arith.constant 64 : index
        %get3A_841 = tpu.vector_load %arg14[%get3A_839, %get3A_840] {strides = array<i32>} : memref<128x128xf32, #tpu.memory_space<vmem>>, vector<16xf32>,
        %mul3A_842 = arith.mulf %get3A_841, %broadcast_in_dim3A_810 : vector<16xf32>
        %swap3A_843 = arith.index_cast %add3A_807 : i32 to index
        %swap3A_844 = arith.constant 64 : index
        %swap3A_845 = tpu.vector_load %arg14[%swap3A_843, %swap3A_844] {strides = array<i32>} : memref<128x128xf32, #tpu.memory_space<vmem>>, vector<16xf32>,
        tpu.vector_store %arg14[%swap3A_843, %swap3A_844], %mul3A_842 {strides = array<i32>} : memref<128x128xf32, #tpu.memory_space<vmem>>, vector<16xf32>,
        %get3A_846 = arith.index_cast %add3A_807 : i32 to index
        %get3A_847 = arith.constant 80 : index
        %get3A_848 = tpu.vector_load %arg14[%get3A_846, %get3A_847] {strides = array<i32>} : memref<128x128xf32, #tpu.memory_space<vmem>>, vector<16xf32>,
        %mul3A_849 = arith.mulf %get3A_848, %broadcast_in_dim3A_810 : vector<16xf32>
        %swap3A_850 = arith.index_cast %add3A_807 : i32 to index
        %swap3A_851 = arith.constant 80 : index
        %swap3A_852 = tpu.vector_load %arg14[%swap3A_850, %swap3A_851] {strides = array<i32>} : memref<128x128xf32, #tpu.memory_space<vmem>>, vector<16xf32>,
        tpu.vector_store %arg14[%swap3A_850, %swap3A_851], %mul3A_849 {strides = array<i32>} : memref<128x128xf32, #tpu.memory_space<vmem>>, vector<16xf32>,
        %get3A_853 = arith.index_cast %add3A_807 : i32 to index
        %get3A_854 = arith.constant 96 : index
        %get3A_855 = tpu.vector_load %arg14[%get3A_853, %get3A_854] {strides = array<i32>} : memref<128x128xf32, #tpu.memory_space<vmem>>, vector<16xf32>,
        %mul3A_856 = arith.mulf %get3A_855, %broadcast_in_dim3A_810 : vector<16xf32>
        %swap3A_857 = arith.index_cast %add3A_807 : i32 to index
        %swap3A_858 = arith.constant 96 : index
        %swap3A_859 = tpu.vector_load %arg14[%swap3A_857, %swap3A_858] {strides = array<i32>} : memref<128x128xf32, #tpu.memory_space<vmem>>, vector<16xf32>,
        tpu.vector_store %arg14[%swap3A_857, %swap3A_858], %mul3A_856 {strides = array<i32>} : memref<128x128xf32, #tpu.memory_space<vmem>>, vector<16xf32>,
        %get3A_860 = arith.index_cast %add3A_807 : i32 to index
        %get3A_861 = arith.constant 112 : index
        %get3A_862 = tpu.vector_load %arg14[%get3A_860, %get3A_861] {strides = array<i32>} : memref<128x128xf32, #tpu.memory_space<vmem>>, vector<16xf32>,
        %mul3A_863 = arith.mulf %get3A_862, %broadcast_in_dim3A_810 : vector<16xf32>
        %swap3A_864 = arith.index_cast %add3A_807 : i32 to index
        %swap3A_865 = arith.constant 112 : index
        %swap3A_866 = tpu.vector_load %arg14[%swap3A_864, %swap3A_865] {strides = array<i32>} : memref<128x128xf32, #tpu.memory_space<vmem>>, vector<16xf32>,
        tpu.vector_store %arg14[%swap3A_864, %swap3A_865], %mul3A_863 {strides = array<i32>} : memref<128x128xf32, #tpu.memory_space<vmem>>, vector<16xf32>,
        %mul3A_867 = arith.constant 16 : i32
        %mul3A_868 = arith.muli %scan3A_159, %mul3A_867 : i32
        %add3A_869 = arith.constant 11 : i32
        %add3A_870 = arith.addi %mul3A_868, %add3A_869 : i32
        %slice3A_871 = vector.extract_strided_slice %get3A_165 {offsets = [11], sizes = [1], strides = [1]} : vector<16xf32> to vector<1xf32>
        %squeeze3A_872 = vector.extract %slice3A_871[0] : f32 from vector<1xf32>
        %broadcast_in_dim3A_873 = vector.broadcast %squeeze3A_872 : f32 to vector<16xf32>
        %get3A_874 = arith.index_cast %add3A_870 : i32 to index
        %get3A_875 = arith.constant 0 : index
        %get3A_876 = tpu.vector_load %arg14[%get3A_874, %get3A_875] {strides = array<i32>} : memref<128x128xf32, #tpu.memory_space<vmem>>, vector<16xf32>,
        %mul3A_877 = arith.mulf %get3A_876, %broadcast_in_dim3A_873 : vector<16xf32>
        %swap3A_878 = arith.index_cast %add3A_870 : i32 to index
        %swap3A_879 = arith.constant 0 : index
        %swap3A_880 = tpu.vector_load %arg14[%swap3A_878, %swap3A_879] {strides = array<i32>} : memref<128x128xf32, #tpu.memory_space<vmem>>, vector<16xf32>,
        tpu.vector_store %arg14[%swap3A_878, %swap3A_879], %mul3A_877 {strides = array<i32>} : memref<128x128xf32, #tpu.memory_space<vmem>>, vector<16xf32>,
        %get3A_881 = arith.index_cast %add3A_870 : i32 to index
        %get3A_882 = arith.constant 16 : index
        %get3A_883 = tpu.vector_load %arg14[%get3A_881, %get3A_882] {strides = array<i32>} : memref<128x128xf32, #tpu.memory_space<vmem>>, vector<16xf32>,
        %mul3A_884 = arith.mulf %get3A_883, %broadcast_in_dim3A_873 : vector<16xf32>
        %swap3A_885 = arith.index_cast %add3A_870 : i32 to index
        %swap3A_886 = arith.constant 16 : index
        %swap3A_887 = tpu.vector_load %arg14[%swap3A_885, %swap3A_886] {strides = array<i32>} : memref<128x128xf32, #tpu.memory_space<vmem>>, vector<16xf32>,
        tpu.vector_store %arg14[%swap3A_885, %swap3A_886], %mul3A_884 {strides = array<i32>} : memref<128x128xf32, #tpu.memory_space<vmem>>, vector<16xf32>,
        %get3A_888 = arith.index_cast %add3A_870 : i32 to index
        %get3A_889 = arith.constant 32 : index
        %get3A_890 = tpu.vector_load %arg14[%get3A_888, %get3A_889] {strides = array<i32>} : memref<128x128xf32, #tpu.memory_space<vmem>>, vector<16xf32>,
        %mul3A_891 = arith.mulf %get3A_890, %broadcast_in_dim3A_873 : vector<16xf32>
        %swap3A_892 = arith.index_cast %add3A_870 : i32 to index
        %swap3A_893 = arith.constant 32 : index
        %swap3A_894 = tpu.vector_load %arg14[%swap3A_892, %swap3A_893] {strides = array<i32>} : memref<128x128xf32, #tpu.memory_space<vmem>>, vector<16xf32>,
        tpu.vector_store %arg14[%swap3A_892, %swap3A_893], %mul3A_891 {strides = array<i32>} : memref<128x128xf32, #tpu.memory_space<vmem>>, vector<16xf32>,
        %get3A_895 = arith.index_cast %add3A_870 : i32 to index
        %get3A_896 = arith.constant 48 : index
        %get3A_897 = tpu.vector_load %arg14[%get3A_895, %get3A_896] {strides = array<i32>} : memref<128x128xf32, #tpu.memory_space<vmem>>, vector<16xf32>,
        %mul3A_898 = arith.mulf %get3A_897, %broadcast_in_dim3A_873 : vector<16xf32>
        %swap3A_899 = arith.index_cast %add3A_870 : i32 to index
        %swap3A_900 = arith.constant 48 : index
        %swap3A_901 = tpu.vector_load %arg14[%swap3A_899, %swap3A_900] {strides = array<i32>} : memref<128x128xf32, #tpu.memory_space<vmem>>, vector<16xf32>,
        tpu.vector_store %arg14[%swap3A_899, %swap3A_900], %mul3A_898 {strides = array<i32>} : memref<128x128xf32, #tpu.memory_space<vmem>>, vector<16xf32>,
        %get3A_902 = arith.index_cast %add3A_870 : i32 to index
        %get3A_903 = arith.constant 64 : index
        %get3A_904 = tpu.vector_load %arg14[%get3A_902, %get3A_903] {strides = array<i32>} : memref<128x128xf32, #tpu.memory_space<vmem>>, vector<16xf32>,
        %mul3A_905 = arith.mulf %get3A_904, %broadcast_in_dim3A_873 : vector<16xf32>
        %swap3A_906 = arith.index_cast %add3A_870 : i32 to index
        %swap3A_907 = arith.constant 64 : index
        %swap3A_908 = tpu.vector_load %arg14[%swap3A_906, %swap3A_907] {strides = array<i32>} : memref<128x128xf32, #tpu.memory_space<vmem>>, vector<16xf32>,
        tpu.vector_store %arg14[%swap3A_906, %swap3A_907], %mul3A_905 {strides = array<i32>} : memref<128x128xf32, #tpu.memory_space<vmem>>, vector<16xf32>,
        %get3A_909 = arith.index_cast %add3A_870 : i32 to index
        %get3A_910 = arith.constant 80 : index
        %get3A_911 = tpu.vector_load %arg14[%get3A_909, %get3A_910] {strides = array<i32>} : memref<128x128xf32, #tpu.memory_space<vmem>>, vector<16xf32>,
        %mul3A_912 = arith.mulf %get3A_911, %broadcast_in_dim3A_873 : vector<16xf32>
        %swap3A_913 = arith.index_cast %add3A_870 : i32 to index
        %swap3A_914 = arith.constant 80 : index
        %swap3A_915 = tpu.vector_load %arg14[%swap3A_913, %swap3A_914] {strides = array<i32>} : memref<128x128xf32, #tpu.memory_space<vmem>>, vector<16xf32>,
        tpu.vector_store %arg14[%swap3A_913, %swap3A_914], %mul3A_912 {strides = array<i32>} : memref<128x128xf32, #tpu.memory_space<vmem>>, vector<16xf32>,
        %get3A_916 = arith.index_cast %add3A_870 : i32 to index
        %get3A_917 = arith.constant 96 : index
        %get3A_918 = tpu.vector_load %arg14[%get3A_916, %get3A_917] {strides = array<i32>} : memref<128x128xf32, #tpu.memory_space<vmem>>, vector<16xf32>,
        %mul3A_919 = arith.mulf %get3A_918, %broadcast_in_dim3A_873 : vector<16xf32>
        %swap3A_920 = arith.index_cast %add3A_870 : i32 to index
        %swap3A_921 = arith.constant 96 : index
        %swap3A_922 = tpu.vector_load %arg14[%swap3A_920, %swap3A_921] {strides = array<i32>} : memref<128x128xf32, #tpu.memory_space<vmem>>, vector<16xf32>,
        tpu.vector_store %arg14[%swap3A_920, %swap3A_921], %mul3A_919 {strides = array<i32>} : memref<128x128xf32, #tpu.memory_space<vmem>>, vector<16xf32>,
        %get3A_923 = arith.index_cast %add3A_870 : i32 to index
        %get3A_924 = arith.constant 112 : index
        %get3A_925 = tpu.vector_load %arg14[%get3A_923, %get3A_924] {strides = array<i32>} : memref<128x128xf32, #tpu.memory_space<vmem>>, vector<16xf32>,
        %mul3A_926 = arith.mulf %get3A_925, %broadcast_in_dim3A_873 : vector<16xf32>
        %swap3A_927 = arith.index_cast %add3A_870 : i32 to index
        %swap3A_928 = arith.constant 112 : index
        %swap3A_929 = tpu.vector_load %arg14[%swap3A_927, %swap3A_928] {strides = array<i32>} : memref<128x128xf32, #tpu.memory_space<vmem>>, vector<16xf32>,
        tpu.vector_store %arg14[%swap3A_927, %swap3A_928], %mul3A_926 {strides = array<i32>} : memref<128x128xf32, #tpu.memory_space<vmem>>, vector<16xf32>,
        %mul3A_930 = arith.constant 16 : i32
        %mul3A_931 = arith.muli %scan3A_159, %mul3A_930 : i32
        %add3A_932 = arith.constant 12 : i32
        %add3A_933 = arith.addi %mul3A_931, %add3A_932 : i32
        %slice3A_934 = vector.extract_strided_slice %get3A_165 {offsets = [12], sizes = [1], strides = [1]} : vector<16xf32> to vector<1xf32>
        %squeeze3A_935 = vector.extract %slice3A_934[0] : f32 from vector<1xf32>
        %broadcast_in_dim3A_936 = vector.broadcast %squeeze3A_935 : f32 to vector<16xf32>
        %get3A_937 = arith.index_cast %add3A_933 : i32 to index
        %get3A_938 = arith.constant 0 : index
        %get3A_939 = tpu.vector_load %arg14[%get3A_937, %get3A_938] {strides = array<i32>} : memref<128x128xf32, #tpu.memory_space<vmem>>, vector<16xf32>,
        %mul3A_940 = arith.mulf %get3A_939, %broadcast_in_dim3A_936 : vector<16xf32>
        %swap3A_941 = arith.index_cast %add3A_933 : i32 to index
        %swap3A_942 = arith.constant 0 : index
        %swap3A_943 = tpu.vector_load %arg14[%swap3A_941, %swap3A_942] {strides = array<i32>} : memref<128x128xf32, #tpu.memory_space<vmem>>, vector<16xf32>,
        tpu.vector_store %arg14[%swap3A_941, %swap3A_942], %mul3A_940 {strides = array<i32>} : memref<128x128xf32, #tpu.memory_space<vmem>>, vector<16xf32>,
        %get3A_944 = arith.index_cast %add3A_933 : i32 to index
        %get3A_945 = arith.constant 16 : index
        %get3A_946 = tpu.vector_load %arg14[%get3A_944, %get3A_945] {strides = array<i32>} : memref<128x128xf32, #tpu.memory_space<vmem>>, vector<16xf32>,
        %mul3A_947 = arith.mulf %get3A_946, %broadcast_in_dim3A_936 : vector<16xf32>
        %swap3A_948 = arith.index_cast %add3A_933 : i32 to index
        %swap3A_949 = arith.constant 16 : index
        %swap3A_950 = tpu.vector_load %arg14[%swap3A_948, %swap3A_949] {strides = array<i32>} : memref<128x128xf32, #tpu.memory_space<vmem>>, vector<16xf32>,
        tpu.vector_store %arg14[%swap3A_948, %swap3A_949], %mul3A_947 {strides = array<i32>} : memref<128x128xf32, #tpu.memory_space<vmem>>, vector<16xf32>,
        %get3A_951 = arith.index_cast %add3A_933 : i32 to index
        %get3A_952 = arith.constant 32 : index
        %get3A_953 = tpu.vector_load %arg14[%get3A_951, %get3A_952] {strides = array<i32>} : memref<128x128xf32, #tpu.memory_space<vmem>>, vector<16xf32>,
        %mul3A_954 = arith.mulf %get3A_953, %broadcast_in_dim3A_936 : vector<16xf32>
        %swap3A_955 = arith.index_cast %add3A_933 : i32 to index
        %swap3A_956 = arith.constant 32 : index
        %swap3A_957 = tpu.vector_load %arg14[%swap3A_955, %swap3A_956] {strides = array<i32>} : memref<128x128xf32, #tpu.memory_space<vmem>>, vector<16xf32>,
        tpu.vector_store %arg14[%swap3A_955, %swap3A_956], %mul3A_954 {strides = array<i32>} : memref<128x128xf32, #tpu.memory_space<vmem>>, vector<16xf32>,
        %get3A_958 = arith.index_cast %add3A_933 : i32 to index
        %get3A_959 = arith.constant 48 : index
        %get3A_960 = tpu.vector_load %arg14[%get3A_958, %get3A_959] {strides = array<i32>} : memref<128x128xf32, #tpu.memory_space<vmem>>, vector<16xf32>,
        %mul3A_961 = arith.mulf %get3A_960, %broadcast_in_dim3A_936 : vector<16xf32>
        %swap3A_962 = arith.index_cast %add3A_933 : i32 to index
        %swap3A_963 = arith.constant 48 : index
        %swap3A_964 = tpu.vector_load %arg14[%swap3A_962, %swap3A_963] {strides = array<i32>} : memref<128x128xf32, #tpu.memory_space<vmem>>, vector<16xf32>,
        tpu.vector_store %arg14[%swap3A_962, %swap3A_963], %mul3A_961 {strides = array<i32>} : memref<128x128xf32, #tpu.memory_space<vmem>>, vector<16xf32>,
        %get3A_965 = arith.index_cast %add3A_933 : i32 to index
        %get3A_966 = arith.constant 64 : index
        %get3A_967 = tpu.vector_load %arg14[%get3A_965, %get3A_966] {strides = array<i32>} : memref<128x128xf32, #tpu.memory_space<vmem>>, vector<16xf32>,
        %mul3A_968 = arith.mulf %get3A_967, %broadcast_in_dim3A_936 : vector<16xf32>
        %swap3A_969 = arith.index_cast %add3A_933 : i32 to index
        %swap3A_970 = arith.constant 64 : index
        %swap3A_971 = tpu.vector_load %arg14[%swap3A_969, %swap3A_970] {strides = array<i32>} : memref<128x128xf32, #tpu.memory_space<vmem>>, vector<16xf32>,
        tpu.vector_store %arg14[%swap3A_969, %swap3A_970], %mul3A_968 {strides = array<i32>} : memref<128x128xf32, #tpu.memory_space<vmem>>, vector<16xf32>,
        %get3A_972 = arith.index_cast %add3A_933 : i32 to index
        %get3A_973 = arith.constant 80 : index
        %get3A_974 = tpu.vector_load %arg14[%get3A_972, %get3A_973] {strides = array<i32>} : memref<128x128xf32, #tpu.memory_space<vmem>>, vector<16xf32>,
        %mul3A_975 = arith.mulf %get3A_974, %broadcast_in_dim3A_936 : vector<16xf32>
        %swap3A_976 = arith.index_cast %add3A_933 : i32 to index
        %swap3A_977 = arith.constant 80 : index
        %swap3A_978 = tpu.vector_load %arg14[%swap3A_976, %swap3A_977] {strides = array<i32>} : memref<128x128xf32, #tpu.memory_space<vmem>>, vector<16xf32>,
        tpu.vector_store %arg14[%swap3A_976, %swap3A_977], %mul3A_975 {strides = array<i32>} : memref<128x128xf32, #tpu.memory_space<vmem>>, vector<16xf32>,
        %get3A_979 = arith.index_cast %add3A_933 : i32 to index
        %get3A_980 = arith.constant 96 : index
        %get3A_981 = tpu.vector_load %arg14[%get3A_979, %get3A_980] {strides = array<i32>} : memref<128x128xf32, #tpu.memory_space<vmem>>, vector<16xf32>,
        %mul3A_982 = arith.mulf %get3A_981, %broadcast_in_dim3A_936 : vector<16xf32>
        %swap3A_983 = arith.index_cast %add3A_933 : i32 to index
        %swap3A_984 = arith.constant 96 : index
        %swap3A_985 = tpu.vector_load %arg14[%swap3A_983, %swap3A_984] {strides = array<i32>} : memref<128x128xf32, #tpu.memory_space<vmem>>, vector<16xf32>,
        tpu.vector_store %arg14[%swap3A_983, %swap3A_984], %mul3A_982 {strides = array<i32>} : memref<128x128xf32, #tpu.memory_space<vmem>>, vector<16xf32>,
        %get3A_986 = arith.index_cast %add3A_933 : i32 to index
        %get3A_987 = arith.constant 112 : index
        %get3A_988 = tpu.vector_load %arg14[%get3A_986, %get3A_987] {strides = array<i32>} : memref<128x128xf32, #tpu.memory_space<vmem>>, vector<16xf32>,
        %mul3A_989 = arith.mulf %get3A_988, %broadcast_in_dim3A_936 : vector<16xf32>
        %swap3A_990 = arith.index_cast %add3A_933 : i32 to index
        %swap3A_991 = arith.constant 112 : index
        %swap3A_992 = tpu.vector_load %arg14[%swap3A_990, %swap3A_991] {strides = array<i32>} : memref<128x128xf32, #tpu.memory_space<vmem>>, vector<16xf32>,
        tpu.vector_store %arg14[%swap3A_990, %swap3A_991], %mul3A_989 {strides = array<i32>} : memref<128x128xf32, #tpu.memory_space<vmem>>, vector<16xf32>,
        %mul3A_993 = arith.constant 16 : i32
        %mul3A_994 = arith.muli %scan3A_159, %mul3A_993 : i32
        %add3A_995 = arith.constant 13 : i32
        %add3A_996 = arith.addi %mul3A_994, %add3A_995 : i32
        %slice3A_997 = vector.extract_strided_slice %get3A_165 {offsets = [13], sizes = [1], strides = [1]} : vector<16xf32> to vector<1xf32>
        %squeeze3A_998 = vector.extract %slice3A_997[0] : f32 from vector<1xf32>
        %broadcast_in_dim3A_999 = vector.broadcast %squeeze3A_998 : f32 to vector<16xf32>
        %get3A_1000 = arith.index_cast %add3A_996 : i32 to index
        %get3A_1001 = arith.constant 0 : index
        %get3A_1002 = tpu.vector_load %arg14[%get3A_1000, %get3A_1001] {strides = array<i32>} : memref<128x128xf32, #tpu.memory_space<vmem>>, vector<16xf32>,
        %mul3A_1003 = arith.mulf %get3A_1002, %broadcast_in_dim3A_999 : vector<16xf32>
        %swap3A_1004 = arith.index_cast %add3A_996 : i32 to index
        %swap3A_1005 = arith.constant 0 : index
        %swap3A_1006 = tpu.vector_load %arg14[%swap3A_1004, %swap3A_1005] {strides = array<i32>} : memref<128x128xf32, #tpu.memory_space<vmem>>, vector<16xf32>,
        tpu.vector_store %arg14[%swap3A_1004, %swap3A_1005], %mul3A_1003 {strides = array<i32>} : memref<128x128xf32, #tpu.memory_space<vmem>>, vector<16xf32>,
        %get3A_1007 = arith.index_cast %add3A_996 : i32 to index
        %get3A_1008 = arith.constant 16 : index
        %get3A_1009 = tpu.vector_load %arg14[%get3A_1007, %get3A_1008] {strides = array<i32>} : memref<128x128xf32, #tpu.memory_space<vmem>>, vector<16xf32>,
        %mul3A_1010 = arith.mulf %get3A_1009, %broadcast_in_dim3A_999 : vector<16xf32>
        %swap3A_1011 = arith.index_cast %add3A_996 : i32 to index
        %swap3A_1012 = arith.constant 16 : index
        %swap3A_1013 = tpu.vector_load %arg14[%swap3A_1011, %swap3A_1012] {strides = array<i32>} : memref<128x128xf32, #tpu.memory_space<vmem>>, vector<16xf32>,
        tpu.vector_store %arg14[%swap3A_1011, %swap3A_1012], %mul3A_1010 {strides = array<i32>} : memref<128x128xf32, #tpu.memory_space<vmem>>, vector<16xf32>,
        %get3A_1014 = arith.index_cast %add3A_996 : i32 to index
        %get3A_1015 = arith.constant 32 : index
        %get3A_1016 = tpu.vector_load %arg14[%get3A_1014, %get3A_1015] {strides = array<i32>} : memref<128x128xf32, #tpu.memory_space<vmem>>, vector<16xf32>,
        %mul3A_1017 = arith.mulf %get3A_1016, %broadcast_in_dim3A_999 : vector<16xf32>
        %swap3A_1018 = arith.index_cast %add3A_996 : i32 to index
        %swap3A_1019 = arith.constant 32 : index
        %swap3A_1020 = tpu.vector_load %arg14[%swap3A_1018, %swap3A_1019] {strides = array<i32>} : memref<128x128xf32, #tpu.memory_space<vmem>>, vector<16xf32>,
        tpu.vector_store %arg14[%swap3A_1018, %swap3A_1019], %mul3A_1017 {strides = array<i32>} : memref<128x128xf32, #tpu.memory_space<vmem>>, vector<16xf32>,
        %get3A_1021 = arith.index_cast %add3A_996 : i32 to index
        %get3A_1022 = arith.constant 48 : index
        %get3A_1023 = tpu.vector_load %arg14[%get3A_1021, %get3A_1022] {strides = array<i32>} : memref<128x128xf32, #tpu.memory_space<vmem>>, vector<16xf32>,
        %mul3A_1024 = arith.mulf %get3A_1023, %broadcast_in_dim3A_999 : vector<16xf32>
        %swap3A_1025 = arith.index_cast %add3A_996 : i32 to index
        %swap3A_1026 = arith.constant 48 : index
        %swap3A_1027 = tpu.vector_load %arg14[%swap3A_1025, %swap3A_1026] {strides = array<i32>} : memref<128x128xf32, #tpu.memory_space<vmem>>, vector<16xf32>,
        tpu.vector_store %arg14[%swap3A_1025, %swap3A_1026], %mul3A_1024 {strides = array<i32>} : memref<128x128xf32, #tpu.memory_space<vmem>>, vector<16xf32>,
        %get3A_1028 = arith.index_cast %add3A_996 : i32 to index
        %get3A_1029 = arith.constant 64 : index
        %get3A_1030 = tpu.vector_load %arg14[%get3A_1028, %get3A_1029] {strides = array<i32>} : memref<128x128xf32, #tpu.memory_space<vmem>>, vector<16xf32>,
        %mul3A_1031 = arith.mulf %get3A_1030, %broadcast_in_dim3A_999 : vector<16xf32>
        %swap3A_1032 = arith.index_cast %add3A_996 : i32 to index
        %swap3A_1033 = arith.constant 64 : index
        %swap3A_1034 = tpu.vector_load %arg14[%swap3A_1032, %swap3A_1033] {strides = array<i32>} : memref<128x128xf32, #tpu.memory_space<vmem>>, vector<16xf32>,
        tpu.vector_store %arg14[%swap3A_1032, %swap3A_1033], %mul3A_1031 {strides = array<i32>} : memref<128x128xf32, #tpu.memory_space<vmem>>, vector<16xf32>,
        %get3A_1035 = arith.index_cast %add3A_996 : i32 to index
        %get3A_1036 = arith.constant 80 : index
        %get3A_1037 = tpu.vector_load %arg14[%get3A_1035, %get3A_1036] {strides = array<i32>} : memref<128x128xf32, #tpu.memory_space<vmem>>, vector<16xf32>,
        %mul3A_1038 = arith.mulf %get3A_1037, %broadcast_in_dim3A_999 : vector<16xf32>
        %swap3A_1039 = arith.index_cast %add3A_996 : i32 to index
        %swap3A_1040 = arith.constant 80 : index
        %swap3A_1041 = tpu.vector_load %arg14[%swap3A_1039, %swap3A_1040] {strides = array<i32>} : memref<128x128xf32, #tpu.memory_space<vmem>>, vector<16xf32>,
        tpu.vector_store %arg14[%swap3A_1039, %swap3A_1040], %mul3A_1038 {strides = array<i32>} : memref<128x128xf32, #tpu.memory_space<vmem>>, vector<16xf32>,
        %get3A_1042 = arith.index_cast %add3A_996 : i32 to index
        %get3A_1043 = arith.constant 96 : index
        %get3A_1044 = tpu.vector_load %arg14[%get3A_1042, %get3A_1043] {strides = array<i32>} : memref<128x128xf32, #tpu.memory_space<vmem>>, vector<16xf32>,
        %mul3A_1045 = arith.mulf %get3A_1044, %broadcast_in_dim3A_999 : vector<16xf32>
        %swap3A_1046 = arith.index_cast %add3A_996 : i32 to index
        %swap3A_1047 = arith.constant 96 : index
        %swap3A_1048 = tpu.vector_load %arg14[%swap3A_1046, %swap3A_1047] {strides = array<i32>} : memref<128x128xf32, #tpu.memory_space<vmem>>, vector<16xf32>,
        tpu.vector_store %arg14[%swap3A_1046, %swap3A_1047], %mul3A_1045 {strides = array<i32>} : memref<128x128xf32, #tpu.memory_space<vmem>>, vector<16xf32>,
        %get3A_1049 = arith.index_cast %add3A_996 : i32 to index
        %get3A_1050 = arith.constant 112 : index
        %get3A_1051 = tpu.vector_load %arg14[%get3A_1049, %get3A_1050] {strides = array<i32>} : memref<128x128xf32, #tpu.memory_space<vmem>>, vector<16xf32>,
        %mul3A_1052 = arith.mulf %get3A_1051, %broadcast_in_dim3A_999 : vector<16xf32>
        %swap3A_1053 = arith.index_cast %add3A_996 : i32 to index
        %swap3A_1054 = arith.constant 112 : index
        %swap3A_1055 = tpu.vector_load %arg14[%swap3A_1053, %swap3A_1054] {strides = array<i32>} : memref<128x128xf32, #tpu.memory_space<vmem>>, vector<16xf32>,
        tpu.vector_store %arg14[%swap3A_1053, %swap3A_1054], %mul3A_1052 {strides = array<i32>} : memref<128x128xf32, #tpu.memory_space<vmem>>, vector<16xf32>,
        %mul3A_1056 = arith.constant 16 : i32
        %mul3A_1057 = arith.muli %scan3A_159, %mul3A_1056 : i32
        %add3A_1058 = arith.constant 14 : i32
        %add3A_1059 = arith.addi %mul3A_1057, %add3A_1058 : i32
        %slice3A_1060 = vector.extract_strided_slice %get3A_165 {offsets = [14], sizes = [1], strides = [1]} : vector<16xf32> to vector<1xf32>
        %squeeze3A_1061 = vector.extract %slice3A_1060[0] : f32 from vector<1xf32>
        %broadcast_in_dim3A_1062 = vector.broadcast %squeeze3A_1061 : f32 to vector<16xf32>
        %get3A_1063 = arith.index_cast %add3A_1059 : i32 to index
        %get3A_1064 = arith.constant 0 : index
        %get3A_1065 = tpu.vector_load %arg14[%get3A_1063, %get3A_1064] {strides = array<i32>} : memref<128x128xf32, #tpu.memory_space<vmem>>, vector<16xf32>,
        %mul3A_1066 = arith.mulf %get3A_1065, %broadcast_in_dim3A_1062 : vector<16xf32>
        %swap3A_1067 = arith.index_cast %add3A_1059 : i32 to index
        %swap3A_1068 = arith.constant 0 : index
        %swap3A_1069 = tpu.vector_load %arg14[%swap3A_1067, %swap3A_1068] {strides = array<i32>} : memref<128x128xf32, #tpu.memory_space<vmem>>, vector<16xf32>,
        tpu.vector_store %arg14[%swap3A_1067, %swap3A_1068], %mul3A_1066 {strides = array<i32>} : memref<128x128xf32, #tpu.memory_space<vmem>>, vector<16xf32>,
        %get3A_1070 = arith.index_cast %add3A_1059 : i32 to index
        %get3A_1071 = arith.constant 16 : index
        %get3A_1072 = tpu.vector_load %arg14[%get3A_1070, %get3A_1071] {strides = array<i32>} : memref<128x128xf32, #tpu.memory_space<vmem>>, vector<16xf32>,
        %mul3A_1073 = arith.mulf %get3A_1072, %broadcast_in_dim3A_1062 : vector<16xf32>
        %swap3A_1074 = arith.index_cast %add3A_1059 : i32 to index
        %swap3A_1075 = arith.constant 16 : index
        %swap3A_1076 = tpu.vector_load %arg14[%swap3A_1074, %swap3A_1075] {strides = array<i32>} : memref<128x128xf32, #tpu.memory_space<vmem>>, vector<16xf32>,
        tpu.vector_store %arg14[%swap3A_1074, %swap3A_1075], %mul3A_1073 {strides = array<i32>} : memref<128x128xf32, #tpu.memory_space<vmem>>, vector<16xf32>,
        %get3A_1077 = arith.index_cast %add3A_1059 : i32 to index
        %get3A_1078 = arith.constant 32 : index
        %get3A_1079 = tpu.vector_load %arg14[%get3A_1077, %get3A_1078] {strides = array<i32>} : memref<128x128xf32, #tpu.memory_space<vmem>>, vector<16xf32>,
        %mul3A_1080 = arith.mulf %get3A_1079, %broadcast_in_dim3A_1062 : vector<16xf32>
        %swap3A_1081 = arith.index_cast %add3A_1059 : i32 to index
        %swap3A_1082 = arith.constant 32 : index
        %swap3A_1083 = tpu.vector_load %arg14[%swap3A_1081, %swap3A_1082] {strides = array<i32>} : memref<128x128xf32, #tpu.memory_space<vmem>>, vector<16xf32>,
        tpu.vector_store %arg14[%swap3A_1081, %swap3A_1082], %mul3A_1080 {strides = array<i32>} : memref<128x128xf32, #tpu.memory_space<vmem>>, vector<16xf32>,
        %get3A_1084 = arith.index_cast %add3A_1059 : i32 to index
        %get3A_1085 = arith.constant 48 : index
        %get3A_1086 = tpu.vector_load %arg14[%get3A_1084, %get3A_1085] {strides = array<i32>} : memref<128x128xf32, #tpu.memory_space<vmem>>, vector<16xf32>,
        %mul3A_1087 = arith.mulf %get3A_1086, %broadcast_in_dim3A_1062 : vector<16xf32>
        %swap3A_1088 = arith.index_cast %add3A_1059 : i32 to index
        %swap3A_1089 = arith.constant 48 : index
        %swap3A_1090 = tpu.vector_load %arg14[%swap3A_1088, %swap3A_1089] {strides = array<i32>} : memref<128x128xf32, #tpu.memory_space<vmem>>, vector<16xf32>,
        tpu.vector_store %arg14[%swap3A_1088, %swap3A_1089], %mul3A_1087 {strides = array<i32>} : memref<128x128xf32, #tpu.memory_space<vmem>>, vector<16xf32>,
        %get3A_1091 = arith.index_cast %add3A_1059 : i32 to index
        %get3A_1092 = arith.constant 64 : index
        %get3A_1093 = tpu.vector_load %arg14[%get3A_1091, %get3A_1092] {strides = array<i32>} : memref<128x128xf32, #tpu.memory_space<vmem>>, vector<16xf32>,
        %mul3A_1094 = arith.mulf %get3A_1093, %broadcast_in_dim3A_1062 : vector<16xf32>
        %swap3A_1095 = arith.index_cast %add3A_1059 : i32 to index
        %swap3A_1096 = arith.constant 64 : index
        %swap3A_1097 = tpu.vector_load %arg14[%swap3A_1095, %swap3A_1096] {strides = array<i32>} : memref<128x128xf32, #tpu.memory_space<vmem>>, vector<16xf32>,
        tpu.vector_store %arg14[%swap3A_1095, %swap3A_1096], %mul3A_1094 {strides = array<i32>} : memref<128x128xf32, #tpu.memory_space<vmem>>, vector<16xf32>,
        %get3A_1098 = arith.index_cast %add3A_1059 : i32 to index
        %get3A_1099 = arith.constant 80 : index
        %get3A_1100 = tpu.vector_load %arg14[%get3A_1098, %get3A_1099] {strides = array<i32>} : memref<128x128xf32, #tpu.memory_space<vmem>>, vector<16xf32>,
        %mul3A_1101 = arith.mulf %get3A_1100, %broadcast_in_dim3A_1062 : vector<16xf32>
        %swap3A_1102 = arith.index_cast %add3A_1059 : i32 to index
        %swap3A_1103 = arith.constant 80 : index
        %swap3A_1104 = tpu.vector_load %arg14[%swap3A_1102, %swap3A_1103] {strides = array<i32>} : memref<128x128xf32, #tpu.memory_space<vmem>>, vector<16xf32>,
        tpu.vector_store %arg14[%swap3A_1102, %swap3A_1103], %mul3A_1101 {strides = array<i32>} : memref<128x128xf32, #tpu.memory_space<vmem>>, vector<16xf32>,
        %get3A_1105 = arith.index_cast %add3A_1059 : i32 to index
        %get3A_1106 = arith.constant 96 : index
        %get3A_1107 = tpu.vector_load %arg14[%get3A_1105, %get3A_1106] {strides = array<i32>} : memref<128x128xf32, #tpu.memory_space<vmem>>, vector<16xf32>,
        %mul3A_1108 = arith.mulf %get3A_1107, %broadcast_in_dim3A_1062 : vector<16xf32>
        %swap3A_1109 = arith.index_cast %add3A_1059 : i32 to index
        %swap3A_1110 = arith.constant 96 : index
        %swap3A_1111 = tpu.vector_load %arg14[%swap3A_1109, %swap3A_1110] {strides = array<i32>} : memref<128x128xf32, #tpu.memory_space<vmem>>, vector<16xf32>,
        tpu.vector_store %arg14[%swap3A_1109, %swap3A_1110], %mul3A_1108 {strides = array<i32>} : memref<128x128xf32, #tpu.memory_space<vmem>>, vector<16xf32>,
        %get3A_1112 = arith.index_cast %add3A_1059 : i32 to index
        %get3A_1113 = arith.constant 112 : index
        %get3A_1114 = tpu.vector_load %arg14[%get3A_1112, %get3A_1113] {strides = array<i32>} : memref<128x128xf32, #tpu.memory_space<vmem>>, vector<16xf32>,
        %mul3A_1115 = arith.mulf %get3A_1114, %broadcast_in_dim3A_1062 : vector<16xf32>
        %swap3A_1116 = arith.index_cast %add3A_1059 : i32 to index
        %swap3A_1117 = arith.constant 112 : index
        %swap3A_1118 = tpu.vector_load %arg14[%swap3A_1116, %swap3A_1117] {strides = array<i32>} : memref<128x128xf32, #tpu.memory_space<vmem>>, vector<16xf32>,
        tpu.vector_store %arg14[%swap3A_1116, %swap3A_1117], %mul3A_1115 {strides = array<i32>} : memref<128x128xf32, #tpu.memory_space<vmem>>, vector<16xf32>,
        %mul3A_1119 = arith.constant 16 : i32
        %mul3A_1120 = arith.muli %scan3A_159, %mul3A_1119 : i32
        %add3A_1121 = arith.constant 15 : i32
        %add3A_1122 = arith.addi %mul3A_1120, %add3A_1121 : i32
        %slice3A_1123 = vector.extract_strided_slice %get3A_165 {offsets = [15], sizes = [1], strides = [1]} : vector<16xf32> to vector<1xf32>
        %squeeze3A_1124 = vector.extract %slice3A_1123[0] : f32 from vector<1xf32>
        %broadcast_in_dim3A_1125 = vector.broadcast %squeeze3A_1124 : f32 to vector<16xf32>
        %get3A_1126 = arith.index_cast %add3A_1122 : i32 to index
        %get3A_1127 = arith.constant 0 : index
        %get3A_1128 = tpu.vector_load %arg14[%get3A_1126, %get3A_1127] {strides = array<i32>} : memref<128x128xf32, #tpu.memory_space<vmem>>, vector<16xf32>,
        %mul3A_1129 = arith.mulf %get3A_1128, %broadcast_in_dim3A_1125 : vector<16xf32>
        %swap3A_1130 = arith.index_cast %add3A_1122 : i32 to index
        %swap3A_1131 = arith.constant 0 : index
        %swap3A_1132 = tpu.vector_load %arg14[%swap3A_1130, %swap3A_1131] {strides = array<i32>} : memref<128x128xf32, #tpu.memory_space<vmem>>, vector<16xf32>,
        tpu.vector_store %arg14[%swap3A_1130, %swap3A_1131], %mul3A_1129 {strides = array<i32>} : memref<128x128xf32, #tpu.memory_space<vmem>>, vector<16xf32>,
        %get3A_1133 = arith.index_cast %add3A_1122 : i32 to index
        %get3A_1134 = arith.constant 16 : index
        %get3A_1135 = tpu.vector_load %arg14[%get3A_1133, %get3A_1134] {strides = array<i32>} : memref<128x128xf32, #tpu.memory_space<vmem>>, vector<16xf32>,
        %mul3A_1136 = arith.mulf %get3A_1135, %broadcast_in_dim3A_1125 : vector<16xf32>
        %swap3A_1137 = arith.index_cast %add3A_1122 : i32 to index
        %swap3A_1138 = arith.constant 16 : index
        %swap3A_1139 = tpu.vector_load %arg14[%swap3A_1137, %swap3A_1138] {strides = array<i32>} : memref<128x128xf32, #tpu.memory_space<vmem>>, vector<16xf32>,
        tpu.vector_store %arg14[%swap3A_1137, %swap3A_1138], %mul3A_1136 {strides = array<i32>} : memref<128x128xf32, #tpu.memory_space<vmem>>, vector<16xf32>,
        %get3A_1140 = arith.index_cast %add3A_1122 : i32 to index
        %get3A_1141 = arith.constant 32 : index
        %get3A_1142 = tpu.vector_load %arg14[%get3A_1140, %get3A_1141] {strides = array<i32>} : memref<128x128xf32, #tpu.memory_space<vmem>>, vector<16xf32>,
        %mul3A_1143 = arith.mulf %get3A_1142, %broadcast_in_dim3A_1125 : vector<16xf32>
        %swap3A_1144 = arith.index_cast %add3A_1122 : i32 to index
        %swap3A_1145 = arith.constant 32 : index
        %swap3A_1146 = tpu.vector_load %arg14[%swap3A_1144, %swap3A_1145] {strides = array<i32>} : memref<128x128xf32, #tpu.memory_space<vmem>>, vector<16xf32>,
        tpu.vector_store %arg14[%swap3A_1144, %swap3A_1145], %mul3A_1143 {strides = array<i32>} : memref<128x128xf32, #tpu.memory_space<vmem>>, vector<16xf32>,
        %get3A_1147 = arith.index_cast %add3A_1122 : i32 to index
        %get3A_1148 = arith.constant 48 : index
        %get3A_1149 = tpu.vector_load %arg14[%get3A_1147, %get3A_1148] {strides = array<i32>} : memref<128x128xf32, #tpu.memory_space<vmem>>, vector<16xf32>,
        %mul3A_1150 = arith.mulf %get3A_1149, %broadcast_in_dim3A_1125 : vector<16xf32>
        %swap3A_1151 = arith.index_cast %add3A_1122 : i32 to index
        %swap3A_1152 = arith.constant 48 : index
        %swap3A_1153 = tpu.vector_load %arg14[%swap3A_1151, %swap3A_1152] {strides = array<i32>} : memref<128x128xf32, #tpu.memory_space<vmem>>, vector<16xf32>,
        tpu.vector_store %arg14[%swap3A_1151, %swap3A_1152], %mul3A_1150 {strides = array<i32>} : memref<128x128xf32, #tpu.memory_space<vmem>>, vector<16xf32>,
        %get3A_1154 = arith.index_cast %add3A_1122 : i32 to index
        %get3A_1155 = arith.constant 64 : index
        %get3A_1156 = tpu.vector_load %arg14[%get3A_1154, %get3A_1155] {strides = array<i32>} : memref<128x128xf32, #tpu.memory_space<vmem>>, vector<16xf32>,
        %mul3A_1157 = arith.mulf %get3A_1156, %broadcast_in_dim3A_1125 : vector<16xf32>
        %swap3A_1158 = arith.index_cast %add3A_1122 : i32 to index
        %swap3A_1159 = arith.constant 64 : index
        %swap3A_1160 = tpu.vector_load %arg14[%swap3A_1158, %swap3A_1159] {strides = array<i32>} : memref<128x128xf32, #tpu.memory_space<vmem>>, vector<16xf32>,
        tpu.vector_store %arg14[%swap3A_1158, %swap3A_1159], %mul3A_1157 {strides = array<i32>} : memref<128x128xf32, #tpu.memory_space<vmem>>, vector<16xf32>,
        %get3A_1161 = arith.index_cast %add3A_1122 : i32 to index
        %get3A_1162 = arith.constant 80 : index
        %get3A_1163 = tpu.vector_load %arg14[%get3A_1161, %get3A_1162] {strides = array<i32>} : memref<128x128xf32, #tpu.memory_space<vmem>>, vector<16xf32>,
        %mul3A_1164 = arith.mulf %get3A_1163, %broadcast_in_dim3A_1125 : vector<16xf32>
        %swap3A_1165 = arith.index_cast %add3A_1122 : i32 to index
        %swap3A_1166 = arith.constant 80 : index
        %swap3A_1167 = tpu.vector_load %arg14[%swap3A_1165, %swap3A_1166] {strides = array<i32>} : memref<128x128xf32, #tpu.memory_space<vmem>>, vector<16xf32>,
        tpu.vector_store %arg14[%swap3A_1165, %swap3A_1166], %mul3A_1164 {strides = array<i32>} : memref<128x128xf32, #tpu.memory_space<vmem>>, vector<16xf32>,
        %get3A_1168 = arith.index_cast %add3A_1122 : i32 to index
        %get3A_1169 = arith.constant 96 : index
        %get3A_1170 = tpu.vector_load %arg14[%get3A_1168, %get3A_1169] {strides = array<i32>} : memref<128x128xf32, #tpu.memory_space<vmem>>, vector<16xf32>,
        %mul3A_1171 = arith.mulf %get3A_1170, %broadcast_in_dim3A_1125 : vector<16xf32>
        %swap3A_1172 = arith.index_cast %add3A_1122 : i32 to index
        %swap3A_1173 = arith.constant 96 : index
        %swap3A_1174 = tpu.vector_load %arg14[%swap3A_1172, %swap3A_1173] {strides = array<i32>} : memref<128x128xf32, #tpu.memory_space<vmem>>, vector<16xf32>,
        tpu.vector_store %arg14[%swap3A_1172, %swap3A_1173], %mul3A_1171 {strides = array<i32>} : memref<128x128xf32, #tpu.memory_space<vmem>>, vector<16xf32>,
        %get3A_1175 = arith.index_cast %add3A_1122 : i32 to index
        %get3A_1176 = arith.constant 112 : index
        %get3A_1177 = tpu.vector_load %arg14[%get3A_1175, %get3A_1176] {strides = array<i32>} : memref<128x128xf32, #tpu.memory_space<vmem>>, vector<16xf32>,
        %mul3A_1178 = arith.mulf %get3A_1177, %broadcast_in_dim3A_1125 : vector<16xf32>
        %swap3A_1179 = arith.index_cast %add3A_1122 : i32 to index
        %swap3A_1180 = arith.constant 112 : index
        %swap3A_1181 = tpu.vector_load %arg14[%swap3A_1179, %swap3A_1180] {strides = array<i32>} : memref<128x128xf32, #tpu.memory_space<vmem>>, vector<16xf32>,
        tpu.vector_store %arg14[%swap3A_1179, %swap3A_1180], %mul3A_1178 {strides = array<i32>} : memref<128x128xf32, #tpu.memory_space<vmem>>, vector<16xf32>,
      }
      %scan3A_158 = arith.constant 8 : i32
      "tpu.region"() ({
        %run_scoped3A = tpu.sem_alloc : memref<!tpu.dma_semaphore, #tpu.memory_space<semaphore_mem>>
        %dma_start3A_159 = arith.constant 0 : i32
        %dma_start3A_160 = arith.constant 0 : i32
        %dma_start3A_161 = tpu.memref_slice %arg18[%dma_start3A_159, %dma_start3A_160] : memref<5120x128xf32, #tpu.memory_space<vmem_shared>> -> memref<5120x128xf32, #tpu.memory_space<vmem_shared>>
        tpu.enqueue_indirect_dma source(%arg14 : memref<128x128xf32, #tpu.memory_space<vmem>>) target(%dma_start3A_161 : memref<5120x128xf32, #tpu.memory_space<vmem_shared>>) offsets(%arg15 : memref<128xi32, #tpu.memory_space<vmem>>) semaphore(%run_scoped3A : memref<!tpu.dma_semaphore, #tpu.memory_space<semaphore_mem>>) {add = true}
        %dma_wait3A_162 = arith.constant 0 : i32
        %dma_wait3A_163 = arith.constant 0 : i32
        %dma_wait3A_164 = tpu.memref_slice %arg18[%dma_wait3A_162, %dma_wait3A_163] : memref<5120x128xf32, #tpu.memory_space<vmem_shared>> -> memref<5120x128xf32, #tpu.memory_space<vmem_shared>>
        tpu.wait_indirect_dma semaphore(%run_scoped3A : memref<!tpu.dma_semaphore, #tpu.memory_space<semaphore_mem>>) src(%arg14 : memref<128x128xf32, #tpu.memory_space<vmem>>) dst(%dma_wait3A_164 : memref<5120x128xf32, #tpu.memory_space<vmem_shared>>)
        tpu.yield
      }) : () -> ()
      "tpu.region"() ({
        %run_scoped3A = tpu.sem_alloc : memref<!tpu.dma_semaphore, #tpu.memory_space<semaphore_mem>>
        %dma_start3A_159 = arith.constant 0 : i32
        %dma_start3A_160 = tpu.memref_slice %arg19[%dma_start3A_159] : memref<5120xf32, #tpu.memory_space<vmem_shared>> -> memref<5120xf32, #tpu.memory_space<vmem_shared>>
        tpu.enqueue_indirect_dma source(%arg16 : memref<128xf32, #tpu.memory_space<vmem>>) target(%dma_start3A_160 : memref<5120xf32, #tpu.memory_space<vmem_shared>>) offsets(%arg15 : memref<128xi32, #tpu.memory_space<vmem>>) semaphore(%run_scoped3A : memref<!tpu.dma_semaphore, #tpu.memory_space<semaphore_mem>>) {add = true}
        %dma_wait3A_161 = arith.constant 0 : i32
        %dma_wait3A_162 = tpu.memref_slice %arg19[%dma_wait3A_161] : memref<5120xf32, #tpu.memory_space<vmem_shared>> -> memref<5120xf32, #tpu.memory_space<vmem_shared>>
        tpu.wait_indirect_dma semaphore(%run_scoped3A : memref<!tpu.dma_semaphore, #tpu.memory_space<semaphore_mem>>) src(%arg16 : memref<128xf32, #tpu.memory_space<vmem>>) dst(%dma_wait3A_162 : memref<5120xf32, #tpu.memory_space<vmem_shared>>)
        tpu.yield
      }) : () -> ()
    }
    %while3A_138 = arith.constant 1 : i32
    scf.for %while3A_144 = %while3A_136 to %while3A_132 step %while3A_138  : i32 {
      %mul3A_145 = arith.constant 128 : i32
      %mul3A_146 = arith.muli %while3A_144, %mul3A_145 : i32
      %dma_start3A = tpu.memref_slice %arg11[%mul3A_146] : memref<20480xi32, #tpu.memory_space<vmem>> -> memref<128xi32, #tpu.memory_space<vmem>>
      %dma_start3A_147 = arith.constant 0 : i32
      %dma_start3A_148 = arith.constant 0 : i32
      %dma_start3A_149 = tpu.memref_slice %arg2[%dma_start3A_147, %dma_start3A_148] : memref<10000x128xf32, #tpu.memory_space<hbm>> -> memref<10000x128xf32, #tpu.memory_space<hbm>>
      tpu.enqueue_indirect_dma source(%dma_start3A_149 : memref<10000x128xf32, #tpu.memory_space<hbm>>) target(%arg14 : memref<128x128xf32, #tpu.memory_space<vmem>>) offsets(%dma_start3A : memref<128xi32, #tpu.memory_space<vmem>>) semaphore(%arg20 : memref<!tpu.dma_semaphore, #tpu.memory_space<semaphore_mem>>)
      %dma_wait3A = tpu.memref_slice %arg11[%mul3A_146] : memref<20480xi32, #tpu.memory_space<vmem>> -> memref<128xi32, #tpu.memory_space<vmem>>
      %dma_wait3A_150 = arith.constant 0 : i32
      %dma_wait3A_151 = arith.constant 0 : i32
      %dma_wait3A_152 = tpu.memref_slice %arg2[%dma_wait3A_150, %dma_wait3A_151] : memref<10000x128xf32, #tpu.memory_space<hbm>> -> memref<10000x128xf32, #tpu.memory_space<hbm>>
      tpu.wait_indirect_dma semaphore(%arg20 : memref<!tpu.dma_semaphore, #tpu.memory_space<semaphore_mem>>) src(%dma_wait3A_152 : memref<10000x128xf32, #tpu.memory_space<hbm>>) dst(%arg14 : memref<128x128xf32, #tpu.memory_space<vmem>>)
      %scan3A_153 = arith.constant 0 : i32
      %scan3A_154 = arith.constant 0 : i32
      %scan3A_155 = arith.constant 8 : i32
      %scan3A_156 = arith.addi %scan3A_154, %scan3A_155 : i32
      %scan3A_157 = arith.constant 1 : i32
      scf.for %scan3A_159 = %scan3A_154 to %scan3A_156 step %scan3A_157  : i32 {
        %mul3A_160 = arith.constant 128 : i32
        %mul3A_161 = arith.muli %while3A_144, %mul3A_160 : i32
        %mul3A_162 = arith.constant 16 : i32
        %mul3A_163 = arith.muli %scan3A_159, %mul3A_162 : i32
        %add3A_164 = arith.addi %mul3A_161, %mul3A_163 : i32
        %get3A = arith.index_cast %add3A_164 : i32 to index
        %get3A_165 = tpu.vector_load %arg13[%get3A] {strides = array<i32>} : memref<20480xf32, #tpu.memory_space<vmem>>, vector<16xf32>,
        %mul3A_166 = arith.constant 16 : i32
        %mul3A_167 = arith.muli %scan3A_159, %mul3A_166 : i32
        %swap3A_168 = arith.index_cast %mul3A_167 : i32 to index
        %swap3A_169 = tpu.vector_load %arg16[%swap3A_168] {strides = array<i32>} : memref<128xf32, #tpu.memory_space<vmem>>, vector<16xf32>,
        tpu.vector_store %arg16[%swap3A_168], %get3A_165 {strides = array<i32>} : memref<128xf32, #tpu.memory_space<vmem>>, vector<16xf32>,
        %get3A_170 = arith.index_cast %add3A_164 : i32 to index
        %get3A_171 = tpu.vector_load %arg12[%get3A_170] {strides = array<i32>} : memref<20480xi32, #tpu.memory_space<vmem>>, vector<16xi32>,
        %mul3A_172 = arith.constant 16 : i32
        %mul3A_173 = arith.muli %scan3A_159, %mul3A_172 : i32
        %swap3A_174 = arith.index_cast %mul3A_173 : i32 to index
        %swap3A_175 = tpu.vector_load %arg15[%swap3A_174] {strides = array<i32>} : memref<128xi32, #tpu.memory_space<vmem>>, vector<16xi32>,
        tpu.vector_store %arg15[%swap3A_174], %get3A_171 {strides = array<i32>} : memref<128xi32, #tpu.memory_space<vmem>>, vector<16xi32>,
        %mul3A_176 = arith.constant 16 : i32
        %mul3A_177 = arith.muli %scan3A_159, %mul3A_176 : i32
        %add3A_178 = arith.constant 0 : i32
        %add3A_179 = arith.addi %mul3A_177, %add3A_178 : i32
        %slice3A = vector.extract_strided_slice %get3A_165 {offsets = [0], sizes = [1], strides = [1]} : vector<16xf32> to vector<1xf32>
        %squeeze3A = vector.extract %slice3A[0] : f32 from vector<1xf32>
        %broadcast_in_dim3A_180 = vector.broadcast %squeeze3A : f32 to vector<16xf32>
        %get3A_181 = arith.index_cast %add3A_179 : i32 to index
        %get3A_182 = arith.constant 0 : index
        %get3A_183 = tpu.vector_load %arg14[%get3A_181, %get3A_182] {strides = array<i32>} : memref<128x128xf32, #tpu.memory_space<vmem>>, vector<16xf32>,
        %mul3A_184 = arith.mulf %get3A_183, %broadcast_in_dim3A_180 : vector<16xf32>
        %swap3A_185 = arith.index_cast %add3A_179 : i32 to index
        %swap3A_186 = arith.constant 0 : index
        %swap3A_187 = tpu.vector_load %arg14[%swap3A_185, %swap3A_186] {strides = array<i32>} : memref<128x128xf32, #tpu.memory_space<vmem>>, vector<16xf32>,
        tpu.vector_store %arg14[%swap3A_185, %swap3A_186], %mul3A_184 {strides = array<i32>} : memref<128x128xf32, #tpu.memory_space<vmem>>, vector<16xf32>,
        %get3A_188 = arith.index_cast %add3A_179 : i32 to index
        %get3A_189 = arith.constant 16 : index
        %get3A_190 = tpu.vector_load %arg14[%get3A_188, %get3A_189] {strides = array<i32>} : memref<128x128xf32, #tpu.memory_space<vmem>>, vector<16xf32>,
        %mul3A_191 = arith.mulf %get3A_190, %broadcast_in_dim3A_180 : vector<16xf32>
        %swap3A_192 = arith.index_cast %add3A_179 : i32 to index
        %swap3A_193 = arith.constant 16 : index
        %swap3A_194 = tpu.vector_load %arg14[%swap3A_192, %swap3A_193] {strides = array<i32>} : memref<128x128xf32, #tpu.memory_space<vmem>>, vector<16xf32>,
        tpu.vector_store %arg14[%swap3A_192, %swap3A_193], %mul3A_191 {strides = array<i32>} : memref<128x128xf32, #tpu.memory_space<vmem>>, vector<16xf32>,
        %get3A_195 = arith.index_cast %add3A_179 : i32 to index
        %get3A_196 = arith.constant 32 : index
        %get3A_197 = tpu.vector_load %arg14[%get3A_195, %get3A_196] {strides = array<i32>} : memref<128x128xf32, #tpu.memory_space<vmem>>, vector<16xf32>,
        %mul3A_198 = arith.mulf %get3A_197, %broadcast_in_dim3A_180 : vector<16xf32>
        %swap3A_199 = arith.index_cast %add3A_179 : i32 to index
        %swap3A_200 = arith.constant 32 : index
        %swap3A_201 = tpu.vector_load %arg14[%swap3A_199, %swap3A_200] {strides = array<i32>} : memref<128x128xf32, #tpu.memory_space<vmem>>, vector<16xf32>,
        tpu.vector_store %arg14[%swap3A_199, %swap3A_200], %mul3A_198 {strides = array<i32>} : memref<128x128xf32, #tpu.memory_space<vmem>>, vector<16xf32>,
        %get3A_202 = arith.index_cast %add3A_179 : i32 to index
        %get3A_203 = arith.constant 48 : index
        %get3A_204 = tpu.vector_load %arg14[%get3A_202, %get3A_203] {strides = array<i32>} : memref<128x128xf32, #tpu.memory_space<vmem>>, vector<16xf32>,
        %mul3A_205 = arith.mulf %get3A_204, %broadcast_in_dim3A_180 : vector<16xf32>
        %swap3A_206 = arith.index_cast %add3A_179 : i32 to index
        %swap3A_207 = arith.constant 48 : index
        %swap3A_208 = tpu.vector_load %arg14[%swap3A_206, %swap3A_207] {strides = array<i32>} : memref<128x128xf32, #tpu.memory_space<vmem>>, vector<16xf32>,
        tpu.vector_store %arg14[%swap3A_206, %swap3A_207], %mul3A_205 {strides = array<i32>} : memref<128x128xf32, #tpu.memory_space<vmem>>, vector<16xf32>,
        %get3A_209 = arith.index_cast %add3A_179 : i32 to index
        %get3A_210 = arith.constant 64 : index
        %get3A_211 = tpu.vector_load %arg14[%get3A_209, %get3A_210] {strides = array<i32>} : memref<128x128xf32, #tpu.memory_space<vmem>>, vector<16xf32>,
        %mul3A_212 = arith.mulf %get3A_211, %broadcast_in_dim3A_180 : vector<16xf32>
        %swap3A_213 = arith.index_cast %add3A_179 : i32 to index
        %swap3A_214 = arith.constant 64 : index
        %swap3A_215 = tpu.vector_load %arg14[%swap3A_213, %swap3A_214] {strides = array<i32>} : memref<128x128xf32, #tpu.memory_space<vmem>>, vector<16xf32>,
        tpu.vector_store %arg14[%swap3A_213, %swap3A_214], %mul3A_212 {strides = array<i32>} : memref<128x128xf32, #tpu.memory_space<vmem>>, vector<16xf32>,
        %get3A_216 = arith.index_cast %add3A_179 : i32 to index
        %get3A_217 = arith.constant 80 : index
        %get3A_218 = tpu.vector_load %arg14[%get3A_216, %get3A_217] {strides = array<i32>} : memref<128x128xf32, #tpu.memory_space<vmem>>, vector<16xf32>,
        %mul3A_219 = arith.mulf %get3A_218, %broadcast_in_dim3A_180 : vector<16xf32>
        %swap3A_220 = arith.index_cast %add3A_179 : i32 to index
        %swap3A_221 = arith.constant 80 : index
        %swap3A_222 = tpu.vector_load %arg14[%swap3A_220, %swap3A_221] {strides = array<i32>} : memref<128x128xf32, #tpu.memory_space<vmem>>, vector<16xf32>,
        tpu.vector_store %arg14[%swap3A_220, %swap3A_221], %mul3A_219 {strides = array<i32>} : memref<128x128xf32, #tpu.memory_space<vmem>>, vector<16xf32>,
        %get3A_223 = arith.index_cast %add3A_179 : i32 to index
        %get3A_224 = arith.constant 96 : index
        %get3A_225 = tpu.vector_load %arg14[%get3A_223, %get3A_224] {strides = array<i32>} : memref<128x128xf32, #tpu.memory_space<vmem>>, vector<16xf32>,
        %mul3A_226 = arith.mulf %get3A_225, %broadcast_in_dim3A_180 : vector<16xf32>
        %swap3A_227 = arith.index_cast %add3A_179 : i32 to index
        %swap3A_228 = arith.constant 96 : index
        %swap3A_229 = tpu.vector_load %arg14[%swap3A_227, %swap3A_228] {strides = array<i32>} : memref<128x128xf32, #tpu.memory_space<vmem>>, vector<16xf32>,
        tpu.vector_store %arg14[%swap3A_227, %swap3A_228], %mul3A_226 {strides = array<i32>} : memref<128x128xf32, #tpu.memory_space<vmem>>, vector<16xf32>,
        %get3A_230 = arith.index_cast %add3A_179 : i32 to index
        %get3A_231 = arith.constant 112 : index
        %get3A_232 = tpu.vector_load %arg14[%get3A_230, %get3A_231] {strides = array<i32>} : memref<128x128xf32, #tpu.memory_space<vmem>>, vector<16xf32>,
        %mul3A_233 = arith.mulf %get3A_232, %broadcast_in_dim3A_180 : vector<16xf32>
        %swap3A_234 = arith.index_cast %add3A_179 : i32 to index
        %swap3A_235 = arith.constant 112 : index
        %swap3A_236 = tpu.vector_load %arg14[%swap3A_234, %swap3A_235] {strides = array<i32>} : memref<128x128xf32, #tpu.memory_space<vmem>>, vector<16xf32>,
        tpu.vector_store %arg14[%swap3A_234, %swap3A_235], %mul3A_233 {strides = array<i32>} : memref<128x128xf32, #tpu.memory_space<vmem>>, vector<16xf32>,
        %mul3A_237 = arith.constant 16 : i32
        %mul3A_238 = arith.muli %scan3A_159, %mul3A_237 : i32
        %add3A_239 = arith.constant 1 : i32
        %add3A_240 = arith.addi %mul3A_238, %add3A_239 : i32
        %slice3A_241 = vector.extract_strided_slice %get3A_165 {offsets = [1], sizes = [1], strides = [1]} : vector<16xf32> to vector<1xf32>
        %squeeze3A_242 = vector.extract %slice3A_241[0] : f32 from vector<1xf32>
        %broadcast_in_dim3A_243 = vector.broadcast %squeeze3A_242 : f32 to vector<16xf32>
        %get3A_244 = arith.index_cast %add3A_240 : i32 to index
        %get3A_245 = arith.constant 0 : index
        %get3A_246 = tpu.vector_load %arg14[%get3A_244, %get3A_245] {strides = array<i32>} : memref<128x128xf32, #tpu.memory_space<vmem>>, vector<16xf32>,
        %mul3A_247 = arith.mulf %get3A_246, %broadcast_in_dim3A_243 : vector<16xf32>
        %swap3A_248 = arith.index_cast %add3A_240 : i32 to index
        %swap3A_249 = arith.constant 0 : index
        %swap3A_250 = tpu.vector_load %arg14[%swap3A_248, %swap3A_249] {strides = array<i32>} : memref<128x128xf32, #tpu.memory_space<vmem>>, vector<16xf32>,
        tpu.vector_store %arg14[%swap3A_248, %swap3A_249], %mul3A_247 {strides = array<i32>} : memref<128x128xf32, #tpu.memory_space<vmem>>, vector<16xf32>,
        %get3A_251 = arith.index_cast %add3A_240 : i32 to index
        %get3A_252 = arith.constant 16 : index
        %get3A_253 = tpu.vector_load %arg14[%get3A_251, %get3A_252] {strides = array<i32>} : memref<128x128xf32, #tpu.memory_space<vmem>>, vector<16xf32>,
        %mul3A_254 = arith.mulf %get3A_253, %broadcast_in_dim3A_243 : vector<16xf32>
        %swap3A_255 = arith.index_cast %add3A_240 : i32 to index
        %swap3A_256 = arith.constant 16 : index
        %swap3A_257 = tpu.vector_load %arg14[%swap3A_255, %swap3A_256] {strides = array<i32>} : memref<128x128xf32, #tpu.memory_space<vmem>>, vector<16xf32>,
        tpu.vector_store %arg14[%swap3A_255, %swap3A_256], %mul3A_254 {strides = array<i32>} : memref<128x128xf32, #tpu.memory_space<vmem>>, vector<16xf32>,
        %get3A_258 = arith.index_cast %add3A_240 : i32 to index
        %get3A_259 = arith.constant 32 : index
        %get3A_260 = tpu.vector_load %arg14[%get3A_258, %get3A_259] {strides = array<i32>} : memref<128x128xf32, #tpu.memory_space<vmem>>, vector<16xf32>,
        %mul3A_261 = arith.mulf %get3A_260, %broadcast_in_dim3A_243 : vector<16xf32>
        %swap3A_262 = arith.index_cast %add3A_240 : i32 to index
        %swap3A_263 = arith.constant 32 : index
        %swap3A_264 = tpu.vector_load %arg14[%swap3A_262, %swap3A_263] {strides = array<i32>} : memref<128x128xf32, #tpu.memory_space<vmem>>, vector<16xf32>,
        tpu.vector_store %arg14[%swap3A_262, %swap3A_263], %mul3A_261 {strides = array<i32>} : memref<128x128xf32, #tpu.memory_space<vmem>>, vector<16xf32>,
        %get3A_265 = arith.index_cast %add3A_240 : i32 to index
        %get3A_266 = arith.constant 48 : index
        %get3A_267 = tpu.vector_load %arg14[%get3A_265, %get3A_266] {strides = array<i32>} : memref<128x128xf32, #tpu.memory_space<vmem>>, vector<16xf32>,
        %mul3A_268 = arith.mulf %get3A_267, %broadcast_in_dim3A_243 : vector<16xf32>
        %swap3A_269 = arith.index_cast %add3A_240 : i32 to index
        %swap3A_270 = arith.constant 48 : index
        %swap3A_271 = tpu.vector_load %arg14[%swap3A_269, %swap3A_270] {strides = array<i32>} : memref<128x128xf32, #tpu.memory_space<vmem>>, vector<16xf32>,
        tpu.vector_store %arg14[%swap3A_269, %swap3A_270], %mul3A_268 {strides = array<i32>} : memref<128x128xf32, #tpu.memory_space<vmem>>, vector<16xf32>,
        %get3A_272 = arith.index_cast %add3A_240 : i32 to index
        %get3A_273 = arith.constant 64 : index
        %get3A_274 = tpu.vector_load %arg14[%get3A_272, %get3A_273] {strides = array<i32>} : memref<128x128xf32, #tpu.memory_space<vmem>>, vector<16xf32>,
        %mul3A_275 = arith.mulf %get3A_274, %broadcast_in_dim3A_243 : vector<16xf32>
        %swap3A_276 = arith.index_cast %add3A_240 : i32 to index
        %swap3A_277 = arith.constant 64 : index
        %swap3A_278 = tpu.vector_load %arg14[%swap3A_276, %swap3A_277] {strides = array<i32>} : memref<128x128xf32, #tpu.memory_space<vmem>>, vector<16xf32>,
        tpu.vector_store %arg14[%swap3A_276, %swap3A_277], %mul3A_275 {strides = array<i32>} : memref<128x128xf32, #tpu.memory_space<vmem>>, vector<16xf32>,
        %get3A_279 = arith.index_cast %add3A_240 : i32 to index
        %get3A_280 = arith.constant 80 : index
        %get3A_281 = tpu.vector_load %arg14[%get3A_279, %get3A_280] {strides = array<i32>} : memref<128x128xf32, #tpu.memory_space<vmem>>, vector<16xf32>,
        %mul3A_282 = arith.mulf %get3A_281, %broadcast_in_dim3A_243 : vector<16xf32>
        %swap3A_283 = arith.index_cast %add3A_240 : i32 to index
        %swap3A_284 = arith.constant 80 : index
        %swap3A_285 = tpu.vector_load %arg14[%swap3A_283, %swap3A_284] {strides = array<i32>} : memref<128x128xf32, #tpu.memory_space<vmem>>, vector<16xf32>,
        tpu.vector_store %arg14[%swap3A_283, %swap3A_284], %mul3A_282 {strides = array<i32>} : memref<128x128xf32, #tpu.memory_space<vmem>>, vector<16xf32>,
        %get3A_286 = arith.index_cast %add3A_240 : i32 to index
        %get3A_287 = arith.constant 96 : index
        %get3A_288 = tpu.vector_load %arg14[%get3A_286, %get3A_287] {strides = array<i32>} : memref<128x128xf32, #tpu.memory_space<vmem>>, vector<16xf32>,
        %mul3A_289 = arith.mulf %get3A_288, %broadcast_in_dim3A_243 : vector<16xf32>
        %swap3A_290 = arith.index_cast %add3A_240 : i32 to index
        %swap3A_291 = arith.constant 96 : index
        %swap3A_292 = tpu.vector_load %arg14[%swap3A_290, %swap3A_291] {strides = array<i32>} : memref<128x128xf32, #tpu.memory_space<vmem>>, vector<16xf32>,
        tpu.vector_store %arg14[%swap3A_290, %swap3A_291], %mul3A_289 {strides = array<i32>} : memref<128x128xf32, #tpu.memory_space<vmem>>, vector<16xf32>,
        %get3A_293 = arith.index_cast %add3A_240 : i32 to index
        %get3A_294 = arith.constant 112 : index
        %get3A_295 = tpu.vector_load %arg14[%get3A_293, %get3A_294] {strides = array<i32>} : memref<128x128xf32, #tpu.memory_space<vmem>>, vector<16xf32>,
        %mul3A_296 = arith.mulf %get3A_295, %broadcast_in_dim3A_243 : vector<16xf32>
        %swap3A_297 = arith.index_cast %add3A_240 : i32 to index
        %swap3A_298 = arith.constant 112 : index
        %swap3A_299 = tpu.vector_load %arg14[%swap3A_297, %swap3A_298] {strides = array<i32>} : memref<128x128xf32, #tpu.memory_space<vmem>>, vector<16xf32>,
        tpu.vector_store %arg14[%swap3A_297, %swap3A_298], %mul3A_296 {strides = array<i32>} : memref<128x128xf32, #tpu.memory_space<vmem>>, vector<16xf32>,
        %mul3A_300 = arith.constant 16 : i32
        %mul3A_301 = arith.muli %scan3A_159, %mul3A_300 : i32
        %add3A_302 = arith.constant 2 : i32
        %add3A_303 = arith.addi %mul3A_301, %add3A_302 : i32
        %slice3A_304 = vector.extract_strided_slice %get3A_165 {offsets = [2], sizes = [1], strides = [1]} : vector<16xf32> to vector<1xf32>
        %squeeze3A_305 = vector.extract %slice3A_304[0] : f32 from vector<1xf32>
        %broadcast_in_dim3A_306 = vector.broadcast %squeeze3A_305 : f32 to vector<16xf32>
        %get3A_307 = arith.index_cast %add3A_303 : i32 to index
        %get3A_308 = arith.constant 0 : index
        %get3A_309 = tpu.vector_load %arg14[%get3A_307, %get3A_308] {strides = array<i32>} : memref<128x128xf32, #tpu.memory_space<vmem>>, vector<16xf32>,
        %mul3A_310 = arith.mulf %get3A_309, %broadcast_in_dim3A_306 : vector<16xf32>
        %swap3A_311 = arith.index_cast %add3A_303 : i32 to index
        %swap3A_312 = arith.constant 0 : index
        %swap3A_313 = tpu.vector_load %arg14[%swap3A_311, %swap3A_312] {strides = array<i32>} : memref<128x128xf32, #tpu.memory_space<vmem>>, vector<16xf32>,
        tpu.vector_store %arg14[%swap3A_311, %swap3A_312], %mul3A_310 {strides = array<i32>} : memref<128x128xf32, #tpu.memory_space<vmem>>, vector<16xf32>,
        %get3A_314 = arith.index_cast %add3A_303 : i32 to index
        %get3A_315 = arith.constant 16 : index
        %get3A_316 = tpu.vector_load %arg14[%get3A_314, %get3A_315] {strides = array<i32>} : memref<128x128xf32, #tpu.memory_space<vmem>>, vector<16xf32>,
        %mul3A_317 = arith.mulf %get3A_316, %broadcast_in_dim3A_306 : vector<16xf32>
        %swap3A_318 = arith.index_cast %add3A_303 : i32 to index
        %swap3A_319 = arith.constant 16 : index
        %swap3A_320 = tpu.vector_load %arg14[%swap3A_318, %swap3A_319] {strides = array<i32>} : memref<128x128xf32, #tpu.memory_space<vmem>>, vector<16xf32>,
        tpu.vector_store %arg14[%swap3A_318, %swap3A_319], %mul3A_317 {strides = array<i32>} : memref<128x128xf32, #tpu.memory_space<vmem>>, vector<16xf32>,
        %get3A_321 = arith.index_cast %add3A_303 : i32 to index
        %get3A_322 = arith.constant 32 : index
        %get3A_323 = tpu.vector_load %arg14[%get3A_321, %get3A_322] {strides = array<i32>} : memref<128x128xf32, #tpu.memory_space<vmem>>, vector<16xf32>,
        %mul3A_324 = arith.mulf %get3A_323, %broadcast_in_dim3A_306 : vector<16xf32>
        %swap3A_325 = arith.index_cast %add3A_303 : i32 to index
        %swap3A_326 = arith.constant 32 : index
        %swap3A_327 = tpu.vector_load %arg14[%swap3A_325, %swap3A_326] {strides = array<i32>} : memref<128x128xf32, #tpu.memory_space<vmem>>, vector<16xf32>,
        tpu.vector_store %arg14[%swap3A_325, %swap3A_326], %mul3A_324 {strides = array<i32>} : memref<128x128xf32, #tpu.memory_space<vmem>>, vector<16xf32>,
        %get3A_328 = arith.index_cast %add3A_303 : i32 to index
        %get3A_329 = arith.constant 48 : index
        %get3A_330 = tpu.vector_load %arg14[%get3A_328, %get3A_329] {strides = array<i32>} : memref<128x128xf32, #tpu.memory_space<vmem>>, vector<16xf32>,
        %mul3A_331 = arith.mulf %get3A_330, %broadcast_in_dim3A_306 : vector<16xf32>
        %swap3A_332 = arith.index_cast %add3A_303 : i32 to index
        %swap3A_333 = arith.constant 48 : index
        %swap3A_334 = tpu.vector_load %arg14[%swap3A_332, %swap3A_333] {strides = array<i32>} : memref<128x128xf32, #tpu.memory_space<vmem>>, vector<16xf32>,
        tpu.vector_store %arg14[%swap3A_332, %swap3A_333], %mul3A_331 {strides = array<i32>} : memref<128x128xf32, #tpu.memory_space<vmem>>, vector<16xf32>,
        %get3A_335 = arith.index_cast %add3A_303 : i32 to index
        %get3A_336 = arith.constant 64 : index
        %get3A_337 = tpu.vector_load %arg14[%get3A_335, %get3A_336] {strides = array<i32>} : memref<128x128xf32, #tpu.memory_space<vmem>>, vector<16xf32>,
        %mul3A_338 = arith.mulf %get3A_337, %broadcast_in_dim3A_306 : vector<16xf32>
        %swap3A_339 = arith.index_cast %add3A_303 : i32 to index
        %swap3A_340 = arith.constant 64 : index
        %swap3A_341 = tpu.vector_load %arg14[%swap3A_339, %swap3A_340] {strides = array<i32>} : memref<128x128xf32, #tpu.memory_space<vmem>>, vector<16xf32>,
        tpu.vector_store %arg14[%swap3A_339, %swap3A_340], %mul3A_338 {strides = array<i32>} : memref<128x128xf32, #tpu.memory_space<vmem>>, vector<16xf32>,
        %get3A_342 = arith.index_cast %add3A_303 : i32 to index
        %get3A_343 = arith.constant 80 : index
        %get3A_344 = tpu.vector_load %arg14[%get3A_342, %get3A_343] {strides = array<i32>} : memref<128x128xf32, #tpu.memory_space<vmem>>, vector<16xf32>,
        %mul3A_345 = arith.mulf %get3A_344, %broadcast_in_dim3A_306 : vector<16xf32>
        %swap3A_346 = arith.index_cast %add3A_303 : i32 to index
        %swap3A_347 = arith.constant 80 : index
        %swap3A_348 = tpu.vector_load %arg14[%swap3A_346, %swap3A_347] {strides = array<i32>} : memref<128x128xf32, #tpu.memory_space<vmem>>, vector<16xf32>,
        tpu.vector_store %arg14[%swap3A_346, %swap3A_347], %mul3A_345 {strides = array<i32>} : memref<128x128xf32, #tpu.memory_space<vmem>>, vector<16xf32>,
        %get3A_349 = arith.index_cast %add3A_303 : i32 to index
        %get3A_350 = arith.constant 96 : index
        %get3A_351 = tpu.vector_load %arg14[%get3A_349, %get3A_350] {strides = array<i32>} : memref<128x128xf32, #tpu.memory_space<vmem>>, vector<16xf32>,
        %mul3A_352 = arith.mulf %get3A_351, %broadcast_in_dim3A_306 : vector<16xf32>
        %swap3A_353 = arith.index_cast %add3A_303 : i32 to index
        %swap3A_354 = arith.constant 96 : index
        %swap3A_355 = tpu.vector_load %arg14[%swap3A_353, %swap3A_354] {strides = array<i32>} : memref<128x128xf32, #tpu.memory_space<vmem>>, vector<16xf32>,
        tpu.vector_store %arg14[%swap3A_353, %swap3A_354], %mul3A_352 {strides = array<i32>} : memref<128x128xf32, #tpu.memory_space<vmem>>, vector<16xf32>,
        %get3A_356 = arith.index_cast %add3A_303 : i32 to index
        %get3A_357 = arith.constant 112 : index
        %get3A_358 = tpu.vector_load %arg14[%get3A_356, %get3A_357] {strides = array<i32>} : memref<128x128xf32, #tpu.memory_space<vmem>>, vector<16xf32>,
        %mul3A_359 = arith.mulf %get3A_358, %broadcast_in_dim3A_306 : vector<16xf32>
        %swap3A_360 = arith.index_cast %add3A_303 : i32 to index
        %swap3A_361 = arith.constant 112 : index
        %swap3A_362 = tpu.vector_load %arg14[%swap3A_360, %swap3A_361] {strides = array<i32>} : memref<128x128xf32, #tpu.memory_space<vmem>>, vector<16xf32>,
        tpu.vector_store %arg14[%swap3A_360, %swap3A_361], %mul3A_359 {strides = array<i32>} : memref<128x128xf32, #tpu.memory_space<vmem>>, vector<16xf32>,
        %mul3A_363 = arith.constant 16 : i32
        %mul3A_364 = arith.muli %scan3A_159, %mul3A_363 : i32
        %add3A_365 = arith.constant 3 : i32
        %add3A_366 = arith.addi %mul3A_364, %add3A_365 : i32
        %slice3A_367 = vector.extract_strided_slice %get3A_165 {offsets = [3], sizes = [1], strides = [1]} : vector<16xf32> to vector<1xf32>
        %squeeze3A_368 = vector.extract %slice3A_367[0] : f32 from vector<1xf32>
        %broadcast_in_dim3A_369 = vector.broadcast %squeeze3A_368 : f32 to vector<16xf32>
        %get3A_370 = arith.index_cast %add3A_366 : i32 to index
        %get3A_371 = arith.constant 0 : index
        %get3A_372 = tpu.vector_load %arg14[%get3A_370, %get3A_371] {strides = array<i32>} : memref<128x128xf32, #tpu.memory_space<vmem>>, vector<16xf32>,
        %mul3A_373 = arith.mulf %get3A_372, %broadcast_in_dim3A_369 : vector<16xf32>
        %swap3A_374 = arith.index_cast %add3A_366 : i32 to index
        %swap3A_375 = arith.constant 0 : index
        %swap3A_376 = tpu.vector_load %arg14[%swap3A_374, %swap3A_375] {strides = array<i32>} : memref<128x128xf32, #tpu.memory_space<vmem>>, vector<16xf32>,
        tpu.vector_store %arg14[%swap3A_374, %swap3A_375], %mul3A_373 {strides = array<i32>} : memref<128x128xf32, #tpu.memory_space<vmem>>, vector<16xf32>,
        %get3A_377 = arith.index_cast %add3A_366 : i32 to index
        %get3A_378 = arith.constant 16 : index
        %get3A_379 = tpu.vector_load %arg14[%get3A_377, %get3A_378] {strides = array<i32>} : memref<128x128xf32, #tpu.memory_space<vmem>>, vector<16xf32>,
        %mul3A_380 = arith.mulf %get3A_379, %broadcast_in_dim3A_369 : vector<16xf32>
        %swap3A_381 = arith.index_cast %add3A_366 : i32 to index
        %swap3A_382 = arith.constant 16 : index
        %swap3A_383 = tpu.vector_load %arg14[%swap3A_381, %swap3A_382] {strides = array<i32>} : memref<128x128xf32, #tpu.memory_space<vmem>>, vector<16xf32>,
        tpu.vector_store %arg14[%swap3A_381, %swap3A_382], %mul3A_380 {strides = array<i32>} : memref<128x128xf32, #tpu.memory_space<vmem>>, vector<16xf32>,
        %get3A_384 = arith.index_cast %add3A_366 : i32 to index
        %get3A_385 = arith.constant 32 : index
        %get3A_386 = tpu.vector_load %arg14[%get3A_384, %get3A_385] {strides = array<i32>} : memref<128x128xf32, #tpu.memory_space<vmem>>, vector<16xf32>,
        %mul3A_387 = arith.mulf %get3A_386, %broadcast_in_dim3A_369 : vector<16xf32>
        %swap3A_388 = arith.index_cast %add3A_366 : i32 to index
        %swap3A_389 = arith.constant 32 : index
        %swap3A_390 = tpu.vector_load %arg14[%swap3A_388, %swap3A_389] {strides = array<i32>} : memref<128x128xf32, #tpu.memory_space<vmem>>, vector<16xf32>,
        tpu.vector_store %arg14[%swap3A_388, %swap3A_389], %mul3A_387 {strides = array<i32>} : memref<128x128xf32, #tpu.memory_space<vmem>>, vector<16xf32>,
        %get3A_391 = arith.index_cast %add3A_366 : i32 to index
        %get3A_392 = arith.constant 48 : index
        %get3A_393 = tpu.vector_load %arg14[%get3A_391, %get3A_392] {strides = array<i32>} : memref<128x128xf32, #tpu.memory_space<vmem>>, vector<16xf32>,
        %mul3A_394 = arith.mulf %get3A_393, %broadcast_in_dim3A_369 : vector<16xf32>
        %swap3A_395 = arith.index_cast %add3A_366 : i32 to index
        %swap3A_396 = arith.constant 48 : index
        %swap3A_397 = tpu.vector_load %arg14[%swap3A_395, %swap3A_396] {strides = array<i32>} : memref<128x128xf32, #tpu.memory_space<vmem>>, vector<16xf32>,
        tpu.vector_store %arg14[%swap3A_395, %swap3A_396], %mul3A_394 {strides = array<i32>} : memref<128x128xf32, #tpu.memory_space<vmem>>, vector<16xf32>,
        %get3A_398 = arith.index_cast %add3A_366 : i32 to index
        %get3A_399 = arith.constant 64 : index
        %get3A_400 = tpu.vector_load %arg14[%get3A_398, %get3A_399] {strides = array<i32>} : memref<128x128xf32, #tpu.memory_space<vmem>>, vector<16xf32>,
        %mul3A_401 = arith.mulf %get3A_400, %broadcast_in_dim3A_369 : vector<16xf32>
        %swap3A_402 = arith.index_cast %add3A_366 : i32 to index
        %swap3A_403 = arith.constant 64 : index
        %swap3A_404 = tpu.vector_load %arg14[%swap3A_402, %swap3A_403] {strides = array<i32>} : memref<128x128xf32, #tpu.memory_space<vmem>>, vector<16xf32>,
        tpu.vector_store %arg14[%swap3A_402, %swap3A_403], %mul3A_401 {strides = array<i32>} : memref<128x128xf32, #tpu.memory_space<vmem>>, vector<16xf32>,
        %get3A_405 = arith.index_cast %add3A_366 : i32 to index
        %get3A_406 = arith.constant 80 : index
        %get3A_407 = tpu.vector_load %arg14[%get3A_405, %get3A_406] {strides = array<i32>} : memref<128x128xf32, #tpu.memory_space<vmem>>, vector<16xf32>,
        %mul3A_408 = arith.mulf %get3A_407, %broadcast_in_dim3A_369 : vector<16xf32>
        %swap3A_409 = arith.index_cast %add3A_366 : i32 to index
        %swap3A_410 = arith.constant 80 : index
        %swap3A_411 = tpu.vector_load %arg14[%swap3A_409, %swap3A_410] {strides = array<i32>} : memref<128x128xf32, #tpu.memory_space<vmem>>, vector<16xf32>,
        tpu.vector_store %arg14[%swap3A_409, %swap3A_410], %mul3A_408 {strides = array<i32>} : memref<128x128xf32, #tpu.memory_space<vmem>>, vector<16xf32>,
        %get3A_412 = arith.index_cast %add3A_366 : i32 to index
        %get3A_413 = arith.constant 96 : index
        %get3A_414 = tpu.vector_load %arg14[%get3A_412, %get3A_413] {strides = array<i32>} : memref<128x128xf32, #tpu.memory_space<vmem>>, vector<16xf32>,
        %mul3A_415 = arith.mulf %get3A_414, %broadcast_in_dim3A_369 : vector<16xf32>
        %swap3A_416 = arith.index_cast %add3A_366 : i32 to index
        %swap3A_417 = arith.constant 96 : index
        %swap3A_418 = tpu.vector_load %arg14[%swap3A_416, %swap3A_417] {strides = array<i32>} : memref<128x128xf32, #tpu.memory_space<vmem>>, vector<16xf32>,
        tpu.vector_store %arg14[%swap3A_416, %swap3A_417], %mul3A_415 {strides = array<i32>} : memref<128x128xf32, #tpu.memory_space<vmem>>, vector<16xf32>,
        %get3A_419 = arith.index_cast %add3A_366 : i32 to index
        %get3A_420 = arith.constant 112 : index
        %get3A_421 = tpu.vector_load %arg14[%get3A_419, %get3A_420] {strides = array<i32>} : memref<128x128xf32, #tpu.memory_space<vmem>>, vector<16xf32>,
        %mul3A_422 = arith.mulf %get3A_421, %broadcast_in_dim3A_369 : vector<16xf32>
        %swap3A_423 = arith.index_cast %add3A_366 : i32 to index
        %swap3A_424 = arith.constant 112 : index
        %swap3A_425 = tpu.vector_load %arg14[%swap3A_423, %swap3A_424] {strides = array<i32>} : memref<128x128xf32, #tpu.memory_space<vmem>>, vector<16xf32>,
        tpu.vector_store %arg14[%swap3A_423, %swap3A_424], %mul3A_422 {strides = array<i32>} : memref<128x128xf32, #tpu.memory_space<vmem>>, vector<16xf32>,
        %mul3A_426 = arith.constant 16 : i32
        %mul3A_427 = arith.muli %scan3A_159, %mul3A_426 : i32
        %add3A_428 = arith.constant 4 : i32
        %add3A_429 = arith.addi %mul3A_427, %add3A_428 : i32
        %slice3A_430 = vector.extract_strided_slice %get3A_165 {offsets = [4], sizes = [1], strides = [1]} : vector<16xf32> to vector<1xf32>
        %squeeze3A_431 = vector.extract %slice3A_430[0] : f32 from vector<1xf32>
        %broadcast_in_dim3A_432 = vector.broadcast %squeeze3A_431 : f32 to vector<16xf32>
        %get3A_433 = arith.index_cast %add3A_429 : i32 to index
        %get3A_434 = arith.constant 0 : index
        %get3A_435 = tpu.vector_load %arg14[%get3A_433, %get3A_434] {strides = array<i32>} : memref<128x128xf32, #tpu.memory_space<vmem>>, vector<16xf32>,
        %mul3A_436 = arith.mulf %get3A_435, %broadcast_in_dim3A_432 : vector<16xf32>
        %swap3A_437 = arith.index_cast %add3A_429 : i32 to index
        %swap3A_438 = arith.constant 0 : index
        %swap3A_439 = tpu.vector_load %arg14[%swap3A_437, %swap3A_438] {strides = array<i32>} : memref<128x128xf32, #tpu.memory_space<vmem>>, vector<16xf32>,
        tpu.vector_store %arg14[%swap3A_437, %swap3A_438], %mul3A_436 {strides = array<i32>} : memref<128x128xf32, #tpu.memory_space<vmem>>, vector<16xf32>,
        %get3A_440 = arith.index_cast %add3A_429 : i32 to index
        %get3A_441 = arith.constant 16 : index
        %get3A_442 = tpu.vector_load %arg14[%get3A_440, %get3A_441] {strides = array<i32>} : memref<128x128xf32, #tpu.memory_space<vmem>>, vector<16xf32>,
        %mul3A_443 = arith.mulf %get3A_442, %broadcast_in_dim3A_432 : vector<16xf32>
        %swap3A_444 = arith.index_cast %add3A_429 : i32 to index
        %swap3A_445 = arith.constant 16 : index
        %swap3A_446 = tpu.vector_load %arg14[%swap3A_444, %swap3A_445] {strides = array<i32>} : memref<128x128xf32, #tpu.memory_space<vmem>>, vector<16xf32>,
        tpu.vector_store %arg14[%swap3A_444, %swap3A_445], %mul3A_443 {strides = array<i32>} : memref<128x128xf32, #tpu.memory_space<vmem>>, vector<16xf32>,
        %get3A_447 = arith.index_cast %add3A_429 : i32 to index
        %get3A_448 = arith.constant 32 : index
        %get3A_449 = tpu.vector_load %arg14[%get3A_447, %get3A_448] {strides = array<i32>} : memref<128x128xf32, #tpu.memory_space<vmem>>, vector<16xf32>,
        %mul3A_450 = arith.mulf %get3A_449, %broadcast_in_dim3A_432 : vector<16xf32>
        %swap3A_451 = arith.index_cast %add3A_429 : i32 to index
        %swap3A_452 = arith.constant 32 : index
        %swap3A_453 = tpu.vector_load %arg14[%swap3A_451, %swap3A_452] {strides = array<i32>} : memref<128x128xf32, #tpu.memory_space<vmem>>, vector<16xf32>,
        tpu.vector_store %arg14[%swap3A_451, %swap3A_452], %mul3A_450 {strides = array<i32>} : memref<128x128xf32, #tpu.memory_space<vmem>>, vector<16xf32>,
        %get3A_454 = arith.index_cast %add3A_429 : i32 to index
        %get3A_455 = arith.constant 48 : index
        %get3A_456 = tpu.vector_load %arg14[%get3A_454, %get3A_455] {strides = array<i32>} : memref<128x128xf32, #tpu.memory_space<vmem>>, vector<16xf32>,
        %mul3A_457 = arith.mulf %get3A_456, %broadcast_in_dim3A_432 : vector<16xf32>
        %swap3A_458 = arith.index_cast %add3A_429 : i32 to index
        %swap3A_459 = arith.constant 48 : index
        %swap3A_460 = tpu.vector_load %arg14[%swap3A_458, %swap3A_459] {strides = array<i32>} : memref<128x128xf32, #tpu.memory_space<vmem>>, vector<16xf32>,
        tpu.vector_store %arg14[%swap3A_458, %swap3A_459], %mul3A_457 {strides = array<i32>} : memref<128x128xf32, #tpu.memory_space<vmem>>, vector<16xf32>,
        %get3A_461 = arith.index_cast %add3A_429 : i32 to index
        %get3A_462 = arith.constant 64 : index
        %get3A_463 = tpu.vector_load %arg14[%get3A_461, %get3A_462] {strides = array<i32>} : memref<128x128xf32, #tpu.memory_space<vmem>>, vector<16xf32>,
        %mul3A_464 = arith.mulf %get3A_463, %broadcast_in_dim3A_432 : vector<16xf32>
        %swap3A_465 = arith.index_cast %add3A_429 : i32 to index
        %swap3A_466 = arith.constant 64 : index
        %swap3A_467 = tpu.vector_load %arg14[%swap3A_465, %swap3A_466] {strides = array<i32>} : memref<128x128xf32, #tpu.memory_space<vmem>>, vector<16xf32>,
        tpu.vector_store %arg14[%swap3A_465, %swap3A_466], %mul3A_464 {strides = array<i32>} : memref<128x128xf32, #tpu.memory_space<vmem>>, vector<16xf32>,
        %get3A_468 = arith.index_cast %add3A_429 : i32 to index
        %get3A_469 = arith.constant 80 : index
        %get3A_470 = tpu.vector_load %arg14[%get3A_468, %get3A_469] {strides = array<i32>} : memref<128x128xf32, #tpu.memory_space<vmem>>, vector<16xf32>,
        %mul3A_471 = arith.mulf %get3A_470, %broadcast_in_dim3A_432 : vector<16xf32>
        %swap3A_472 = arith.index_cast %add3A_429 : i32 to index
        %swap3A_473 = arith.constant 80 : index
        %swap3A_474 = tpu.vector_load %arg14[%swap3A_472, %swap3A_473] {strides = array<i32>} : memref<128x128xf32, #tpu.memory_space<vmem>>, vector<16xf32>,
        tpu.vector_store %arg14[%swap3A_472, %swap3A_473], %mul3A_471 {strides = array<i32>} : memref<128x128xf32, #tpu.memory_space<vmem>>, vector<16xf32>,
        %get3A_475 = arith.index_cast %add3A_429 : i32 to index
        %get3A_476 = arith.constant 96 : index
        %get3A_477 = tpu.vector_load %arg14[%get3A_475, %get3A_476] {strides = array<i32>} : memref<128x128xf32, #tpu.memory_space<vmem>>, vector<16xf32>,
        %mul3A_478 = arith.mulf %get3A_477, %broadcast_in_dim3A_432 : vector<16xf32>
        %swap3A_479 = arith.index_cast %add3A_429 : i32 to index
        %swap3A_480 = arith.constant 96 : index
        %swap3A_481 = tpu.vector_load %arg14[%swap3A_479, %swap3A_480] {strides = array<i32>} : memref<128x128xf32, #tpu.memory_space<vmem>>, vector<16xf32>,
        tpu.vector_store %arg14[%swap3A_479, %swap3A_480], %mul3A_478 {strides = array<i32>} : memref<128x128xf32, #tpu.memory_space<vmem>>, vector<16xf32>,
        %get3A_482 = arith.index_cast %add3A_429 : i32 to index
        %get3A_483 = arith.constant 112 : index
        %get3A_484 = tpu.vector_load %arg14[%get3A_482, %get3A_483] {strides = array<i32>} : memref<128x128xf32, #tpu.memory_space<vmem>>, vector<16xf32>,
        %mul3A_485 = arith.mulf %get3A_484, %broadcast_in_dim3A_432 : vector<16xf32>
        %swap3A_486 = arith.index_cast %add3A_429 : i32 to index
        %swap3A_487 = arith.constant 112 : index
        %swap3A_488 = tpu.vector_load %arg14[%swap3A_486, %swap3A_487] {strides = array<i32>} : memref<128x128xf32, #tpu.memory_space<vmem>>, vector<16xf32>,
        tpu.vector_store %arg14[%swap3A_486, %swap3A_487], %mul3A_485 {strides = array<i32>} : memref<128x128xf32, #tpu.memory_space<vmem>>, vector<16xf32>,
        %mul3A_489 = arith.constant 16 : i32
        %mul3A_490 = arith.muli %scan3A_159, %mul3A_489 : i32
        %add3A_491 = arith.constant 5 : i32
        %add3A_492 = arith.addi %mul3A_490, %add3A_491 : i32
        %slice3A_493 = vector.extract_strided_slice %get3A_165 {offsets = [5], sizes = [1], strides = [1]} : vector<16xf32> to vector<1xf32>
        %squeeze3A_494 = vector.extract %slice3A_493[0] : f32 from vector<1xf32>
        %broadcast_in_dim3A_495 = vector.broadcast %squeeze3A_494 : f32 to vector<16xf32>
        %get3A_496 = arith.index_cast %add3A_492 : i32 to index
        %get3A_497 = arith.constant 0 : index
        %get3A_498 = tpu.vector_load %arg14[%get3A_496, %get3A_497] {strides = array<i32>} : memref<128x128xf32, #tpu.memory_space<vmem>>, vector<16xf32>,
        %mul3A_499 = arith.mulf %get3A_498, %broadcast_in_dim3A_495 : vector<16xf32>
        %swap3A_500 = arith.index_cast %add3A_492 : i32 to index
        %swap3A_501 = arith.constant 0 : index
        %swap3A_502 = tpu.vector_load %arg14[%swap3A_500, %swap3A_501] {strides = array<i32>} : memref<128x128xf32, #tpu.memory_space<vmem>>, vector<16xf32>,
        tpu.vector_store %arg14[%swap3A_500, %swap3A_501], %mul3A_499 {strides = array<i32>} : memref<128x128xf32, #tpu.memory_space<vmem>>, vector<16xf32>,
        %get3A_503 = arith.index_cast %add3A_492 : i32 to index
        %get3A_504 = arith.constant 16 : index
        %get3A_505 = tpu.vector_load %arg14[%get3A_503, %get3A_504] {strides = array<i32>} : memref<128x128xf32, #tpu.memory_space<vmem>>, vector<16xf32>,
        %mul3A_506 = arith.mulf %get3A_505, %broadcast_in_dim3A_495 : vector<16xf32>
        %swap3A_507 = arith.index_cast %add3A_492 : i32 to index
        %swap3A_508 = arith.constant 16 : index
        %swap3A_509 = tpu.vector_load %arg14[%swap3A_507, %swap3A_508] {strides = array<i32>} : memref<128x128xf32, #tpu.memory_space<vmem>>, vector<16xf32>,
        tpu.vector_store %arg14[%swap3A_507, %swap3A_508], %mul3A_506 {strides = array<i32>} : memref<128x128xf32, #tpu.memory_space<vmem>>, vector<16xf32>,
        %get3A_510 = arith.index_cast %add3A_492 : i32 to index
        %get3A_511 = arith.constant 32 : index
        %get3A_512 = tpu.vector_load %arg14[%get3A_510, %get3A_511] {strides = array<i32>} : memref<128x128xf32, #tpu.memory_space<vmem>>, vector<16xf32>,
        %mul3A_513 = arith.mulf %get3A_512, %broadcast_in_dim3A_495 : vector<16xf32>
        %swap3A_514 = arith.index_cast %add3A_492 : i32 to index
        %swap3A_515 = arith.constant 32 : index
        %swap3A_516 = tpu.vector_load %arg14[%swap3A_514, %swap3A_515] {strides = array<i32>} : memref<128x128xf32, #tpu.memory_space<vmem>>, vector<16xf32>,
        tpu.vector_store %arg14[%swap3A_514, %swap3A_515], %mul3A_513 {strides = array<i32>} : memref<128x128xf32, #tpu.memory_space<vmem>>, vector<16xf32>,
        %get3A_517 = arith.index_cast %add3A_492 : i32 to index
        %get3A_518 = arith.constant 48 : index
        %get3A_519 = tpu.vector_load %arg14[%get3A_517, %get3A_518] {strides = array<i32>} : memref<128x128xf32, #tpu.memory_space<vmem>>, vector<16xf32>,
        %mul3A_520 = arith.mulf %get3A_519, %broadcast_in_dim3A_495 : vector<16xf32>
        %swap3A_521 = arith.index_cast %add3A_492 : i32 to index
        %swap3A_522 = arith.constant 48 : index
        %swap3A_523 = tpu.vector_load %arg14[%swap3A_521, %swap3A_522] {strides = array<i32>} : memref<128x128xf32, #tpu.memory_space<vmem>>, vector<16xf32>,
        tpu.vector_store %arg14[%swap3A_521, %swap3A_522], %mul3A_520 {strides = array<i32>} : memref<128x128xf32, #tpu.memory_space<vmem>>, vector<16xf32>,
        %get3A_524 = arith.index_cast %add3A_492 : i32 to index
        %get3A_525 = arith.constant 64 : index
        %get3A_526 = tpu.vector_load %arg14[%get3A_524, %get3A_525] {strides = array<i32>} : memref<128x128xf32, #tpu.memory_space<vmem>>, vector<16xf32>,
        %mul3A_527 = arith.mulf %get3A_526, %broadcast_in_dim3A_495 : vector<16xf32>
        %swap3A_528 = arith.index_cast %add3A_492 : i32 to index
        %swap3A_529 = arith.constant 64 : index
        %swap3A_530 = tpu.vector_load %arg14[%swap3A_528, %swap3A_529] {strides = array<i32>} : memref<128x128xf32, #tpu.memory_space<vmem>>, vector<16xf32>,
        tpu.vector_store %arg14[%swap3A_528, %swap3A_529], %mul3A_527 {strides = array<i32>} : memref<128x128xf32, #tpu.memory_space<vmem>>, vector<16xf32>,
        %get3A_531 = arith.index_cast %add3A_492 : i32 to index
        %get3A_532 = arith.constant 80 : index
        %get3A_533 = tpu.vector_load %arg14[%get3A_531, %get3A_532] {strides = array<i32>} : memref<128x128xf32, #tpu.memory_space<vmem>>, vector<16xf32>,
        %mul3A_534 = arith.mulf %get3A_533, %broadcast_in_dim3A_495 : vector<16xf32>
        %swap3A_535 = arith.index_cast %add3A_492 : i32 to index
        %swap3A_536 = arith.constant 80 : index
        %swap3A_537 = tpu.vector_load %arg14[%swap3A_535, %swap3A_536] {strides = array<i32>} : memref<128x128xf32, #tpu.memory_space<vmem>>, vector<16xf32>,
        tpu.vector_store %arg14[%swap3A_535, %swap3A_536], %mul3A_534 {strides = array<i32>} : memref<128x128xf32, #tpu.memory_space<vmem>>, vector<16xf32>,
        %get3A_538 = arith.index_cast %add3A_492 : i32 to index
        %get3A_539 = arith.constant 96 : index
        %get3A_540 = tpu.vector_load %arg14[%get3A_538, %get3A_539] {strides = array<i32>} : memref<128x128xf32, #tpu.memory_space<vmem>>, vector<16xf32>,
        %mul3A_541 = arith.mulf %get3A_540, %broadcast_in_dim3A_495 : vector<16xf32>
        %swap3A_542 = arith.index_cast %add3A_492 : i32 to index
        %swap3A_543 = arith.constant 96 : index
        %swap3A_544 = tpu.vector_load %arg14[%swap3A_542, %swap3A_543] {strides = array<i32>} : memref<128x128xf32, #tpu.memory_space<vmem>>, vector<16xf32>,
        tpu.vector_store %arg14[%swap3A_542, %swap3A_543], %mul3A_541 {strides = array<i32>} : memref<128x128xf32, #tpu.memory_space<vmem>>, vector<16xf32>,
        %get3A_545 = arith.index_cast %add3A_492 : i32 to index
        %get3A_546 = arith.constant 112 : index
        %get3A_547 = tpu.vector_load %arg14[%get3A_545, %get3A_546] {strides = array<i32>} : memref<128x128xf32, #tpu.memory_space<vmem>>, vector<16xf32>,
        %mul3A_548 = arith.mulf %get3A_547, %broadcast_in_dim3A_495 : vector<16xf32>
        %swap3A_549 = arith.index_cast %add3A_492 : i32 to index
        %swap3A_550 = arith.constant 112 : index
        %swap3A_551 = tpu.vector_load %arg14[%swap3A_549, %swap3A_550] {strides = array<i32>} : memref<128x128xf32, #tpu.memory_space<vmem>>, vector<16xf32>,
        tpu.vector_store %arg14[%swap3A_549, %swap3A_550], %mul3A_548 {strides = array<i32>} : memref<128x128xf32, #tpu.memory_space<vmem>>, vector<16xf32>,
        %mul3A_552 = arith.constant 16 : i32
        %mul3A_553 = arith.muli %scan3A_159, %mul3A_552 : i32
        %add3A_554 = arith.constant 6 : i32
        %add3A_555 = arith.addi %mul3A_553, %add3A_554 : i32
        %slice3A_556 = vector.extract_strided_slice %get3A_165 {offsets = [6], sizes = [1], strides = [1]} : vector<16xf32> to vector<1xf32>
        %squeeze3A_557 = vector.extract %slice3A_556[0] : f32 from vector<1xf32>
        %broadcast_in_dim3A_558 = vector.broadcast %squeeze3A_557 : f32 to vector<16xf32>
        %get3A_559 = arith.index_cast %add3A_555 : i32 to index
        %get3A_560 = arith.constant 0 : index
        %get3A_561 = tpu.vector_load %arg14[%get3A_559, %get3A_560] {strides = array<i32>} : memref<128x128xf32, #tpu.memory_space<vmem>>, vector<16xf32>,
        %mul3A_562 = arith.mulf %get3A_561, %broadcast_in_dim3A_558 : vector<16xf32>
        %swap3A_563 = arith.index_cast %add3A_555 : i32 to index
        %swap3A_564 = arith.constant 0 : index
        %swap3A_565 = tpu.vector_load %arg14[%swap3A_563, %swap3A_564] {strides = array<i32>} : memref<128x128xf32, #tpu.memory_space<vmem>>, vector<16xf32>,
        tpu.vector_store %arg14[%swap3A_563, %swap3A_564], %mul3A_562 {strides = array<i32>} : memref<128x128xf32, #tpu.memory_space<vmem>>, vector<16xf32>,
        %get3A_566 = arith.index_cast %add3A_555 : i32 to index
        %get3A_567 = arith.constant 16 : index
        %get3A_568 = tpu.vector_load %arg14[%get3A_566, %get3A_567] {strides = array<i32>} : memref<128x128xf32, #tpu.memory_space<vmem>>, vector<16xf32>,
        %mul3A_569 = arith.mulf %get3A_568, %broadcast_in_dim3A_558 : vector<16xf32>
        %swap3A_570 = arith.index_cast %add3A_555 : i32 to index
        %swap3A_571 = arith.constant 16 : index
        %swap3A_572 = tpu.vector_load %arg14[%swap3A_570, %swap3A_571] {strides = array<i32>} : memref<128x128xf32, #tpu.memory_space<vmem>>, vector<16xf32>,
        tpu.vector_store %arg14[%swap3A_570, %swap3A_571], %mul3A_569 {strides = array<i32>} : memref<128x128xf32, #tpu.memory_space<vmem>>, vector<16xf32>,
        %get3A_573 = arith.index_cast %add3A_555 : i32 to index
        %get3A_574 = arith.constant 32 : index
        %get3A_575 = tpu.vector_load %arg14[%get3A_573, %get3A_574] {strides = array<i32>} : memref<128x128xf32, #tpu.memory_space<vmem>>, vector<16xf32>,
        %mul3A_576 = arith.mulf %get3A_575, %broadcast_in_dim3A_558 : vector<16xf32>
        %swap3A_577 = arith.index_cast %add3A_555 : i32 to index
        %swap3A_578 = arith.constant 32 : index
        %swap3A_579 = tpu.vector_load %arg14[%swap3A_577, %swap3A_578] {strides = array<i32>} : memref<128x128xf32, #tpu.memory_space<vmem>>, vector<16xf32>,
        tpu.vector_store %arg14[%swap3A_577, %swap3A_578], %mul3A_576 {strides = array<i32>} : memref<128x128xf32, #tpu.memory_space<vmem>>, vector<16xf32>,
        %get3A_580 = arith.index_cast %add3A_555 : i32 to index
        %get3A_581 = arith.constant 48 : index
        %get3A_582 = tpu.vector_load %arg14[%get3A_580, %get3A_581] {strides = array<i32>} : memref<128x128xf32, #tpu.memory_space<vmem>>, vector<16xf32>,
        %mul3A_583 = arith.mulf %get3A_582, %broadcast_in_dim3A_558 : vector<16xf32>
        %swap3A_584 = arith.index_cast %add3A_555 : i32 to index
        %swap3A_585 = arith.constant 48 : index
        %swap3A_586 = tpu.vector_load %arg14[%swap3A_584, %swap3A_585] {strides = array<i32>} : memref<128x128xf32, #tpu.memory_space<vmem>>, vector<16xf32>,
        tpu.vector_store %arg14[%swap3A_584, %swap3A_585], %mul3A_583 {strides = array<i32>} : memref<128x128xf32, #tpu.memory_space<vmem>>, vector<16xf32>,
        %get3A_587 = arith.index_cast %add3A_555 : i32 to index
        %get3A_588 = arith.constant 64 : index
        %get3A_589 = tpu.vector_load %arg14[%get3A_587, %get3A_588] {strides = array<i32>} : memref<128x128xf32, #tpu.memory_space<vmem>>, vector<16xf32>,
        %mul3A_590 = arith.mulf %get3A_589, %broadcast_in_dim3A_558 : vector<16xf32>
        %swap3A_591 = arith.index_cast %add3A_555 : i32 to index
        %swap3A_592 = arith.constant 64 : index
        %swap3A_593 = tpu.vector_load %arg14[%swap3A_591, %swap3A_592] {strides = array<i32>} : memref<128x128xf32, #tpu.memory_space<vmem>>, vector<16xf32>,
        tpu.vector_store %arg14[%swap3A_591, %swap3A_592], %mul3A_590 {strides = array<i32>} : memref<128x128xf32, #tpu.memory_space<vmem>>, vector<16xf32>,
        %get3A_594 = arith.index_cast %add3A_555 : i32 to index
        %get3A_595 = arith.constant 80 : index
        %get3A_596 = tpu.vector_load %arg14[%get3A_594, %get3A_595] {strides = array<i32>} : memref<128x128xf32, #tpu.memory_space<vmem>>, vector<16xf32>,
        %mul3A_597 = arith.mulf %get3A_596, %broadcast_in_dim3A_558 : vector<16xf32>
        %swap3A_598 = arith.index_cast %add3A_555 : i32 to index
        %swap3A_599 = arith.constant 80 : index
        %swap3A_600 = tpu.vector_load %arg14[%swap3A_598, %swap3A_599] {strides = array<i32>} : memref<128x128xf32, #tpu.memory_space<vmem>>, vector<16xf32>,
        tpu.vector_store %arg14[%swap3A_598, %swap3A_599], %mul3A_597 {strides = array<i32>} : memref<128x128xf32, #tpu.memory_space<vmem>>, vector<16xf32>,
        %get3A_601 = arith.index_cast %add3A_555 : i32 to index
        %get3A_602 = arith.constant 96 : index
        %get3A_603 = tpu.vector_load %arg14[%get3A_601, %get3A_602] {strides = array<i32>} : memref<128x128xf32, #tpu.memory_space<vmem>>, vector<16xf32>,
        %mul3A_604 = arith.mulf %get3A_603, %broadcast_in_dim3A_558 : vector<16xf32>
        %swap3A_605 = arith.index_cast %add3A_555 : i32 to index
        %swap3A_606 = arith.constant 96 : index
        %swap3A_607 = tpu.vector_load %arg14[%swap3A_605, %swap3A_606] {strides = array<i32>} : memref<128x128xf32, #tpu.memory_space<vmem>>, vector<16xf32>,
        tpu.vector_store %arg14[%swap3A_605, %swap3A_606], %mul3A_604 {strides = array<i32>} : memref<128x128xf32, #tpu.memory_space<vmem>>, vector<16xf32>,
        %get3A_608 = arith.index_cast %add3A_555 : i32 to index
        %get3A_609 = arith.constant 112 : index
        %get3A_610 = tpu.vector_load %arg14[%get3A_608, %get3A_609] {strides = array<i32>} : memref<128x128xf32, #tpu.memory_space<vmem>>, vector<16xf32>,
        %mul3A_611 = arith.mulf %get3A_610, %broadcast_in_dim3A_558 : vector<16xf32>
        %swap3A_612 = arith.index_cast %add3A_555 : i32 to index
        %swap3A_613 = arith.constant 112 : index
        %swap3A_614 = tpu.vector_load %arg14[%swap3A_612, %swap3A_613] {strides = array<i32>} : memref<128x128xf32, #tpu.memory_space<vmem>>, vector<16xf32>,
        tpu.vector_store %arg14[%swap3A_612, %swap3A_613], %mul3A_611 {strides = array<i32>} : memref<128x128xf32, #tpu.memory_space<vmem>>, vector<16xf32>,
        %mul3A_615 = arith.constant 16 : i32
        %mul3A_616 = arith.muli %scan3A_159, %mul3A_615 : i32
        %add3A_617 = arith.constant 7 : i32
        %add3A_618 = arith.addi %mul3A_616, %add3A_617 : i32
        %slice3A_619 = vector.extract_strided_slice %get3A_165 {offsets = [7], sizes = [1], strides = [1]} : vector<16xf32> to vector<1xf32>
        %squeeze3A_620 = vector.extract %slice3A_619[0] : f32 from vector<1xf32>
        %broadcast_in_dim3A_621 = vector.broadcast %squeeze3A_620 : f32 to vector<16xf32>
        %get3A_622 = arith.index_cast %add3A_618 : i32 to index
        %get3A_623 = arith.constant 0 : index
        %get3A_624 = tpu.vector_load %arg14[%get3A_622, %get3A_623] {strides = array<i32>} : memref<128x128xf32, #tpu.memory_space<vmem>>, vector<16xf32>,
        %mul3A_625 = arith.mulf %get3A_624, %broadcast_in_dim3A_621 : vector<16xf32>
        %swap3A_626 = arith.index_cast %add3A_618 : i32 to index
        %swap3A_627 = arith.constant 0 : index
        %swap3A_628 = tpu.vector_load %arg14[%swap3A_626, %swap3A_627] {strides = array<i32>} : memref<128x128xf32, #tpu.memory_space<vmem>>, vector<16xf32>,
        tpu.vector_store %arg14[%swap3A_626, %swap3A_627], %mul3A_625 {strides = array<i32>} : memref<128x128xf32, #tpu.memory_space<vmem>>, vector<16xf32>,
        %get3A_629 = arith.index_cast %add3A_618 : i32 to index
        %get3A_630 = arith.constant 16 : index
        %get3A_631 = tpu.vector_load %arg14[%get3A_629, %get3A_630] {strides = array<i32>} : memref<128x128xf32, #tpu.memory_space<vmem>>, vector<16xf32>,
        %mul3A_632 = arith.mulf %get3A_631, %broadcast_in_dim3A_621 : vector<16xf32>
        %swap3A_633 = arith.index_cast %add3A_618 : i32 to index
        %swap3A_634 = arith.constant 16 : index
        %swap3A_635 = tpu.vector_load %arg14[%swap3A_633, %swap3A_634] {strides = array<i32>} : memref<128x128xf32, #tpu.memory_space<vmem>>, vector<16xf32>,
        tpu.vector_store %arg14[%swap3A_633, %swap3A_634], %mul3A_632 {strides = array<i32>} : memref<128x128xf32, #tpu.memory_space<vmem>>, vector<16xf32>,
        %get3A_636 = arith.index_cast %add3A_618 : i32 to index
        %get3A_637 = arith.constant 32 : index
        %get3A_638 = tpu.vector_load %arg14[%get3A_636, %get3A_637] {strides = array<i32>} : memref<128x128xf32, #tpu.memory_space<vmem>>, vector<16xf32>,
        %mul3A_639 = arith.mulf %get3A_638, %broadcast_in_dim3A_621 : vector<16xf32>
        %swap3A_640 = arith.index_cast %add3A_618 : i32 to index
        %swap3A_641 = arith.constant 32 : index
        %swap3A_642 = tpu.vector_load %arg14[%swap3A_640, %swap3A_641] {strides = array<i32>} : memref<128x128xf32, #tpu.memory_space<vmem>>, vector<16xf32>,
        tpu.vector_store %arg14[%swap3A_640, %swap3A_641], %mul3A_639 {strides = array<i32>} : memref<128x128xf32, #tpu.memory_space<vmem>>, vector<16xf32>,
        %get3A_643 = arith.index_cast %add3A_618 : i32 to index
        %get3A_644 = arith.constant 48 : index
        %get3A_645 = tpu.vector_load %arg14[%get3A_643, %get3A_644] {strides = array<i32>} : memref<128x128xf32, #tpu.memory_space<vmem>>, vector<16xf32>,
        %mul3A_646 = arith.mulf %get3A_645, %broadcast_in_dim3A_621 : vector<16xf32>
        %swap3A_647 = arith.index_cast %add3A_618 : i32 to index
        %swap3A_648 = arith.constant 48 : index
        %swap3A_649 = tpu.vector_load %arg14[%swap3A_647, %swap3A_648] {strides = array<i32>} : memref<128x128xf32, #tpu.memory_space<vmem>>, vector<16xf32>,
        tpu.vector_store %arg14[%swap3A_647, %swap3A_648], %mul3A_646 {strides = array<i32>} : memref<128x128xf32, #tpu.memory_space<vmem>>, vector<16xf32>,
        %get3A_650 = arith.index_cast %add3A_618 : i32 to index
        %get3A_651 = arith.constant 64 : index
        %get3A_652 = tpu.vector_load %arg14[%get3A_650, %get3A_651] {strides = array<i32>} : memref<128x128xf32, #tpu.memory_space<vmem>>, vector<16xf32>,
        %mul3A_653 = arith.mulf %get3A_652, %broadcast_in_dim3A_621 : vector<16xf32>
        %swap3A_654 = arith.index_cast %add3A_618 : i32 to index
        %swap3A_655 = arith.constant 64 : index
        %swap3A_656 = tpu.vector_load %arg14[%swap3A_654, %swap3A_655] {strides = array<i32>} : memref<128x128xf32, #tpu.memory_space<vmem>>, vector<16xf32>,
        tpu.vector_store %arg14[%swap3A_654, %swap3A_655], %mul3A_653 {strides = array<i32>} : memref<128x128xf32, #tpu.memory_space<vmem>>, vector<16xf32>,
        %get3A_657 = arith.index_cast %add3A_618 : i32 to index
        %get3A_658 = arith.constant 80 : index
        %get3A_659 = tpu.vector_load %arg14[%get3A_657, %get3A_658] {strides = array<i32>} : memref<128x128xf32, #tpu.memory_space<vmem>>, vector<16xf32>,
        %mul3A_660 = arith.mulf %get3A_659, %broadcast_in_dim3A_621 : vector<16xf32>
        %swap3A_661 = arith.index_cast %add3A_618 : i32 to index
        %swap3A_662 = arith.constant 80 : index
        %swap3A_663 = tpu.vector_load %arg14[%swap3A_661, %swap3A_662] {strides = array<i32>} : memref<128x128xf32, #tpu.memory_space<vmem>>, vector<16xf32>,
        tpu.vector_store %arg14[%swap3A_661, %swap3A_662], %mul3A_660 {strides = array<i32>} : memref<128x128xf32, #tpu.memory_space<vmem>>, vector<16xf32>,
        %get3A_664 = arith.index_cast %add3A_618 : i32 to index
        %get3A_665 = arith.constant 96 : index
        %get3A_666 = tpu.vector_load %arg14[%get3A_664, %get3A_665] {strides = array<i32>} : memref<128x128xf32, #tpu.memory_space<vmem>>, vector<16xf32>,
        %mul3A_667 = arith.mulf %get3A_666, %broadcast_in_dim3A_621 : vector<16xf32>
        %swap3A_668 = arith.index_cast %add3A_618 : i32 to index
        %swap3A_669 = arith.constant 96 : index
        %swap3A_670 = tpu.vector_load %arg14[%swap3A_668, %swap3A_669] {strides = array<i32>} : memref<128x128xf32, #tpu.memory_space<vmem>>, vector<16xf32>,
        tpu.vector_store %arg14[%swap3A_668, %swap3A_669], %mul3A_667 {strides = array<i32>} : memref<128x128xf32, #tpu.memory_space<vmem>>, vector<16xf32>,
        %get3A_671 = arith.index_cast %add3A_618 : i32 to index
        %get3A_672 = arith.constant 112 : index
        %get3A_673 = tpu.vector_load %arg14[%get3A_671, %get3A_672] {strides = array<i32>} : memref<128x128xf32, #tpu.memory_space<vmem>>, vector<16xf32>,
        %mul3A_674 = arith.mulf %get3A_673, %broadcast_in_dim3A_621 : vector<16xf32>
        %swap3A_675 = arith.index_cast %add3A_618 : i32 to index
        %swap3A_676 = arith.constant 112 : index
        %swap3A_677 = tpu.vector_load %arg14[%swap3A_675, %swap3A_676] {strides = array<i32>} : memref<128x128xf32, #tpu.memory_space<vmem>>, vector<16xf32>,
        tpu.vector_store %arg14[%swap3A_675, %swap3A_676], %mul3A_674 {strides = array<i32>} : memref<128x128xf32, #tpu.memory_space<vmem>>, vector<16xf32>,
        %mul3A_678 = arith.constant 16 : i32
        %mul3A_679 = arith.muli %scan3A_159, %mul3A_678 : i32
        %add3A_680 = arith.constant 8 : i32
        %add3A_681 = arith.addi %mul3A_679, %add3A_680 : i32
        %slice3A_682 = vector.extract_strided_slice %get3A_165 {offsets = [8], sizes = [1], strides = [1]} : vector<16xf32> to vector<1xf32>
        %squeeze3A_683 = vector.extract %slice3A_682[0] : f32 from vector<1xf32>
        %broadcast_in_dim3A_684 = vector.broadcast %squeeze3A_683 : f32 to vector<16xf32>
        %get3A_685 = arith.index_cast %add3A_681 : i32 to index
        %get3A_686 = arith.constant 0 : index
        %get3A_687 = tpu.vector_load %arg14[%get3A_685, %get3A_686] {strides = array<i32>} : memref<128x128xf32, #tpu.memory_space<vmem>>, vector<16xf32>,
        %mul3A_688 = arith.mulf %get3A_687, %broadcast_in_dim3A_684 : vector<16xf32>
        %swap3A_689 = arith.index_cast %add3A_681 : i32 to index
        %swap3A_690 = arith.constant 0 : index
        %swap3A_691 = tpu.vector_load %arg14[%swap3A_689, %swap3A_690] {strides = array<i32>} : memref<128x128xf32, #tpu.memory_space<vmem>>, vector<16xf32>,
        tpu.vector_store %arg14[%swap3A_689, %swap3A_690], %mul3A_688 {strides = array<i32>} : memref<128x128xf32, #tpu.memory_space<vmem>>, vector<16xf32>,
        %get3A_692 = arith.index_cast %add3A_681 : i32 to index
        %get3A_693 = arith.constant 16 : index
        %get3A_694 = tpu.vector_load %arg14[%get3A_692, %get3A_693] {strides = array<i32>} : memref<128x128xf32, #tpu.memory_space<vmem>>, vector<16xf32>,
        %mul3A_695 = arith.mulf %get3A_694, %broadcast_in_dim3A_684 : vector<16xf32>
        %swap3A_696 = arith.index_cast %add3A_681 : i32 to index
        %swap3A_697 = arith.constant 16 : index
        %swap3A_698 = tpu.vector_load %arg14[%swap3A_696, %swap3A_697] {strides = array<i32>} : memref<128x128xf32, #tpu.memory_space<vmem>>, vector<16xf32>,
        tpu.vector_store %arg14[%swap3A_696, %swap3A_697], %mul3A_695 {strides = array<i32>} : memref<128x128xf32, #tpu.memory_space<vmem>>, vector<16xf32>,
        %get3A_699 = arith.index_cast %add3A_681 : i32 to index
        %get3A_700 = arith.constant 32 : index
        %get3A_701 = tpu.vector_load %arg14[%get3A_699, %get3A_700] {strides = array<i32>} : memref<128x128xf32, #tpu.memory_space<vmem>>, vector<16xf32>,
        %mul3A_702 = arith.mulf %get3A_701, %broadcast_in_dim3A_684 : vector<16xf32>
        %swap3A_703 = arith.index_cast %add3A_681 : i32 to index
        %swap3A_704 = arith.constant 32 : index
        %swap3A_705 = tpu.vector_load %arg14[%swap3A_703, %swap3A_704] {strides = array<i32>} : memref<128x128xf32, #tpu.memory_space<vmem>>, vector<16xf32>,
        tpu.vector_store %arg14[%swap3A_703, %swap3A_704], %mul3A_702 {strides = array<i32>} : memref<128x128xf32, #tpu.memory_space<vmem>>, vector<16xf32>,
        %get3A_706 = arith.index_cast %add3A_681 : i32 to index
        %get3A_707 = arith.constant 48 : index
        %get3A_708 = tpu.vector_load %arg14[%get3A_706, %get3A_707] {strides = array<i32>} : memref<128x128xf32, #tpu.memory_space<vmem>>, vector<16xf32>,
        %mul3A_709 = arith.mulf %get3A_708, %broadcast_in_dim3A_684 : vector<16xf32>
        %swap3A_710 = arith.index_cast %add3A_681 : i32 to index
        %swap3A_711 = arith.constant 48 : index
        %swap3A_712 = tpu.vector_load %arg14[%swap3A_710, %swap3A_711] {strides = array<i32>} : memref<128x128xf32, #tpu.memory_space<vmem>>, vector<16xf32>,
        tpu.vector_store %arg14[%swap3A_710, %swap3A_711], %mul3A_709 {strides = array<i32>} : memref<128x128xf32, #tpu.memory_space<vmem>>, vector<16xf32>,
        %get3A_713 = arith.index_cast %add3A_681 : i32 to index
        %get3A_714 = arith.constant 64 : index
        %get3A_715 = tpu.vector_load %arg14[%get3A_713, %get3A_714] {strides = array<i32>} : memref<128x128xf32, #tpu.memory_space<vmem>>, vector<16xf32>,
        %mul3A_716 = arith.mulf %get3A_715, %broadcast_in_dim3A_684 : vector<16xf32>
        %swap3A_717 = arith.index_cast %add3A_681 : i32 to index
        %swap3A_718 = arith.constant 64 : index
        %swap3A_719 = tpu.vector_load %arg14[%swap3A_717, %swap3A_718] {strides = array<i32>} : memref<128x128xf32, #tpu.memory_space<vmem>>, vector<16xf32>,
        tpu.vector_store %arg14[%swap3A_717, %swap3A_718], %mul3A_716 {strides = array<i32>} : memref<128x128xf32, #tpu.memory_space<vmem>>, vector<16xf32>,
        %get3A_720 = arith.index_cast %add3A_681 : i32 to index
        %get3A_721 = arith.constant 80 : index
        %get3A_722 = tpu.vector_load %arg14[%get3A_720, %get3A_721] {strides = array<i32>} : memref<128x128xf32, #tpu.memory_space<vmem>>, vector<16xf32>,
        %mul3A_723 = arith.mulf %get3A_722, %broadcast_in_dim3A_684 : vector<16xf32>
        %swap3A_724 = arith.index_cast %add3A_681 : i32 to index
        %swap3A_725 = arith.constant 80 : index
        %swap3A_726 = tpu.vector_load %arg14[%swap3A_724, %swap3A_725] {strides = array<i32>} : memref<128x128xf32, #tpu.memory_space<vmem>>, vector<16xf32>,
        tpu.vector_store %arg14[%swap3A_724, %swap3A_725], %mul3A_723 {strides = array<i32>} : memref<128x128xf32, #tpu.memory_space<vmem>>, vector<16xf32>,
        %get3A_727 = arith.index_cast %add3A_681 : i32 to index
        %get3A_728 = arith.constant 96 : index
        %get3A_729 = tpu.vector_load %arg14[%get3A_727, %get3A_728] {strides = array<i32>} : memref<128x128xf32, #tpu.memory_space<vmem>>, vector<16xf32>,
        %mul3A_730 = arith.mulf %get3A_729, %broadcast_in_dim3A_684 : vector<16xf32>
        %swap3A_731 = arith.index_cast %add3A_681 : i32 to index
        %swap3A_732 = arith.constant 96 : index
        %swap3A_733 = tpu.vector_load %arg14[%swap3A_731, %swap3A_732] {strides = array<i32>} : memref<128x128xf32, #tpu.memory_space<vmem>>, vector<16xf32>,
        tpu.vector_store %arg14[%swap3A_731, %swap3A_732], %mul3A_730 {strides = array<i32>} : memref<128x128xf32, #tpu.memory_space<vmem>>, vector<16xf32>,
        %get3A_734 = arith.index_cast %add3A_681 : i32 to index
        %get3A_735 = arith.constant 112 : index
        %get3A_736 = tpu.vector_load %arg14[%get3A_734, %get3A_735] {strides = array<i32>} : memref<128x128xf32, #tpu.memory_space<vmem>>, vector<16xf32>,
        %mul3A_737 = arith.mulf %get3A_736, %broadcast_in_dim3A_684 : vector<16xf32>
        %swap3A_738 = arith.index_cast %add3A_681 : i32 to index
        %swap3A_739 = arith.constant 112 : index
        %swap3A_740 = tpu.vector_load %arg14[%swap3A_738, %swap3A_739] {strides = array<i32>} : memref<128x128xf32, #tpu.memory_space<vmem>>, vector<16xf32>,
        tpu.vector_store %arg14[%swap3A_738, %swap3A_739], %mul3A_737 {strides = array<i32>} : memref<128x128xf32, #tpu.memory_space<vmem>>, vector<16xf32>,
        %mul3A_741 = arith.constant 16 : i32
        %mul3A_742 = arith.muli %scan3A_159, %mul3A_741 : i32
        %add3A_743 = arith.constant 9 : i32
        %add3A_744 = arith.addi %mul3A_742, %add3A_743 : i32
        %slice3A_745 = vector.extract_strided_slice %get3A_165 {offsets = [9], sizes = [1], strides = [1]} : vector<16xf32> to vector<1xf32>
        %squeeze3A_746 = vector.extract %slice3A_745[0] : f32 from vector<1xf32>
        %broadcast_in_dim3A_747 = vector.broadcast %squeeze3A_746 : f32 to vector<16xf32>
        %get3A_748 = arith.index_cast %add3A_744 : i32 to index
        %get3A_749 = arith.constant 0 : index
        %get3A_750 = tpu.vector_load %arg14[%get3A_748, %get3A_749] {strides = array<i32>} : memref<128x128xf32, #tpu.memory_space<vmem>>, vector<16xf32>,
        %mul3A_751 = arith.mulf %get3A_750, %broadcast_in_dim3A_747 : vector<16xf32>
        %swap3A_752 = arith.index_cast %add3A_744 : i32 to index
        %swap3A_753 = arith.constant 0 : index
        %swap3A_754 = tpu.vector_load %arg14[%swap3A_752, %swap3A_753] {strides = array<i32>} : memref<128x128xf32, #tpu.memory_space<vmem>>, vector<16xf32>,
        tpu.vector_store %arg14[%swap3A_752, %swap3A_753], %mul3A_751 {strides = array<i32>} : memref<128x128xf32, #tpu.memory_space<vmem>>, vector<16xf32>,
        %get3A_755 = arith.index_cast %add3A_744 : i32 to index
        %get3A_756 = arith.constant 16 : index
        %get3A_757 = tpu.vector_load %arg14[%get3A_755, %get3A_756] {strides = array<i32>} : memref<128x128xf32, #tpu.memory_space<vmem>>, vector<16xf32>,
        %mul3A_758 = arith.mulf %get3A_757, %broadcast_in_dim3A_747 : vector<16xf32>
        %swap3A_759 = arith.index_cast %add3A_744 : i32 to index
        %swap3A_760 = arith.constant 16 : index
        %swap3A_761 = tpu.vector_load %arg14[%swap3A_759, %swap3A_760] {strides = array<i32>} : memref<128x128xf32, #tpu.memory_space<vmem>>, vector<16xf32>,
        tpu.vector_store %arg14[%swap3A_759, %swap3A_760], %mul3A_758 {strides = array<i32>} : memref<128x128xf32, #tpu.memory_space<vmem>>, vector<16xf32>,
        %get3A_762 = arith.index_cast %add3A_744 : i32 to index
        %get3A_763 = arith.constant 32 : index
        %get3A_764 = tpu.vector_load %arg14[%get3A_762, %get3A_763] {strides = array<i32>} : memref<128x128xf32, #tpu.memory_space<vmem>>, vector<16xf32>,
        %mul3A_765 = arith.mulf %get3A_764, %broadcast_in_dim3A_747 : vector<16xf32>
        %swap3A_766 = arith.index_cast %add3A_744 : i32 to index
        %swap3A_767 = arith.constant 32 : index
        %swap3A_768 = tpu.vector_load %arg14[%swap3A_766, %swap3A_767] {strides = array<i32>} : memref<128x128xf32, #tpu.memory_space<vmem>>, vector<16xf32>,
        tpu.vector_store %arg14[%swap3A_766, %swap3A_767], %mul3A_765 {strides = array<i32>} : memref<128x128xf32, #tpu.memory_space<vmem>>, vector<16xf32>,
        %get3A_769 = arith.index_cast %add3A_744 : i32 to index
        %get3A_770 = arith.constant 48 : index
        %get3A_771 = tpu.vector_load %arg14[%get3A_769, %get3A_770] {strides = array<i32>} : memref<128x128xf32, #tpu.memory_space<vmem>>, vector<16xf32>,
        %mul3A_772 = arith.mulf %get3A_771, %broadcast_in_dim3A_747 : vector<16xf32>
        %swap3A_773 = arith.index_cast %add3A_744 : i32 to index
        %swap3A_774 = arith.constant 48 : index
        %swap3A_775 = tpu.vector_load %arg14[%swap3A_773, %swap3A_774] {strides = array<i32>} : memref<128x128xf32, #tpu.memory_space<vmem>>, vector<16xf32>,
        tpu.vector_store %arg14[%swap3A_773, %swap3A_774], %mul3A_772 {strides = array<i32>} : memref<128x128xf32, #tpu.memory_space<vmem>>, vector<16xf32>,
        %get3A_776 = arith.index_cast %add3A_744 : i32 to index
        %get3A_777 = arith.constant 64 : index
        %get3A_778 = tpu.vector_load %arg14[%get3A_776, %get3A_777] {strides = array<i32>} : memref<128x128xf32, #tpu.memory_space<vmem>>, vector<16xf32>,
        %mul3A_779 = arith.mulf %get3A_778, %broadcast_in_dim3A_747 : vector<16xf32>
        %swap3A_780 = arith.index_cast %add3A_744 : i32 to index
        %swap3A_781 = arith.constant 64 : index
        %swap3A_782 = tpu.vector_load %arg14[%swap3A_780, %swap3A_781] {strides = array<i32>} : memref<128x128xf32, #tpu.memory_space<vmem>>, vector<16xf32>,
        tpu.vector_store %arg14[%swap3A_780, %swap3A_781], %mul3A_779 {strides = array<i32>} : memref<128x128xf32, #tpu.memory_space<vmem>>, vector<16xf32>,
        %get3A_783 = arith.index_cast %add3A_744 : i32 to index
        %get3A_784 = arith.constant 80 : index
        %get3A_785 = tpu.vector_load %arg14[%get3A_783, %get3A_784] {strides = array<i32>} : memref<128x128xf32, #tpu.memory_space<vmem>>, vector<16xf32>,
        %mul3A_786 = arith.mulf %get3A_785, %broadcast_in_dim3A_747 : vector<16xf32>
        %swap3A_787 = arith.index_cast %add3A_744 : i32 to index
        %swap3A_788 = arith.constant 80 : index
        %swap3A_789 = tpu.vector_load %arg14[%swap3A_787, %swap3A_788] {strides = array<i32>} : memref<128x128xf32, #tpu.memory_space<vmem>>, vector<16xf32>,
        tpu.vector_store %arg14[%swap3A_787, %swap3A_788], %mul3A_786 {strides = array<i32>} : memref<128x128xf32, #tpu.memory_space<vmem>>, vector<16xf32>,
        %get3A_790 = arith.index_cast %add3A_744 : i32 to index
        %get3A_791 = arith.constant 96 : index
        %get3A_792 = tpu.vector_load %arg14[%get3A_790, %get3A_791] {strides = array<i32>} : memref<128x128xf32, #tpu.memory_space<vmem>>, vector<16xf32>,
        %mul3A_793 = arith.mulf %get3A_792, %broadcast_in_dim3A_747 : vector<16xf32>
        %swap3A_794 = arith.index_cast %add3A_744 : i32 to index
        %swap3A_795 = arith.constant 96 : index
        %swap3A_796 = tpu.vector_load %arg14[%swap3A_794, %swap3A_795] {strides = array<i32>} : memref<128x128xf32, #tpu.memory_space<vmem>>, vector<16xf32>,
        tpu.vector_store %arg14[%swap3A_794, %swap3A_795], %mul3A_793 {strides = array<i32>} : memref<128x128xf32, #tpu.memory_space<vmem>>, vector<16xf32>,
        %get3A_797 = arith.index_cast %add3A_744 : i32 to index
        %get3A_798 = arith.constant 112 : index
        %get3A_799 = tpu.vector_load %arg14[%get3A_797, %get3A_798] {strides = array<i32>} : memref<128x128xf32, #tpu.memory_space<vmem>>, vector<16xf32>,
        %mul3A_800 = arith.mulf %get3A_799, %broadcast_in_dim3A_747 : vector<16xf32>
        %swap3A_801 = arith.index_cast %add3A_744 : i32 to index
        %swap3A_802 = arith.constant 112 : index
        %swap3A_803 = tpu.vector_load %arg14[%swap3A_801, %swap3A_802] {strides = array<i32>} : memref<128x128xf32, #tpu.memory_space<vmem>>, vector<16xf32>,
        tpu.vector_store %arg14[%swap3A_801, %swap3A_802], %mul3A_800 {strides = array<i32>} : memref<128x128xf32, #tpu.memory_space<vmem>>, vector<16xf32>,
        %mul3A_804 = arith.constant 16 : i32
        %mul3A_805 = arith.muli %scan3A_159, %mul3A_804 : i32
        %add3A_806 = arith.constant 10 : i32
        %add3A_807 = arith.addi %mul3A_805, %add3A_806 : i32
        %slice3A_808 = vector.extract_strided_slice %get3A_165 {offsets = [10], sizes = [1], strides = [1]} : vector<16xf32> to vector<1xf32>
        %squeeze3A_809 = vector.extract %slice3A_808[0] : f32 from vector<1xf32>
        %broadcast_in_dim3A_810 = vector.broadcast %squeeze3A_809 : f32 to vector<16xf32>
        %get3A_811 = arith.index_cast %add3A_807 : i32 to index
        %get3A_812 = arith.constant 0 : index
        %get3A_813 = tpu.vector_load %arg14[%get3A_811, %get3A_812] {strides = array<i32>} : memref<128x128xf32, #tpu.memory_space<vmem>>, vector<16xf32>,
        %mul3A_814 = arith.mulf %get3A_813, %broadcast_in_dim3A_810 : vector<16xf32>
        %swap3A_815 = arith.index_cast %add3A_807 : i32 to index
        %swap3A_816 = arith.constant 0 : index
        %swap3A_817 = tpu.vector_load %arg14[%swap3A_815, %swap3A_816] {strides = array<i32>} : memref<128x128xf32, #tpu.memory_space<vmem>>, vector<16xf32>,
        tpu.vector_store %arg14[%swap3A_815, %swap3A_816], %mul3A_814 {strides = array<i32>} : memref<128x128xf32, #tpu.memory_space<vmem>>, vector<16xf32>,
        %get3A_818 = arith.index_cast %add3A_807 : i32 to index
        %get3A_819 = arith.constant 16 : index
        %get3A_820 = tpu.vector_load %arg14[%get3A_818, %get3A_819] {strides = array<i32>} : memref<128x128xf32, #tpu.memory_space<vmem>>, vector<16xf32>,
        %mul3A_821 = arith.mulf %get3A_820, %broadcast_in_dim3A_810 : vector<16xf32>
        %swap3A_822 = arith.index_cast %add3A_807 : i32 to index
        %swap3A_823 = arith.constant 16 : index
        %swap3A_824 = tpu.vector_load %arg14[%swap3A_822, %swap3A_823] {strides = array<i32>} : memref<128x128xf32, #tpu.memory_space<vmem>>, vector<16xf32>,
        tpu.vector_store %arg14[%swap3A_822, %swap3A_823], %mul3A_821 {strides = array<i32>} : memref<128x128xf32, #tpu.memory_space<vmem>>, vector<16xf32>,
        %get3A_825 = arith.index_cast %add3A_807 : i32 to index
        %get3A_826 = arith.constant 32 : index
        %get3A_827 = tpu.vector_load %arg14[%get3A_825, %get3A_826] {strides = array<i32>} : memref<128x128xf32, #tpu.memory_space<vmem>>, vector<16xf32>,
        %mul3A_828 = arith.mulf %get3A_827, %broadcast_in_dim3A_810 : vector<16xf32>
        %swap3A_829 = arith.index_cast %add3A_807 : i32 to index
        %swap3A_830 = arith.constant 32 : index
        %swap3A_831 = tpu.vector_load %arg14[%swap3A_829, %swap3A_830] {strides = array<i32>} : memref<128x128xf32, #tpu.memory_space<vmem>>, vector<16xf32>,
        tpu.vector_store %arg14[%swap3A_829, %swap3A_830], %mul3A_828 {strides = array<i32>} : memref<128x128xf32, #tpu.memory_space<vmem>>, vector<16xf32>,
        %get3A_832 = arith.index_cast %add3A_807 : i32 to index
        %get3A_833 = arith.constant 48 : index
        %get3A_834 = tpu.vector_load %arg14[%get3A_832, %get3A_833] {strides = array<i32>} : memref<128x128xf32, #tpu.memory_space<vmem>>, vector<16xf32>,
        %mul3A_835 = arith.mulf %get3A_834, %broadcast_in_dim3A_810 : vector<16xf32>
        %swap3A_836 = arith.index_cast %add3A_807 : i32 to index
        %swap3A_837 = arith.constant 48 : index
        %swap3A_838 = tpu.vector_load %arg14[%swap3A_836, %swap3A_837] {strides = array<i32>} : memref<128x128xf32, #tpu.memory_space<vmem>>, vector<16xf32>,
        tpu.vector_store %arg14[%swap3A_836, %swap3A_837], %mul3A_835 {strides = array<i32>} : memref<128x128xf32, #tpu.memory_space<vmem>>, vector<16xf32>,
        %get3A_839 = arith.index_cast %add3A_807 : i32 to index
        %get3A_840 = arith.constant 64 : index
        %get3A_841 = tpu.vector_load %arg14[%get3A_839, %get3A_840] {strides = array<i32>} : memref<128x128xf32, #tpu.memory_space<vmem>>, vector<16xf32>,
        %mul3A_842 = arith.mulf %get3A_841, %broadcast_in_dim3A_810 : vector<16xf32>
        %swap3A_843 = arith.index_cast %add3A_807 : i32 to index
        %swap3A_844 = arith.constant 64 : index
        %swap3A_845 = tpu.vector_load %arg14[%swap3A_843, %swap3A_844] {strides = array<i32>} : memref<128x128xf32, #tpu.memory_space<vmem>>, vector<16xf32>,
        tpu.vector_store %arg14[%swap3A_843, %swap3A_844], %mul3A_842 {strides = array<i32>} : memref<128x128xf32, #tpu.memory_space<vmem>>, vector<16xf32>,
        %get3A_846 = arith.index_cast %add3A_807 : i32 to index
        %get3A_847 = arith.constant 80 : index
        %get3A_848 = tpu.vector_load %arg14[%get3A_846, %get3A_847] {strides = array<i32>} : memref<128x128xf32, #tpu.memory_space<vmem>>, vector<16xf32>,
        %mul3A_849 = arith.mulf %get3A_848, %broadcast_in_dim3A_810 : vector<16xf32>
        %swap3A_850 = arith.index_cast %add3A_807 : i32 to index
        %swap3A_851 = arith.constant 80 : index
        %swap3A_852 = tpu.vector_load %arg14[%swap3A_850, %swap3A_851] {strides = array<i32>} : memref<128x128xf32, #tpu.memory_space<vmem>>, vector<16xf32>,
        tpu.vector_store %arg14[%swap3A_850, %swap3A_851], %mul3A_849 {strides = array<i32>} : memref<128x128xf32, #tpu.memory_space<vmem>>, vector<16xf32>,
        %get3A_853 = arith.index_cast %add3A_807 : i32 to index
        %get3A_854 = arith.constant 96 : index
        %get3A_855 = tpu.vector_load %arg14[%get3A_853, %get3A_854] {strides = array<i32>} : memref<128x128xf32, #tpu.memory_space<vmem>>, vector<16xf32>,
        %mul3A_856 = arith.mulf %get3A_855, %broadcast_in_dim3A_810 : vector<16xf32>
        %swap3A_857 = arith.index_cast %add3A_807 : i32 to index
        %swap3A_858 = arith.constant 96 : index
        %swap3A_859 = tpu.vector_load %arg14[%swap3A_857, %swap3A_858] {strides = array<i32>} : memref<128x128xf32, #tpu.memory_space<vmem>>, vector<16xf32>,
        tpu.vector_store %arg14[%swap3A_857, %swap3A_858], %mul3A_856 {strides = array<i32>} : memref<128x128xf32, #tpu.memory_space<vmem>>, vector<16xf32>,
        %get3A_860 = arith.index_cast %add3A_807 : i32 to index
        %get3A_861 = arith.constant 112 : index
        %get3A_862 = tpu.vector_load %arg14[%get3A_860, %get3A_861] {strides = array<i32>} : memref<128x128xf32, #tpu.memory_space<vmem>>, vector<16xf32>,
        %mul3A_863 = arith.mulf %get3A_862, %broadcast_in_dim3A_810 : vector<16xf32>
        %swap3A_864 = arith.index_cast %add3A_807 : i32 to index
        %swap3A_865 = arith.constant 112 : index
        %swap3A_866 = tpu.vector_load %arg14[%swap3A_864, %swap3A_865] {strides = array<i32>} : memref<128x128xf32, #tpu.memory_space<vmem>>, vector<16xf32>,
        tpu.vector_store %arg14[%swap3A_864, %swap3A_865], %mul3A_863 {strides = array<i32>} : memref<128x128xf32, #tpu.memory_space<vmem>>, vector<16xf32>,
        %mul3A_867 = arith.constant 16 : i32
        %mul3A_868 = arith.muli %scan3A_159, %mul3A_867 : i32
        %add3A_869 = arith.constant 11 : i32
        %add3A_870 = arith.addi %mul3A_868, %add3A_869 : i32
        %slice3A_871 = vector.extract_strided_slice %get3A_165 {offsets = [11], sizes = [1], strides = [1]} : vector<16xf32> to vector<1xf32>
        %squeeze3A_872 = vector.extract %slice3A_871[0] : f32 from vector<1xf32>
        %broadcast_in_dim3A_873 = vector.broadcast %squeeze3A_872 : f32 to vector<16xf32>
        %get3A_874 = arith.index_cast %add3A_870 : i32 to index
        %get3A_875 = arith.constant 0 : index
        %get3A_876 = tpu.vector_load %arg14[%get3A_874, %get3A_875] {strides = array<i32>} : memref<128x128xf32, #tpu.memory_space<vmem>>, vector<16xf32>,
        %mul3A_877 = arith.mulf %get3A_876, %broadcast_in_dim3A_873 : vector<16xf32>
        %swap3A_878 = arith.index_cast %add3A_870 : i32 to index
        %swap3A_879 = arith.constant 0 : index
        %swap3A_880 = tpu.vector_load %arg14[%swap3A_878, %swap3A_879] {strides = array<i32>} : memref<128x128xf32, #tpu.memory_space<vmem>>, vector<16xf32>,
        tpu.vector_store %arg14[%swap3A_878, %swap3A_879], %mul3A_877 {strides = array<i32>} : memref<128x128xf32, #tpu.memory_space<vmem>>, vector<16xf32>,
        %get3A_881 = arith.index_cast %add3A_870 : i32 to index
        %get3A_882 = arith.constant 16 : index
        %get3A_883 = tpu.vector_load %arg14[%get3A_881, %get3A_882] {strides = array<i32>} : memref<128x128xf32, #tpu.memory_space<vmem>>, vector<16xf32>,
        %mul3A_884 = arith.mulf %get3A_883, %broadcast_in_dim3A_873 : vector<16xf32>
        %swap3A_885 = arith.index_cast %add3A_870 : i32 to index
        %swap3A_886 = arith.constant 16 : index
        %swap3A_887 = tpu.vector_load %arg14[%swap3A_885, %swap3A_886] {strides = array<i32>} : memref<128x128xf32, #tpu.memory_space<vmem>>, vector<16xf32>,
        tpu.vector_store %arg14[%swap3A_885, %swap3A_886], %mul3A_884 {strides = array<i32>} : memref<128x128xf32, #tpu.memory_space<vmem>>, vector<16xf32>,
        %get3A_888 = arith.index_cast %add3A_870 : i32 to index
        %get3A_889 = arith.constant 32 : index
        %get3A_890 = tpu.vector_load %arg14[%get3A_888, %get3A_889] {strides = array<i32>} : memref<128x128xf32, #tpu.memory_space<vmem>>, vector<16xf32>,
        %mul3A_891 = arith.mulf %get3A_890, %broadcast_in_dim3A_873 : vector<16xf32>
        %swap3A_892 = arith.index_cast %add3A_870 : i32 to index
        %swap3A_893 = arith.constant 32 : index
        %swap3A_894 = tpu.vector_load %arg14[%swap3A_892, %swap3A_893] {strides = array<i32>} : memref<128x128xf32, #tpu.memory_space<vmem>>, vector<16xf32>,
        tpu.vector_store %arg14[%swap3A_892, %swap3A_893], %mul3A_891 {strides = array<i32>} : memref<128x128xf32, #tpu.memory_space<vmem>>, vector<16xf32>,
        %get3A_895 = arith.index_cast %add3A_870 : i32 to index
        %get3A_896 = arith.constant 48 : index
        %get3A_897 = tpu.vector_load %arg14[%get3A_895, %get3A_896] {strides = array<i32>} : memref<128x128xf32, #tpu.memory_space<vmem>>, vector<16xf32>,
        %mul3A_898 = arith.mulf %get3A_897, %broadcast_in_dim3A_873 : vector<16xf32>
        %swap3A_899 = arith.index_cast %add3A_870 : i32 to index
        %swap3A_900 = arith.constant 48 : index
        %swap3A_901 = tpu.vector_load %arg14[%swap3A_899, %swap3A_900] {strides = array<i32>} : memref<128x128xf32, #tpu.memory_space<vmem>>, vector<16xf32>,
        tpu.vector_store %arg14[%swap3A_899, %swap3A_900], %mul3A_898 {strides = array<i32>} : memref<128x128xf32, #tpu.memory_space<vmem>>, vector<16xf32>,
        %get3A_902 = arith.index_cast %add3A_870 : i32 to index
        %get3A_903 = arith.constant 64 : index
        %get3A_904 = tpu.vector_load %arg14[%get3A_902, %get3A_903] {strides = array<i32>} : memref<128x128xf32, #tpu.memory_space<vmem>>, vector<16xf32>,
        %mul3A_905 = arith.mulf %get3A_904, %broadcast_in_dim3A_873 : vector<16xf32>
        %swap3A_906 = arith.index_cast %add3A_870 : i32 to index
        %swap3A_907 = arith.constant 64 : index
        %swap3A_908 = tpu.vector_load %arg14[%swap3A_906, %swap3A_907] {strides = array<i32>} : memref<128x128xf32, #tpu.memory_space<vmem>>, vector<16xf32>,
        tpu.vector_store %arg14[%swap3A_906, %swap3A_907], %mul3A_905 {strides = array<i32>} : memref<128x128xf32, #tpu.memory_space<vmem>>, vector<16xf32>,
        %get3A_909 = arith.index_cast %add3A_870 : i32 to index
        %get3A_910 = arith.constant 80 : index
        %get3A_911 = tpu.vector_load %arg14[%get3A_909, %get3A_910] {strides = array<i32>} : memref<128x128xf32, #tpu.memory_space<vmem>>, vector<16xf32>,
        %mul3A_912 = arith.mulf %get3A_911, %broadcast_in_dim3A_873 : vector<16xf32>
        %swap3A_913 = arith.index_cast %add3A_870 : i32 to index
        %swap3A_914 = arith.constant 80 : index
        %swap3A_915 = tpu.vector_load %arg14[%swap3A_913, %swap3A_914] {strides = array<i32>} : memref<128x128xf32, #tpu.memory_space<vmem>>, vector<16xf32>,
        tpu.vector_store %arg14[%swap3A_913, %swap3A_914], %mul3A_912 {strides = array<i32>} : memref<128x128xf32, #tpu.memory_space<vmem>>, vector<16xf32>,
        %get3A_916 = arith.index_cast %add3A_870 : i32 to index
        %get3A_917 = arith.constant 96 : index
        %get3A_918 = tpu.vector_load %arg14[%get3A_916, %get3A_917] {strides = array<i32>} : memref<128x128xf32, #tpu.memory_space<vmem>>, vector<16xf32>,
        %mul3A_919 = arith.mulf %get3A_918, %broadcast_in_dim3A_873 : vector<16xf32>
        %swap3A_920 = arith.index_cast %add3A_870 : i32 to index
        %swap3A_921 = arith.constant 96 : index
        %swap3A_922 = tpu.vector_load %arg14[%swap3A_920, %swap3A_921] {strides = array<i32>} : memref<128x128xf32, #tpu.memory_space<vmem>>, vector<16xf32>,
        tpu.vector_store %arg14[%swap3A_920, %swap3A_921], %mul3A_919 {strides = array<i32>} : memref<128x128xf32, #tpu.memory_space<vmem>>, vector<16xf32>,
        %get3A_923 = arith.index_cast %add3A_870 : i32 to index
        %get3A_924 = arith.constant 112 : index
        %get3A_925 = tpu.vector_load %arg14[%get3A_923, %get3A_924] {strides = array<i32>} : memref<128x128xf32, #tpu.memory_space<vmem>>, vector<16xf32>,
        %mul3A_926 = arith.mulf %get3A_925, %broadcast_in_dim3A_873 : vector<16xf32>
        %swap3A_927 = arith.index_cast %add3A_870 : i32 to index
        %swap3A_928 = arith.constant 112 : index
        %swap3A_929 = tpu.vector_load %arg14[%swap3A_927, %swap3A_928] {strides = array<i32>} : memref<128x128xf32, #tpu.memory_space<vmem>>, vector<16xf32>,
        tpu.vector_store %arg14[%swap3A_927, %swap3A_928], %mul3A_926 {strides = array<i32>} : memref<128x128xf32, #tpu.memory_space<vmem>>, vector<16xf32>,
        %mul3A_930 = arith.constant 16 : i32
        %mul3A_931 = arith.muli %scan3A_159, %mul3A_930 : i32
        %add3A_932 = arith.constant 12 : i32
        %add3A_933 = arith.addi %mul3A_931, %add3A_932 : i32
        %slice3A_934 = vector.extract_strided_slice %get3A_165 {offsets = [12], sizes = [1], strides = [1]} : vector<16xf32> to vector<1xf32>
        %squeeze3A_935 = vector.extract %slice3A_934[0] : f32 from vector<1xf32>
        %broadcast_in_dim3A_936 = vector.broadcast %squeeze3A_935 : f32 to vector<16xf32>
        %get3A_937 = arith.index_cast %add3A_933 : i32 to index
        %get3A_938 = arith.constant 0 : index
        %get3A_939 = tpu.vector_load %arg14[%get3A_937, %get3A_938] {strides = array<i32>} : memref<128x128xf32, #tpu.memory_space<vmem>>, vector<16xf32>,
        %mul3A_940 = arith.mulf %get3A_939, %broadcast_in_dim3A_936 : vector<16xf32>
        %swap3A_941 = arith.index_cast %add3A_933 : i32 to index
        %swap3A_942 = arith.constant 0 : index
        %swap3A_943 = tpu.vector_load %arg14[%swap3A_941, %swap3A_942] {strides = array<i32>} : memref<128x128xf32, #tpu.memory_space<vmem>>, vector<16xf32>,
        tpu.vector_store %arg14[%swap3A_941, %swap3A_942], %mul3A_940 {strides = array<i32>} : memref<128x128xf32, #tpu.memory_space<vmem>>, vector<16xf32>,
        %get3A_944 = arith.index_cast %add3A_933 : i32 to index
        %get3A_945 = arith.constant 16 : index
        %get3A_946 = tpu.vector_load %arg14[%get3A_944, %get3A_945] {strides = array<i32>} : memref<128x128xf32, #tpu.memory_space<vmem>>, vector<16xf32>,
        %mul3A_947 = arith.mulf %get3A_946, %broadcast_in_dim3A_936 : vector<16xf32>
        %swap3A_948 = arith.index_cast %add3A_933 : i32 to index
        %swap3A_949 = arith.constant 16 : index
        %swap3A_950 = tpu.vector_load %arg14[%swap3A_948, %swap3A_949] {strides = array<i32>} : memref<128x128xf32, #tpu.memory_space<vmem>>, vector<16xf32>,
        tpu.vector_store %arg14[%swap3A_948, %swap3A_949], %mul3A_947 {strides = array<i32>} : memref<128x128xf32, #tpu.memory_space<vmem>>, vector<16xf32>,
        %get3A_951 = arith.index_cast %add3A_933 : i32 to index
        %get3A_952 = arith.constant 32 : index
        %get3A_953 = tpu.vector_load %arg14[%get3A_951, %get3A_952] {strides = array<i32>} : memref<128x128xf32, #tpu.memory_space<vmem>>, vector<16xf32>,
        %mul3A_954 = arith.mulf %get3A_953, %broadcast_in_dim3A_936 : vector<16xf32>
        %swap3A_955 = arith.index_cast %add3A_933 : i32 to index
        %swap3A_956 = arith.constant 32 : index
        %swap3A_957 = tpu.vector_load %arg14[%swap3A_955, %swap3A_956] {strides = array<i32>} : memref<128x128xf32, #tpu.memory_space<vmem>>, vector<16xf32>,
        tpu.vector_store %arg14[%swap3A_955, %swap3A_956], %mul3A_954 {strides = array<i32>} : memref<128x128xf32, #tpu.memory_space<vmem>>, vector<16xf32>,
        %get3A_958 = arith.index_cast %add3A_933 : i32 to index
        %get3A_959 = arith.constant 48 : index
        %get3A_960 = tpu.vector_load %arg14[%get3A_958, %get3A_959] {strides = array<i32>} : memref<128x128xf32, #tpu.memory_space<vmem>>, vector<16xf32>,
        %mul3A_961 = arith.mulf %get3A_960, %broadcast_in_dim3A_936 : vector<16xf32>
        %swap3A_962 = arith.index_cast %add3A_933 : i32 to index
        %swap3A_963 = arith.constant 48 : index
        %swap3A_964 = tpu.vector_load %arg14[%swap3A_962, %swap3A_963] {strides = array<i32>} : memref<128x128xf32, #tpu.memory_space<vmem>>, vector<16xf32>,
        tpu.vector_store %arg14[%swap3A_962, %swap3A_963], %mul3A_961 {strides = array<i32>} : memref<128x128xf32, #tpu.memory_space<vmem>>, vector<16xf32>,
        %get3A_965 = arith.index_cast %add3A_933 : i32 to index
        %get3A_966 = arith.constant 64 : index
        %get3A_967 = tpu.vector_load %arg14[%get3A_965, %get3A_966] {strides = array<i32>} : memref<128x128xf32, #tpu.memory_space<vmem>>, vector<16xf32>,
        %mul3A_968 = arith.mulf %get3A_967, %broadcast_in_dim3A_936 : vector<16xf32>
        %swap3A_969 = arith.index_cast %add3A_933 : i32 to index
        %swap3A_970 = arith.constant 64 : index
        %swap3A_971 = tpu.vector_load %arg14[%swap3A_969, %swap3A_970] {strides = array<i32>} : memref<128x128xf32, #tpu.memory_space<vmem>>, vector<16xf32>,
        tpu.vector_store %arg14[%swap3A_969, %swap3A_970], %mul3A_968 {strides = array<i32>} : memref<128x128xf32, #tpu.memory_space<vmem>>, vector<16xf32>,
        %get3A_972 = arith.index_cast %add3A_933 : i32 to index
        %get3A_973 = arith.constant 80 : index
        %get3A_974 = tpu.vector_load %arg14[%get3A_972, %get3A_973] {strides = array<i32>} : memref<128x128xf32, #tpu.memory_space<vmem>>, vector<16xf32>,
        %mul3A_975 = arith.mulf %get3A_974, %broadcast_in_dim3A_936 : vector<16xf32>
        %swap3A_976 = arith.index_cast %add3A_933 : i32 to index
        %swap3A_977 = arith.constant 80 : index
        %swap3A_978 = tpu.vector_load %arg14[%swap3A_976, %swap3A_977] {strides = array<i32>} : memref<128x128xf32, #tpu.memory_space<vmem>>, vector<16xf32>,
        tpu.vector_store %arg14[%swap3A_976, %swap3A_977], %mul3A_975 {strides = array<i32>} : memref<128x128xf32, #tpu.memory_space<vmem>>, vector<16xf32>,
        %get3A_979 = arith.index_cast %add3A_933 : i32 to index
        %get3A_980 = arith.constant 96 : index
        %get3A_981 = tpu.vector_load %arg14[%get3A_979, %get3A_980] {strides = array<i32>} : memref<128x128xf32, #tpu.memory_space<vmem>>, vector<16xf32>,
        %mul3A_982 = arith.mulf %get3A_981, %broadcast_in_dim3A_936 : vector<16xf32>
        %swap3A_983 = arith.index_cast %add3A_933 : i32 to index
        %swap3A_984 = arith.constant 96 : index
        %swap3A_985 = tpu.vector_load %arg14[%swap3A_983, %swap3A_984] {strides = array<i32>} : memref<128x128xf32, #tpu.memory_space<vmem>>, vector<16xf32>,
        tpu.vector_store %arg14[%swap3A_983, %swap3A_984], %mul3A_982 {strides = array<i32>} : memref<128x128xf32, #tpu.memory_space<vmem>>, vector<16xf32>,
        %get3A_986 = arith.index_cast %add3A_933 : i32 to index
        %get3A_987 = arith.constant 112 : index
        %get3A_988 = tpu.vector_load %arg14[%get3A_986, %get3A_987] {strides = array<i32>} : memref<128x128xf32, #tpu.memory_space<vmem>>, vector<16xf32>,
        %mul3A_989 = arith.mulf %get3A_988, %broadcast_in_dim3A_936 : vector<16xf32>
        %swap3A_990 = arith.index_cast %add3A_933 : i32 to index
        %swap3A_991 = arith.constant 112 : index
        %swap3A_992 = tpu.vector_load %arg14[%swap3A_990, %swap3A_991] {strides = array<i32>} : memref<128x128xf32, #tpu.memory_space<vmem>>, vector<16xf32>,
        tpu.vector_store %arg14[%swap3A_990, %swap3A_991], %mul3A_989 {strides = array<i32>} : memref<128x128xf32, #tpu.memory_space<vmem>>, vector<16xf32>,
        %mul3A_993 = arith.constant 16 : i32
        %mul3A_994 = arith.muli %scan3A_159, %mul3A_993 : i32
        %add3A_995 = arith.constant 13 : i32
        %add3A_996 = arith.addi %mul3A_994, %add3A_995 : i32
        %slice3A_997 = vector.extract_strided_slice %get3A_165 {offsets = [13], sizes = [1], strides = [1]} : vector<16xf32> to vector<1xf32>
        %squeeze3A_998 = vector.extract %slice3A_997[0] : f32 from vector<1xf32>
        %broadcast_in_dim3A_999 = vector.broadcast %squeeze3A_998 : f32 to vector<16xf32>
        %get3A_1000 = arith.index_cast %add3A_996 : i32 to index
        %get3A_1001 = arith.constant 0 : index
        %get3A_1002 = tpu.vector_load %arg14[%get3A_1000, %get3A_1001] {strides = array<i32>} : memref<128x128xf32, #tpu.memory_space<vmem>>, vector<16xf32>,
        %mul3A_1003 = arith.mulf %get3A_1002, %broadcast_in_dim3A_999 : vector<16xf32>
        %swap3A_1004 = arith.index_cast %add3A_996 : i32 to index
        %swap3A_1005 = arith.constant 0 : index
        %swap3A_1006 = tpu.vector_load %arg14[%swap3A_1004, %swap3A_1005] {strides = array<i32>} : memref<128x128xf32, #tpu.memory_space<vmem>>, vector<16xf32>,
        tpu.vector_store %arg14[%swap3A_1004, %swap3A_1005], %mul3A_1003 {strides = array<i32>} : memref<128x128xf32, #tpu.memory_space<vmem>>, vector<16xf32>,
        %get3A_1007 = arith.index_cast %add3A_996 : i32 to index
        %get3A_1008 = arith.constant 16 : index
        %get3A_1009 = tpu.vector_load %arg14[%get3A_1007, %get3A_1008] {strides = array<i32>} : memref<128x128xf32, #tpu.memory_space<vmem>>, vector<16xf32>,
        %mul3A_1010 = arith.mulf %get3A_1009, %broadcast_in_dim3A_999 : vector<16xf32>
        %swap3A_1011 = arith.index_cast %add3A_996 : i32 to index
        %swap3A_1012 = arith.constant 16 : index
        %swap3A_1013 = tpu.vector_load %arg14[%swap3A_1011, %swap3A_1012] {strides = array<i32>} : memref<128x128xf32, #tpu.memory_space<vmem>>, vector<16xf32>,
        tpu.vector_store %arg14[%swap3A_1011, %swap3A_1012], %mul3A_1010 {strides = array<i32>} : memref<128x128xf32, #tpu.memory_space<vmem>>, vector<16xf32>,
        %get3A_1014 = arith.index_cast %add3A_996 : i32 to index
        %get3A_1015 = arith.constant 32 : index
        %get3A_1016 = tpu.vector_load %arg14[%get3A_1014, %get3A_1015] {strides = array<i32>} : memref<128x128xf32, #tpu.memory_space<vmem>>, vector<16xf32>,
        %mul3A_1017 = arith.mulf %get3A_1016, %broadcast_in_dim3A_999 : vector<16xf32>
        %swap3A_1018 = arith.index_cast %add3A_996 : i32 to index
        %swap3A_1019 = arith.constant 32 : index
        %swap3A_1020 = tpu.vector_load %arg14[%swap3A_1018, %swap3A_1019] {strides = array<i32>} : memref<128x128xf32, #tpu.memory_space<vmem>>, vector<16xf32>,
        tpu.vector_store %arg14[%swap3A_1018, %swap3A_1019], %mul3A_1017 {strides = array<i32>} : memref<128x128xf32, #tpu.memory_space<vmem>>, vector<16xf32>,
        %get3A_1021 = arith.index_cast %add3A_996 : i32 to index
        %get3A_1022 = arith.constant 48 : index
        %get3A_1023 = tpu.vector_load %arg14[%get3A_1021, %get3A_1022] {strides = array<i32>} : memref<128x128xf32, #tpu.memory_space<vmem>>, vector<16xf32>,
        %mul3A_1024 = arith.mulf %get3A_1023, %broadcast_in_dim3A_999 : vector<16xf32>
        %swap3A_1025 = arith.index_cast %add3A_996 : i32 to index
        %swap3A_1026 = arith.constant 48 : index
        %swap3A_1027 = tpu.vector_load %arg14[%swap3A_1025, %swap3A_1026] {strides = array<i32>} : memref<128x128xf32, #tpu.memory_space<vmem>>, vector<16xf32>,
        tpu.vector_store %arg14[%swap3A_1025, %swap3A_1026], %mul3A_1024 {strides = array<i32>} : memref<128x128xf32, #tpu.memory_space<vmem>>, vector<16xf32>,
        %get3A_1028 = arith.index_cast %add3A_996 : i32 to index
        %get3A_1029 = arith.constant 64 : index
        %get3A_1030 = tpu.vector_load %arg14[%get3A_1028, %get3A_1029] {strides = array<i32>} : memref<128x128xf32, #tpu.memory_space<vmem>>, vector<16xf32>,
        %mul3A_1031 = arith.mulf %get3A_1030, %broadcast_in_dim3A_999 : vector<16xf32>
        %swap3A_1032 = arith.index_cast %add3A_996 : i32 to index
        %swap3A_1033 = arith.constant 64 : index
        %swap3A_1034 = tpu.vector_load %arg14[%swap3A_1032, %swap3A_1033] {strides = array<i32>} : memref<128x128xf32, #tpu.memory_space<vmem>>, vector<16xf32>,
        tpu.vector_store %arg14[%swap3A_1032, %swap3A_1033], %mul3A_1031 {strides = array<i32>} : memref<128x128xf32, #tpu.memory_space<vmem>>, vector<16xf32>,
        %get3A_1035 = arith.index_cast %add3A_996 : i32 to index
        %get3A_1036 = arith.constant 80 : index
        %get3A_1037 = tpu.vector_load %arg14[%get3A_1035, %get3A_1036] {strides = array<i32>} : memref<128x128xf32, #tpu.memory_space<vmem>>, vector<16xf32>,
        %mul3A_1038 = arith.mulf %get3A_1037, %broadcast_in_dim3A_999 : vector<16xf32>
        %swap3A_1039 = arith.index_cast %add3A_996 : i32 to index
        %swap3A_1040 = arith.constant 80 : index
        %swap3A_1041 = tpu.vector_load %arg14[%swap3A_1039, %swap3A_1040] {strides = array<i32>} : memref<128x128xf32, #tpu.memory_space<vmem>>, vector<16xf32>,
        tpu.vector_store %arg14[%swap3A_1039, %swap3A_1040], %mul3A_1038 {strides = array<i32>} : memref<128x128xf32, #tpu.memory_space<vmem>>, vector<16xf32>,
        %get3A_1042 = arith.index_cast %add3A_996 : i32 to index
        %get3A_1043 = arith.constant 96 : index
        %get3A_1044 = tpu.vector_load %arg14[%get3A_1042, %get3A_1043] {strides = array<i32>} : memref<128x128xf32, #tpu.memory_space<vmem>>, vector<16xf32>,
        %mul3A_1045 = arith.mulf %get3A_1044, %broadcast_in_dim3A_999 : vector<16xf32>
        %swap3A_1046 = arith.index_cast %add3A_996 : i32 to index
        %swap3A_1047 = arith.constant 96 : index
        %swap3A_1048 = tpu.vector_load %arg14[%swap3A_1046, %swap3A_1047] {strides = array<i32>} : memref<128x128xf32, #tpu.memory_space<vmem>>, vector<16xf32>,
        tpu.vector_store %arg14[%swap3A_1046, %swap3A_1047], %mul3A_1045 {strides = array<i32>} : memref<128x128xf32, #tpu.memory_space<vmem>>, vector<16xf32>,
        %get3A_1049 = arith.index_cast %add3A_996 : i32 to index
        %get3A_1050 = arith.constant 112 : index
        %get3A_1051 = tpu.vector_load %arg14[%get3A_1049, %get3A_1050] {strides = array<i32>} : memref<128x128xf32, #tpu.memory_space<vmem>>, vector<16xf32>,
        %mul3A_1052 = arith.mulf %get3A_1051, %broadcast_in_dim3A_999 : vector<16xf32>
        %swap3A_1053 = arith.index_cast %add3A_996 : i32 to index
        %swap3A_1054 = arith.constant 112 : index
        %swap3A_1055 = tpu.vector_load %arg14[%swap3A_1053, %swap3A_1054] {strides = array<i32>} : memref<128x128xf32, #tpu.memory_space<vmem>>, vector<16xf32>,
        tpu.vector_store %arg14[%swap3A_1053, %swap3A_1054], %mul3A_1052 {strides = array<i32>} : memref<128x128xf32, #tpu.memory_space<vmem>>, vector<16xf32>,
        %mul3A_1056 = arith.constant 16 : i32
        %mul3A_1057 = arith.muli %scan3A_159, %mul3A_1056 : i32
        %add3A_1058 = arith.constant 14 : i32
        %add3A_1059 = arith.addi %mul3A_1057, %add3A_1058 : i32
        %slice3A_1060 = vector.extract_strided_slice %get3A_165 {offsets = [14], sizes = [1], strides = [1]} : vector<16xf32> to vector<1xf32>
        %squeeze3A_1061 = vector.extract %slice3A_1060[0] : f32 from vector<1xf32>
        %broadcast_in_dim3A_1062 = vector.broadcast %squeeze3A_1061 : f32 to vector<16xf32>
        %get3A_1063 = arith.index_cast %add3A_1059 : i32 to index
        %get3A_1064 = arith.constant 0 : index
        %get3A_1065 = tpu.vector_load %arg14[%get3A_1063, %get3A_1064] {strides = array<i32>} : memref<128x128xf32, #tpu.memory_space<vmem>>, vector<16xf32>,
        %mul3A_1066 = arith.mulf %get3A_1065, %broadcast_in_dim3A_1062 : vector<16xf32>
        %swap3A_1067 = arith.index_cast %add3A_1059 : i32 to index
        %swap3A_1068 = arith.constant 0 : index
        %swap3A_1069 = tpu.vector_load %arg14[%swap3A_1067, %swap3A_1068] {strides = array<i32>} : memref<128x128xf32, #tpu.memory_space<vmem>>, vector<16xf32>,
        tpu.vector_store %arg14[%swap3A_1067, %swap3A_1068], %mul3A_1066 {strides = array<i32>} : memref<128x128xf32, #tpu.memory_space<vmem>>, vector<16xf32>,
        %get3A_1070 = arith.index_cast %add3A_1059 : i32 to index
        %get3A_1071 = arith.constant 16 : index
        %get3A_1072 = tpu.vector_load %arg14[%get3A_1070, %get3A_1071] {strides = array<i32>} : memref<128x128xf32, #tpu.memory_space<vmem>>, vector<16xf32>,
        %mul3A_1073 = arith.mulf %get3A_1072, %broadcast_in_dim3A_1062 : vector<16xf32>
        %swap3A_1074 = arith.index_cast %add3A_1059 : i32 to index
        %swap3A_1075 = arith.constant 16 : index
        %swap3A_1076 = tpu.vector_load %arg14[%swap3A_1074, %swap3A_1075] {strides = array<i32>} : memref<128x128xf32, #tpu.memory_space<vmem>>, vector<16xf32>,
        tpu.vector_store %arg14[%swap3A_1074, %swap3A_1075], %mul3A_1073 {strides = array<i32>} : memref<128x128xf32, #tpu.memory_space<vmem>>, vector<16xf32>,
        %get3A_1077 = arith.index_cast %add3A_1059 : i32 to index
        %get3A_1078 = arith.constant 32 : index
        %get3A_1079 = tpu.vector_load %arg14[%get3A_1077, %get3A_1078] {strides = array<i32>} : memref<128x128xf32, #tpu.memory_space<vmem>>, vector<16xf32>,
        %mul3A_1080 = arith.mulf %get3A_1079, %broadcast_in_dim3A_1062 : vector<16xf32>
        %swap3A_1081 = arith.index_cast %add3A_1059 : i32 to index
        %swap3A_1082 = arith.constant 32 : index
        %swap3A_1083 = tpu.vector_load %arg14[%swap3A_1081, %swap3A_1082] {strides = array<i32>} : memref<128x128xf32, #tpu.memory_space<vmem>>, vector<16xf32>,
        tpu.vector_store %arg14[%swap3A_1081, %swap3A_1082], %mul3A_1080 {strides = array<i32>} : memref<128x128xf32, #tpu.memory_space<vmem>>, vector<16xf32>,
        %get3A_1084 = arith.index_cast %add3A_1059 : i32 to index
        %get3A_1085 = arith.constant 48 : index
        %get3A_1086 = tpu.vector_load %arg14[%get3A_1084, %get3A_1085] {strides = array<i32>} : memref<128x128xf32, #tpu.memory_space<vmem>>, vector<16xf32>,
        %mul3A_1087 = arith.mulf %get3A_1086, %broadcast_in_dim3A_1062 : vector<16xf32>
        %swap3A_1088 = arith.index_cast %add3A_1059 : i32 to index
        %swap3A_1089 = arith.constant 48 : index
        %swap3A_1090 = tpu.vector_load %arg14[%swap3A_1088, %swap3A_1089] {strides = array<i32>} : memref<128x128xf32, #tpu.memory_space<vmem>>, vector<16xf32>,
        tpu.vector_store %arg14[%swap3A_1088, %swap3A_1089], %mul3A_1087 {strides = array<i32>} : memref<128x128xf32, #tpu.memory_space<vmem>>, vector<16xf32>,
        %get3A_1091 = arith.index_cast %add3A_1059 : i32 to index
        %get3A_1092 = arith.constant 64 : index
        %get3A_1093 = tpu.vector_load %arg14[%get3A_1091, %get3A_1092] {strides = array<i32>} : memref<128x128xf32, #tpu.memory_space<vmem>>, vector<16xf32>,
        %mul3A_1094 = arith.mulf %get3A_1093, %broadcast_in_dim3A_1062 : vector<16xf32>
        %swap3A_1095 = arith.index_cast %add3A_1059 : i32 to index
        %swap3A_1096 = arith.constant 64 : index
        %swap3A_1097 = tpu.vector_load %arg14[%swap3A_1095, %swap3A_1096] {strides = array<i32>} : memref<128x128xf32, #tpu.memory_space<vmem>>, vector<16xf32>,
        tpu.vector_store %arg14[%swap3A_1095, %swap3A_1096], %mul3A_1094 {strides = array<i32>} : memref<128x128xf32, #tpu.memory_space<vmem>>, vector<16xf32>,
        %get3A_1098 = arith.index_cast %add3A_1059 : i32 to index
        %get3A_1099 = arith.constant 80 : index
        %get3A_1100 = tpu.vector_load %arg14[%get3A_1098, %get3A_1099] {strides = array<i32>} : memref<128x128xf32, #tpu.memory_space<vmem>>, vector<16xf32>,
        %mul3A_1101 = arith.mulf %get3A_1100, %broadcast_in_dim3A_1062 : vector<16xf32>
        %swap3A_1102 = arith.index_cast %add3A_1059 : i32 to index
        %swap3A_1103 = arith.constant 80 : index
        %swap3A_1104 = tpu.vector_load %arg14[%swap3A_1102, %swap3A_1103] {strides = array<i32>} : memref<128x128xf32, #tpu.memory_space<vmem>>, vector<16xf32>,
        tpu.vector_store %arg14[%swap3A_1102, %swap3A_1103], %mul3A_1101 {strides = array<i32>} : memref<128x128xf32, #tpu.memory_space<vmem>>, vector<16xf32>,
        %get3A_1105 = arith.index_cast %add3A_1059 : i32 to index
        %get3A_1106 = arith.constant 96 : index
        %get3A_1107 = tpu.vector_load %arg14[%get3A_1105, %get3A_1106] {strides = array<i32>} : memref<128x128xf32, #tpu.memory_space<vmem>>, vector<16xf32>,
        %mul3A_1108 = arith.mulf %get3A_1107, %broadcast_in_dim3A_1062 : vector<16xf32>
        %swap3A_1109 = arith.index_cast %add3A_1059 : i32 to index
        %swap3A_1110 = arith.constant 96 : index
        %swap3A_1111 = tpu.vector_load %arg14[%swap3A_1109, %swap3A_1110] {strides = array<i32>} : memref<128x128xf32, #tpu.memory_space<vmem>>, vector<16xf32>,
        tpu.vector_store %arg14[%swap3A_1109, %swap3A_1110], %mul3A_1108 {strides = array<i32>} : memref<128x128xf32, #tpu.memory_space<vmem>>, vector<16xf32>,
        %get3A_1112 = arith.index_cast %add3A_1059 : i32 to index
        %get3A_1113 = arith.constant 112 : index
        %get3A_1114 = tpu.vector_load %arg14[%get3A_1112, %get3A_1113] {strides = array<i32>} : memref<128x128xf32, #tpu.memory_space<vmem>>, vector<16xf32>,
        %mul3A_1115 = arith.mulf %get3A_1114, %broadcast_in_dim3A_1062 : vector<16xf32>
        %swap3A_1116 = arith.index_cast %add3A_1059 : i32 to index
        %swap3A_1117 = arith.constant 112 : index
        %swap3A_1118 = tpu.vector_load %arg14[%swap3A_1116, %swap3A_1117] {strides = array<i32>} : memref<128x128xf32, #tpu.memory_space<vmem>>, vector<16xf32>,
        tpu.vector_store %arg14[%swap3A_1116, %swap3A_1117], %mul3A_1115 {strides = array<i32>} : memref<128x128xf32, #tpu.memory_space<vmem>>, vector<16xf32>,
        %mul3A_1119 = arith.constant 16 : i32
        %mul3A_1120 = arith.muli %scan3A_159, %mul3A_1119 : i32
        %add3A_1121 = arith.constant 15 : i32
        %add3A_1122 = arith.addi %mul3A_1120, %add3A_1121 : i32
        %slice3A_1123 = vector.extract_strided_slice %get3A_165 {offsets = [15], sizes = [1], strides = [1]} : vector<16xf32> to vector<1xf32>
        %squeeze3A_1124 = vector.extract %slice3A_1123[0] : f32 from vector<1xf32>
        %broadcast_in_dim3A_1125 = vector.broadcast %squeeze3A_1124 : f32 to vector<16xf32>
        %get3A_1126 = arith.index_cast %add3A_1122 : i32 to index
        %get3A_1127 = arith.constant 0 : index
        %get3A_1128 = tpu.vector_load %arg14[%get3A_1126, %get3A_1127] {strides = array<i32>} : memref<128x128xf32, #tpu.memory_space<vmem>>, vector<16xf32>,
        %mul3A_1129 = arith.mulf %get3A_1128, %broadcast_in_dim3A_1125 : vector<16xf32>
        %swap3A_1130 = arith.index_cast %add3A_1122 : i32 to index
        %swap3A_1131 = arith.constant 0 : index
        %swap3A_1132 = tpu.vector_load %arg14[%swap3A_1130, %swap3A_1131] {strides = array<i32>} : memref<128x128xf32, #tpu.memory_space<vmem>>, vector<16xf32>,
        tpu.vector_store %arg14[%swap3A_1130, %swap3A_1131], %mul3A_1129 {strides = array<i32>} : memref<128x128xf32, #tpu.memory_space<vmem>>, vector<16xf32>,
        %get3A_1133 = arith.index_cast %add3A_1122 : i32 to index
        %get3A_1134 = arith.constant 16 : index
        %get3A_1135 = tpu.vector_load %arg14[%get3A_1133, %get3A_1134] {strides = array<i32>} : memref<128x128xf32, #tpu.memory_space<vmem>>, vector<16xf32>,
        %mul3A_1136 = arith.mulf %get3A_1135, %broadcast_in_dim3A_1125 : vector<16xf32>
        %swap3A_1137 = arith.index_cast %add3A_1122 : i32 to index
        %swap3A_1138 = arith.constant 16 : index
        %swap3A_1139 = tpu.vector_load %arg14[%swap3A_1137, %swap3A_1138] {strides = array<i32>} : memref<128x128xf32, #tpu.memory_space<vmem>>, vector<16xf32>,
        tpu.vector_store %arg14[%swap3A_1137, %swap3A_1138], %mul3A_1136 {strides = array<i32>} : memref<128x128xf32, #tpu.memory_space<vmem>>, vector<16xf32>,
        %get3A_1140 = arith.index_cast %add3A_1122 : i32 to index
        %get3A_1141 = arith.constant 32 : index
        %get3A_1142 = tpu.vector_load %arg14[%get3A_1140, %get3A_1141] {strides = array<i32>} : memref<128x128xf32, #tpu.memory_space<vmem>>, vector<16xf32>,
        %mul3A_1143 = arith.mulf %get3A_1142, %broadcast_in_dim3A_1125 : vector<16xf32>
        %swap3A_1144 = arith.index_cast %add3A_1122 : i32 to index
        %swap3A_1145 = arith.constant 32 : index
        %swap3A_1146 = tpu.vector_load %arg14[%swap3A_1144, %swap3A_1145] {strides = array<i32>} : memref<128x128xf32, #tpu.memory_space<vmem>>, vector<16xf32>,
        tpu.vector_store %arg14[%swap3A_1144, %swap3A_1145], %mul3A_1143 {strides = array<i32>} : memref<128x128xf32, #tpu.memory_space<vmem>>, vector<16xf32>,
        %get3A_1147 = arith.index_cast %add3A_1122 : i32 to index
        %get3A_1148 = arith.constant 48 : index
        %get3A_1149 = tpu.vector_load %arg14[%get3A_1147, %get3A_1148] {strides = array<i32>} : memref<128x128xf32, #tpu.memory_space<vmem>>, vector<16xf32>,
        %mul3A_1150 = arith.mulf %get3A_1149, %broadcast_in_dim3A_1125 : vector<16xf32>
        %swap3A_1151 = arith.index_cast %add3A_1122 : i32 to index
        %swap3A_1152 = arith.constant 48 : index
        %swap3A_1153 = tpu.vector_load %arg14[%swap3A_1151, %swap3A_1152] {strides = array<i32>} : memref<128x128xf32, #tpu.memory_space<vmem>>, vector<16xf32>,
        tpu.vector_store %arg14[%swap3A_1151, %swap3A_1152], %mul3A_1150 {strides = array<i32>} : memref<128x128xf32, #tpu.memory_space<vmem>>, vector<16xf32>,
        %get3A_1154 = arith.index_cast %add3A_1122 : i32 to index
        %get3A_1155 = arith.constant 64 : index
        %get3A_1156 = tpu.vector_load %arg14[%get3A_1154, %get3A_1155] {strides = array<i32>} : memref<128x128xf32, #tpu.memory_space<vmem>>, vector<16xf32>,
        %mul3A_1157 = arith.mulf %get3A_1156, %broadcast_in_dim3A_1125 : vector<16xf32>
        %swap3A_1158 = arith.index_cast %add3A_1122 : i32 to index
        %swap3A_1159 = arith.constant 64 : index
        %swap3A_1160 = tpu.vector_load %arg14[%swap3A_1158, %swap3A_1159] {strides = array<i32>} : memref<128x128xf32, #tpu.memory_space<vmem>>, vector<16xf32>,
        tpu.vector_store %arg14[%swap3A_1158, %swap3A_1159], %mul3A_1157 {strides = array<i32>} : memref<128x128xf32, #tpu.memory_space<vmem>>, vector<16xf32>,
        %get3A_1161 = arith.index_cast %add3A_1122 : i32 to index
        %get3A_1162 = arith.constant 80 : index
        %get3A_1163 = tpu.vector_load %arg14[%get3A_1161, %get3A_1162] {strides = array<i32>} : memref<128x128xf32, #tpu.memory_space<vmem>>, vector<16xf32>,
        %mul3A_1164 = arith.mulf %get3A_1163, %broadcast_in_dim3A_1125 : vector<16xf32>
        %swap3A_1165 = arith.index_cast %add3A_1122 : i32 to index
        %swap3A_1166 = arith.constant 80 : index
        %swap3A_1167 = tpu.vector_load %arg14[%swap3A_1165, %swap3A_1166] {strides = array<i32>} : memref<128x128xf32, #tpu.memory_space<vmem>>, vector<16xf32>,
        tpu.vector_store %arg14[%swap3A_1165, %swap3A_1166], %mul3A_1164 {strides = array<i32>} : memref<128x128xf32, #tpu.memory_space<vmem>>, vector<16xf32>,
        %get3A_1168 = arith.index_cast %add3A_1122 : i32 to index
        %get3A_1169 = arith.constant 96 : index
        %get3A_1170 = tpu.vector_load %arg14[%get3A_1168, %get3A_1169] {strides = array<i32>} : memref<128x128xf32, #tpu.memory_space<vmem>>, vector<16xf32>,
        %mul3A_1171 = arith.mulf %get3A_1170, %broadcast_in_dim3A_1125 : vector<16xf32>
        %swap3A_1172 = arith.index_cast %add3A_1122 : i32 to index
        %swap3A_1173 = arith.constant 96 : index
        %swap3A_1174 = tpu.vector_load %arg14[%swap3A_1172, %swap3A_1173] {strides = array<i32>} : memref<128x128xf32, #tpu.memory_space<vmem>>, vector<16xf32>,
        tpu.vector_store %arg14[%swap3A_1172, %swap3A_1173], %mul3A_1171 {strides = array<i32>} : memref<128x128xf32, #tpu.memory_space<vmem>>, vector<16xf32>,
        %get3A_1175 = arith.index_cast %add3A_1122 : i32 to index
        %get3A_1176 = arith.constant 112 : index
        %get3A_1177 = tpu.vector_load %arg14[%get3A_1175, %get3A_1176] {strides = array<i32>} : memref<128x128xf32, #tpu.memory_space<vmem>>, vector<16xf32>,
        %mul3A_1178 = arith.mulf %get3A_1177, %broadcast_in_dim3A_1125 : vector<16xf32>
        %swap3A_1179 = arith.index_cast %add3A_1122 : i32 to index
        %swap3A_1180 = arith.constant 112 : index
        %swap3A_1181 = tpu.vector_load %arg14[%swap3A_1179, %swap3A_1180] {strides = array<i32>} : memref<128x128xf32, #tpu.memory_space<vmem>>, vector<16xf32>,
        tpu.vector_store %arg14[%swap3A_1179, %swap3A_1180], %mul3A_1178 {strides = array<i32>} : memref<128x128xf32, #tpu.memory_space<vmem>>, vector<16xf32>,
      }
      %scan3A_158 = arith.constant 8 : i32
      "tpu.region"() ({
        %run_scoped3A = tpu.sem_alloc : memref<!tpu.dma_semaphore, #tpu.memory_space<semaphore_mem>>
        %dma_start3A_159 = arith.constant 0 : i32
        %dma_start3A_160 = arith.constant 0 : i32
        %dma_start3A_161 = tpu.memref_slice %arg18[%dma_start3A_159, %dma_start3A_160] : memref<5120x128xf32, #tpu.memory_space<vmem_shared>> -> memref<5120x128xf32, #tpu.memory_space<vmem_shared>>
        tpu.enqueue_indirect_dma source(%arg14 : memref<128x128xf32, #tpu.memory_space<vmem>>) target(%dma_start3A_161 : memref<5120x128xf32, #tpu.memory_space<vmem_shared>>) offsets(%arg15 : memref<128xi32, #tpu.memory_space<vmem>>) semaphore(%run_scoped3A : memref<!tpu.dma_semaphore, #tpu.memory_space<semaphore_mem>>) {add = true}
        %dma_wait3A_162 = arith.constant 0 : i32
        %dma_wait3A_163 = arith.constant 0 : i32
        %dma_wait3A_164 = tpu.memref_slice %arg18[%dma_wait3A_162, %dma_wait3A_163] : memref<5120x128xf32, #tpu.memory_space<vmem_shared>> -> memref<5120x128xf32, #tpu.memory_space<vmem_shared>>
        tpu.wait_indirect_dma semaphore(%run_scoped3A : memref<!tpu.dma_semaphore, #tpu.memory_space<semaphore_mem>>) src(%arg14 : memref<128x128xf32, #tpu.memory_space<vmem>>) dst(%dma_wait3A_164 : memref<5120x128xf32, #tpu.memory_space<vmem_shared>>)
        tpu.yield
      }) : () -> ()
      "tpu.region"() ({
        %run_scoped3A = tpu.sem_alloc : memref<!tpu.dma_semaphore, #tpu.memory_space<semaphore_mem>>
        %dma_start3A_159 = arith.constant 0 : i32
        %dma_start3A_160 = tpu.memref_slice %arg19[%dma_start3A_159] : memref<5120xf32, #tpu.memory_space<vmem_shared>> -> memref<5120xf32, #tpu.memory_space<vmem_shared>>
        tpu.enqueue_indirect_dma source(%arg16 : memref<128xf32, #tpu.memory_space<vmem>>) target(%dma_start3A_160 : memref<5120xf32, #tpu.memory_space<vmem_shared>>) offsets(%arg15 : memref<128xi32, #tpu.memory_space<vmem>>) semaphore(%run_scoped3A : memref<!tpu.dma_semaphore, #tpu.memory_space<semaphore_mem>>) {add = true}
        %dma_wait3A_161 = arith.constant 0 : i32
        %dma_wait3A_162 = tpu.memref_slice %arg19[%dma_wait3A_161] : memref<5120xf32, #tpu.memory_space<vmem_shared>> -> memref<5120xf32, #tpu.memory_space<vmem_shared>>
        tpu.wait_indirect_dma semaphore(%run_scoped3A : memref<!tpu.dma_semaphore, #tpu.memory_space<semaphore_mem>>) src(%arg16 : memref<128xf32, #tpu.memory_space<vmem>>) dst(%dma_wait3A_162 : memref<5120xf32, #tpu.memory_space<vmem_shared>>)
        tpu.yield
      }) : () -> ()
    }
    %barrier3A_139 = arith.constant 0 : index
    tpu.barrier barrier_id(%barrier3A_139)
    %mul3A_140 = arith.constant 320 : i32
    %mul3A_141 = arith.muli %arg1, %mul3A_140 : i32
    %add3A_142 = arith.addi %mul3A_0, %mul3A_141 : i32
    "tpu.region"() ({
      %run_scoped3A = tpu.sem_alloc : memref<!tpu.dma_semaphore, #tpu.memory_space<semaphore_mem>>
      %dma_start3A = arith.constant 0 : i32
      %dma_start3A_144 = tpu.memref_slice %arg6[%add3A_142, %dma_start3A] : memref<10240x128xf32, #tpu.memory_space<hbm>> -> memref<320x128xf32, #tpu.memory_space<hbm>>
      %dma_start3A_145 = arith.constant 0 : i32
      %dma_start3A_146 = tpu.memref_slice %arg18[%mul3A_141, %dma_start3A_145] : memref<5120x128xf32, #tpu.memory_space<vmem_shared>> -> memref<320x128xf32, #tpu.memory_space<vmem_shared>>
      tpu.enqueue_dma source(%dma_start3A_146 : memref<320x128xf32, #tpu.memory_space<vmem_shared>>) target(%dma_start3A_144 : memref<320x128xf32, #tpu.memory_space<hbm>>) target_semaphore(%run_scoped3A : memref<!tpu.dma_semaphore, #tpu.memory_space<semaphore_mem>>)
      %dma_wait3A = arith.constant 0 : i32
      %dma_wait3A_147 = tpu.memref_slice %arg6[%add3A_142, %dma_wait3A] : memref<10240x128xf32, #tpu.memory_space<hbm>> -> memref<320x128xf32, #tpu.memory_space<hbm>>
      %dma_wait3A_148 = arith.constant 0 : i32
      %dma_wait3A_149 = tpu.memref_slice %arg18[%mul3A_141, %dma_wait3A_148] : memref<5120x128xf32, #tpu.memory_space<vmem_shared>> -> memref<320x128xf32, #tpu.memory_space<vmem_shared>>
      tpu.wait_dma2 semaphore(%run_scoped3A : memref<!tpu.dma_semaphore, #tpu.memory_space<semaphore_mem>>) src(%dma_wait3A_149 : memref<320x128xf32, #tpu.memory_space<vmem_shared>>) dst(%dma_wait3A_147 : memref<320x128xf32, #tpu.memory_space<hbm>>)
      tpu.yield
    }) : () -> ()
    %add3A_143 = arith.addi %mul3A_0, %mul3A_141 : i32
    "tpu.region"() ({
      %run_scoped3A = tpu.sem_alloc : memref<!tpu.dma_semaphore, #tpu.memory_space<semaphore_mem>>
      %dma_start3A = tpu.memref_slice %arg7[%add3A_143] : memref<10240xf32, #tpu.memory_space<hbm>> -> memref<320xf32, #tpu.memory_space<hbm>>
      %dma_start3A_144 = tpu.memref_slice %arg19[%mul3A_141] : memref<5120xf32, #tpu.memory_space<vmem_shared>> -> memref<320xf32, #tpu.memory_space<vmem_shared>>
      tpu.enqueue_dma source(%dma_start3A_144 : memref<320xf32, #tpu.memory_space<vmem_shared>>) target(%dma_start3A : memref<320xf32, #tpu.memory_space<hbm>>) target_semaphore(%run_scoped3A : memref<!tpu.dma_semaphore, #tpu.memory_space<semaphore_mem>>)
      %dma_wait3A = tpu.memref_slice %arg7[%add3A_143] : memref<10240xf32, #tpu.memory_space<hbm>> -> memref<320xf32, #tpu.memory_space<hbm>>
      %dma_wait3A_145 = tpu.memref_slice %arg19[%mul3A_141] : memref<5120xf32, #tpu.memory_space<vmem_shared>> -> memref<320xf32, #tpu.memory_space<vmem_shared>>
      tpu.wait_dma2 semaphore(%run_scoped3A : memref<!tpu.dma_semaphore, #tpu.memory_space<semaphore_mem>>) src(%dma_wait3A_145 : memref<320xf32, #tpu.memory_space<vmem_shared>>) dst(%dma_wait3A : memref<320xf32, #tpu.memory_space<hbm>>)
      tpu.yield
    }) : () -> ()
    return
  }
}

module attributes {stable_mosaic.version = 14 : i64} {
  func.func @_tc_body(%arg0: i32, %arg1: memref<1024x128xf32, #tpu.memory_space<vmem>>, %arg2: memref<1024x1xf32, #tpu.memory_space<vmem>>, %arg3: memref<1024x128xf32, #tpu.memory_space<vmem>>, %arg4: memref<128x128xf32, #tpu.memory_space<vmem>>, %arg5: memref<1x128xf32, #tpu.memory_space<vmem>>, %arg6: memref<1024x128xf32, #tpu.memory_space<vmem>>) attributes {dimension_semantics = [#tpu.dimension_semantics<arbitrary>], iteration_bounds = array<i64: 10>, scalar_prefetch = 0 : i64, scratch_operands = 0 : i64, tpu.core_type = #tpu.core_type<tc>, window_params = [{transform_indices = @transform_0, window_bounds = array<i64: 1024, 128>}, {transform_indices = @transform_1, window_bounds = array<i64: 1024, 1>}, {transform_indices = @transform_2, window_bounds = array<i64: 1024, 128>}, {pipeline_mode = #tpu.pipeline_mode<synchronous>, transform_indices = @transform_3, window_bounds = array<i64: 128, 128>}, {pipeline_mode = #tpu.pipeline_mode<synchronous>, transform_indices = @transform_4, window_bounds = array<i64: 1, 128>}, {transform_indices = @transform_5, window_bounds = array<i64: 1024, 128>}]} {
    %get3A = arith.constant 0 : index
    %get3A_0 = arith.constant 0 : index
    %get3A_1 = vector.load %arg1[%get3A, %get3A_0] : memref<1024x128xf32, #tpu.memory_space<vmem>>, vector<1024x128xf32>
    %get3A_2 = arith.constant 0 : index
    %get3A_3 = arith.constant 0 : index
    %get3A_4 = vector.load %arg2[%get3A_2, %get3A_3] : memref<1024x1xf32, #tpu.memory_space<vmem>>, vector<1024x1xf32>
    %div3A = vector.broadcast %get3A_4 : vector<1024x1xf32> to vector<1024x128xf32>
    %div3A_5 = arith.divf %get3A_1, %div3A : vector<1024x128xf32>
    %get3A_6 = arith.constant 0 : index
    %get3A_7 = arith.constant 0 : index
    %get3A_8 = vector.load %arg4[%get3A_6, %get3A_7] : memref<128x128xf32, #tpu.memory_space<vmem>>, vector<128x128xf32>
    %dot_general3A = arith.constant dense<0.000000e+00> : vector<1024x128xf32>
    %dot_general3A_9 = tpu.matmul %div3A_5, %get3A_8, %dot_general3A {dimension_numbers = #tpu.dot_dimension_numbers<[1], [1], [0], [0], [0, 0, 1, 0], [], []>, transpose_lhs_hint = false} : vector<1024x128xf32>, vector<128x128xf32>, vector<1024x128xf32> -> vector<1024x128xf32>
    %get3A_10 = arith.constant 0 : index
    %get3A_11 = arith.constant 0 : index
    %get3A_12 = vector.load %arg3[%get3A_10, %get3A_11] : memref<1024x128xf32, #tpu.memory_space<vmem>>, vector<1024x128xf32>
    %get3A_13 = arith.constant 0 : index
    %get3A_14 = arith.constant 0 : index
    %get3A_15 = vector.load %arg5[%get3A_13, %get3A_14] : memref<1x128xf32, #tpu.memory_space<vmem>>, vector<1x128xf32>
    %add3A = vector.broadcast %get3A_15 : vector<1x128xf32> to vector<1024x128xf32>
    %add3A_16 = arith.addf %dot_general3A_9, %add3A : vector<1024x128xf32>
    %max3A = arith.constant 0.000000e+00 : f32
    %max3A_17 = vector.broadcast %max3A : f32 to vector<1024x128xf32>
    %max3A_18 = arith.maximumf %add3A_16, %max3A_17 : vector<1024x128xf32>
    %add3A_19 = arith.addf %get3A_12, %max3A_18 : vector<1024x128xf32>
    %swap3A = arith.constant 0 : index
    %swap3A_20 = arith.constant 0 : index
    %swap3A_21 = vector.load %arg6[%swap3A, %swap3A_20] : memref<1024x128xf32, #tpu.memory_space<vmem>>, vector<1024x128xf32>
    tpu.vector_store %arg6[%swap3A, %swap3A_20], %add3A_19 {strides = array<i32>} : memref<1024x128xf32, #tpu.memory_space<vmem>>, vector<1024x128xf32>,
    return
  }
  func.func @transform_0(%arg0: i32) -> (i32, i32) {
    %c0_i32 = arith.constant 0 : i32
    %c0_i32_0 = arith.constant 0 : i32
    return %arg0, %c0_i32 : i32, i32
  }
  func.func @transform_1(%arg0: i32) -> (i32, i32) {
    %c0_i32 = arith.constant 0 : i32
    %c0_i32_0 = arith.constant 0 : i32
    return %arg0, %c0_i32 : i32, i32
  }
  func.func @transform_2(%arg0: i32) -> (i32, i32) {
    %c0_i32 = arith.constant 0 : i32
    %c0_i32_0 = arith.constant 0 : i32
    return %arg0, %c0_i32 : i32, i32
  }
  func.func @transform_3(%arg0: i32) -> (i32, i32) {
    %c0_i32 = arith.constant 0 : i32
    %c0_i32_0 = arith.constant 0 : i32
    %c0_i32_1 = arith.constant 0 : i32
    return %c0_i32, %c0_i32_0 : i32, i32
  }
  func.func @transform_4(%arg0: i32) -> (i32, i32) {
    %c0_i32 = arith.constant 0 : i32
    %c0_i32_0 = arith.constant 0 : i32
    %c0_i32_1 = arith.constant 0 : i32
    return %c0_i32, %c0_i32_0 : i32, i32
  }
  func.func @transform_5(%arg0: i32) -> (i32, i32) {
    %c0_i32 = arith.constant 0 : i32
    %c0_i32_0 = arith.constant 0 : i32
    return %arg0, %c0_i32 : i32, i32
  }
}

</mosaic_0001>

<sc_bundles>
// kernel: kernel.4.cloned.1.call-start
scs
__scs_entry_jumppad:
0x0: {  	(pc) =	sbr.rel $0x88, $3  }
0x1: {  	(tag) =	ssettag $0x0;
	lr =	simm.s32 $0x1  }
0x2: {  	[smem:$0x3F9C] =	sst lr;
	_ =	strace $0xD0000000  }
0x3: {  	_ = 	snop  }
0x4: {  	_ = 	snop  }
0x5: {  	_ = 	snop  }
0x6: {  	_ = 	snop  }
0x7: {  	_ = 	snop  }
__scs_overlays_trampoline_lowered:
0x8: {  	[smem:$0x3FAB] =	sst s0  }
0x9: {  	[smem:$0x3FAC] =	sst s1  }
0xa: {  	[smem:$0x3FAD] =	sst s2  }
0xb: {  	[smem:$0x3FAE] =	sst s3  }
0xc: {  	[smem:$0x3FAF] =	sst s4  }
0xd: {  	[smem:$0x3FB0] =	sst s5  }
0xe: {  	[smem:$0x3FB1] =	sst s6  }
0xf: {  	[smem:$0x3FB2] =	sst s7  }
0x10: {  	[smem:$0x3FB3] =	sst s8  }
0x11: {  	[smem:$0x3FB4] =	sst s9;
	s0 =	simm.s32 @!p0 $0x0  }
0x12: {  	s1 =	sld [smem:$0x3F9A];
	s0 =	simm.s32 @p0 $0x1  }
0x13: {  	[smem:$0x3FB5] =	sst s0;
	s0 =	simm.s32 @!p1 $0x0  }
0x14: {  	s2 =	sld [smem:$0x3F99];
	s0 =	simm.s32 @p1 $0x1  }
0x15: {  	[smem:$0x3FB6] =	sst s0;
	s0 =	simm.s32 @!p2 $0x0  }
0x16: {  	s3 =	sld [smem:$0x3FDB];
	s0 =	simm.s32 @p2 $0x1  }
0x17: {  	s4 =	simm.s32 $0x1BF5;
	[smem:$0x3FB8] =	sst s0  }
0x18: {  	s0 =	sld [smem:$0x3F9B];
	_ =	swait.ge [sflag:s4], $0x0  }
0x19: {  	s7 =	sld [smem:$0x3F9C]  }
0x1a: {  	s8 =	sadd.s32 $0xFFFFE003, lr  }
0x1b: {  	s9 =	sadd.s32 $0xFFFFFEF7, lr;
	s5 =	simm.s32 $0xFFFFFFFF;
	p2 =	slt.u32 s8, $0xFFFFF086  }
0x1c: {  	p1 =	slt.u32 s9, $0xF7A;
	s5 =	simm.s32 @!p2 $0x0  }
0x1d: {  	s5 =	simm.s32 @p1 $0x1;
	p0 =	seq.s32 s7, s2  }
0x1e: {  	s7 =	smul.u32 @!p0 $0xF7A, s2;
	p2 =	seq.s32 @!p0 s5, $0x0  }
0x1f: {  	s9 =	smul.u32 $0xF7A, s1;
	s8 =	simm.s32 @!p0 $0x1BF5;
	p2 =	por !p2, p0  }
0x20: {  	[sflag:s8] =	ssyncset.s32 @!p0 $0xFFFFF086;
	s6 =	sadd.s32 @!p0 s3, s7;
	s7 =	simm.s32 @!p0 $0x108  }
0x21: {  	s3 =	sadd.s32 s3, s9;
	s6 =	sadd.s32 @!p0 $0x88, s6;
	s7 =	simm.s32 @p2 $0x1082  }
0x22: {  	[simem:s7], [sflag:s8] =	dma.local @!p0 [hbm:s6], $0xF7A  }
0x23: {  	s9 =	sor.u32 $0xD0000000, s2;
	s6 =	simm.s32 $0x108;
	_ =	swait.ge @!p0 [sflag:s8], $0x0  }
0x24: {  	s3 =	sadd.s32 $0x88, s3;
	s6 =	simm.s32 @!p1 $0x1082;
	[sflag:s4] =	ssyncset.s32 $0xFFFFF086  }
0x25: {  	[simem:s6], [sflag:s4] =	dma.local [hbm:s3], $0xF7A  }
0x26: {  	[smem:$0x3F9C] =	sst s1;
	(tag) =	ssettag s2;
	_ =	strace s9  }
0x27: {  	s1 =	sld [smem:$0x3FAC]  }
0x28: {  	s2 =	sld [smem:$0x3FAD]  }
0x29: {  	s4 =	sld [smem:$0x3FAF]  }
0x2a: {  	p0 =	seq.s32 s5, $0x0;
	s5 =	sld [smem:$0x3FB0]  }
0x2b: {  	s6 =	sld [smem:$0x3FB1]  }
0x2c: {  	s7 =	sld [smem:$0x3FB2]  }
0x2d: {  	s3 =	simm.s32 $0x108;
	s8 =	sld [smem:$0x3FB3]  }
0x2e: {  	s3 =	simm.s32 @!p0 $0x1082;
	s9 =	sld [smem:$0x3FB4]  }
0x2f: {  	lr =	sadd.s32 s0, s3;
	s0 =	sld [smem:$0x3FAB]  }
0x30: {  	s3 =	sld [smem:$0x3FAE]  }
0x31: {  	[smem:$0x3FB7] =	sst s10  }
0x32: {  	s10 =	sld [smem:$0x3FB5];
	_ =	sdelay $0x3  }
0x33: {  	p0 =	seq.s32 s10, $0x1;
	s10 =	sld [smem:$0x3FB7];
	_ =	sdelay $0x3  }
0x34: {  	[smem:$0x3FB7] =	sst s10  }
0x35: {  	s10 =	sld [smem:$0x3FB6];
	_ =	sdelay $0x3  }
0x36: {  	p1 =	seq.s32 s10, $0x1;
	s10 =	sld [smem:$0x3FB7];
	_ =	sdelay $0x3  }
0x37: {  	[smem:$0x3FB7] =	sst s10  }
0x38: {  	s10 =	sld [smem:$0x3FB8]  }
0x39: {  	_ = 	snop;
	(pc) =	sbr.ind lr, $3  }
0x3a: {  	_ = 	snop  }
0x3b: {  	_ = 	snop  }
0x3c: {  	p2 =	seq.s32 s10, $0x1;
	s10 =	sld [smem:$0x3FB7]  }
0x3d: {  	_ =	shalt  }
0x3e: {  	_ =	shalt  }
0x3f: {  	_ =	shalt  }
0x40: {  	_ =	shalt  }
0x41: {  	_ =	shalt  }
0x42: {  	_ =	shalt  }
0x43: {  	_ =	shalt  }
0x44: {  	_ =	shalt  }
0x45: {  	_ =	shalt  }
0x46: {  	_ =	shalt  }
0x47: {  	_ =	shalt  }
0x48: {  	_ =	shalt  }
0x49: {  	_ =	shalt  }
0x4a: {  	_ =	shalt  }
0x4b: {  	_ =	shalt  }
0x4c: {  	_ =	shalt  }
0x4d: {  	_ =	shalt  }
0x4e: {  	_ =	shalt  }
0x4f: {  	_ =	shalt  }
0x50: {  	_ =	shalt  }
0x51: {  	_ =	shalt  }
0x52: {  	_ =	shalt  }
0x53: {  	_ =	shalt  }
0x54: {  	_ =	shalt  }
0x55: {  	_ =	shalt  }
0x56: {  	_ =	shalt  }
0x57: {  	_ =	shalt  }
0x58: {  	_ =	shalt  }
0x59: {  	_ =	shalt  }
0x5a: {  	_ =	shalt  }
0x5b: {  	_ =	shalt  }
0x5c: {  	_ =	shalt  }
0x5d: {  	_ =	shalt  }
0x5e: {  	_ =	shalt  }
0x5f: {  	_ =	shalt  }
0x60: {  	_ =	shalt  }
0x61: {  	_ =	shalt  }
0x62: {  	_ =	shalt  }
0x63: {  	_ =	shalt  }
0x64: {  	_ =	shalt  }
0x65: {  	_ =	shalt  }
0x66: {  	_ =	shalt  }
0x67: {  	_ =	shalt  }
0x68: {  	_ =	shalt  }
0x69: {  	_ =	shalt  }
0x6a: {  	_ =	shalt  }
0x6b: {  	_ =	shalt  }
0x6c: {  	_ =	shalt  }
0x6d: {  	_ =	shalt  }
0x6e: {  	_ =	shalt  }
0x6f: {  	_ =	shalt  }
0x70: {  	_ =	shalt  }
0x71: {  	_ =	shalt  }
0x72: {  	_ =	shalt  }
0x73: {  	_ =	shalt  }
0x74: {  	_ =	shalt  }
0x75: {  	_ =	shalt  }
0x76: {  	_ =	shalt  }
0x77: {  	_ =	shalt  }
0x78: {  	_ =	shalt  }
0x79: {  	_ =	shalt  }
0x7a: {  	_ =	shalt  }
0x7b: {  	_ =	shalt  }
0x7c: {  	_ =	shalt  }
0x7d: {  	_ =	shalt  }
0x7e: {  	_ =	shalt  }
0x7f: {  	_ =	shalt  }
0x80: {  	_ =	shalt  }
0x81: {  	_ =	shalt  }
0x82: {  	_ =	shalt  }
0x83: {  	_ =	shalt  }
0x84: {  	_ =	shalt  }
0x85: {  	_ =	shalt  }
0x86: {  	_ =	shalt  }
0x87: {  	_ =	shalt  }
.Lfunc_end0:
.L_simem_size_0:
called_computation_lowered:
.L_overlay_start_0:
0x88: {  	s2 =	sld [smem:$0x3FD9]  }
0x89: {  	s3 =	sld [smem:$0x3FFE];
	_ =	sdelay $0x1  }
0x8a: {  	s1 =	srdreg.scid  }
0x8b: {  	s0 =	sand.u32 $0x1, s1  }
0x8c: {  	s17 =	sshll.u32 s0, $0xA;
	s2 =	sadd.s32 s3, s2  }
0x8d: {  	s2 =	sadd.s32 s2, s17  }
0x8e: {  	[smem:$0x3FC3] =	sst s2  }
0x8f: {  	_ = 	snop  }
0x90: {  	s2 =	sld [smem:$0x3FC9]  }
0x91: {  	s18 =	sld [smem:$0x3FC7]  }
0x92: {  	s4 =	sld [smem:$0x3FD0];
	(tm) =	ssettm $0x1  }
0x93: {  	s5 =	sld [smem:$0x3FFB];
	_ =	sdelay $0x3  }
0x94: {  	_ =	strace s5  }
0x95: {  	s5 =	sld [smem:$0x3FFC];
	_ =	sdelay $0x3  }
0x96: {  	_ =	strace s5  }
0x97: {  	s5 =	sld [smem:$0x3FFD];
	_ =	sdelay $0x3  }
0x98: {  	_ =	strace s5  }
0x99: {  	_ =	strace $0x8FFFFFFF  }
0x9a: {  	s19 =	sld [smem:$0x3FDB];
	_ =	sdelay $0x1  }
0x9b: {  	s6 =	simm.s32 $_scs_section_size  }
0x9c: {  	s7 =	simm.s32 $_size__tile_overlayer_lowered;
	s8 =	simm.s32 $_tile_overlayer_lowered  }
0x9d: {  	s22 =	simm.s32 $0x1BFF;
	s21 =	sshll.u32 s8, $0x1;
	s5 =	sadd.s32 s6, s19  }
0x9e: {  	s9 =	simm.s32 $0x0;
	s20 =	sshll.u32 s7, $0x1;
	s7 =	sadd.s32 s21, s5  }
0x9f: {  	[timem:s9], [sflag:s22] =	dma.local [hbm:s7], s20  }
0xa0: {  	_ =	swait.ge [sflag:s22], s20  }
0xa1: {  	s6 =	ssub.s32 $0x0, s20;
	[sflag:s22] =	ssyncset.done $0x0  }
0xa2: {  	[sflag:s22] =	ssyncadd.s32 s6;
	_ =	sdelay $0x1  }
0xa3: {  	s23 =	simm.s32 $0x1B8B  }
0xa4: {  	_ =	swait.ge [sflag:s23], $0x1  }
0xa5: {  	[sflag:s23] =	ssyncset.done $0x0  }
0xa6: {  	s25 =	simm.s32 $0x1B8E;
	s24 =	sld [smem:$0x3FFE];
	[sflag:s23] =	ssyncadd.s32 $0xFFFFFFFF  }
0xa7: {  	s26 =	simm.s32 $execute0_lowered;
	[smem:$0x3FD2] =	sst s25  }
0xa8: {  	s7 =	sshll.u32 s26, $0x1;
	_ =	strace $0x80000046;
	[dreg:$0x1] =	wrdreg $0xFFFFFFFF  }
0xa9: {  	s28 =	simm.s32 $_size_execute0_lowered;
	s5 =	sadd.s32 s5, s7;
	[dreg:$0x0] =	wrdreg $0x0  }
0xaa: {  	s7 =	sshll.u32 s28, $0x1;
	[dreg:$0x2] =	wrdreg s5  }
0xab: {  	[dreg:$0x3] =	wrdreg s7  }
0xac: {  	[dreg:$0x4] =	wrdreg $0xC0  }
0xad: {  	_ =	task [dreg:s9], $0x5FFFF  }
0xae: {  	[dreg:$0x1] =	wrdreg $0xFFFFFFFF  }
0xaf: {  	[dreg:$0x0] =	wrdreg $0x60  }
0xb0: {  	[dreg:$0x2] =	wrdreg s2  }
0xb1: {  	[dreg:$0x3] =	wrdreg s24  }
0xb2: {  	[dreg:$0x4] =	wrdreg s4  }
0xb3: {  	[dreg:$0x5] =	wrdreg s18  }
0xb4: {  	[dreg:$0x6] =	wrdreg $0x149B00  }
0xb5: {  	[dreg:$0x7] =	wrdreg $0x1E9B00  }
0xb6: {  	[dreg:$0x8] =	wrdreg $0x9  }
0xb7: {  	_ =	task.clear_ibuf [dreg:s9], $0x9FFFF;
	_ =	strace $0x90000046  }
0xb8: {  	s29 =	simm.s32 $0x9;
	_ =	strace $0x80000048  }
0xb9: {  	_ =	swait.ge [sflag:s29], $0x1  }
0xba: {  	[sflag:s29] =	ssyncadd.s32 $0xFFFFFFFF  }
0xbb: {  	_ =	strace $0x90000048  }
0xbc: {  	_ =	sfence  }
0xbd: {  	s30 =	sld [smem:$0x0];
	_ =	sdelay $0x2  }
0xbe: {  	s31 =	sshll.u32 s1, $0xD;
	s1 =	sshrl.u32 s1, $0x2  }
0xbf: {  	s3 =	sand.u32 $0x4000, s31;
	s1 =	sadd.s32 s1, s30  }
0xc0: {  	s0 =	sor.u32 s3, s0;
	s1 =	sshll.u32 s1, $0x11  }
0xc1: {  	s0 =	sor.u32 s1, s0  }
0xc2: {  	s0 =	sadd.s32 $0x8F2B, s0  }
0xc3: {  	[sflag:s0] =	ssyncadd.remote.s32 $0x1  }
0xc4: {  	_ =	sfence.sel $0xFFFF  }
0xc5: {  	[dreg:$0x0] =	wrdreg $0xFFFFFFFF;
	(pc) =	sbr.abs _section_cstart, $3  }
0xc6: {  	[dreg:$0x1] =	wrdreg $0xFFFFFFFF  }
0xc7: {  	_ =	task.clear_ibuf [dreg:s9], $0x2FFFF;
	_ =	strace $0x9FFFFFFF  }
0xc8: {  	(tm) =	ssettm $0x7FFFFFFF  }
0xc9: {  	_ =	shalt  }
tec
execute0_lowered:
.L_overlay_start_1:
0x0: {  	(tag) =	ssettag $0x1  }
0x1: {  	s0 =	rddreg [dreg:$0x0]  }
0x2: {  	s2 =	rddreg [dreg:$0x1]  }
0x3: {  	s1 =	rddreg [dreg:$0x2]  }
0x4: {  	s3 =	rddreg [dreg:$0x3]  }
0x5: {  	s4 =	srdreg.scid;
	s5 =	rddreg [dreg:$0x4]  }
0x6: {  	s15 =	stileid.u32;
	s6 =	rddreg [dreg:$0x5]  }
0x7: {  	s7 =	simm.s32 $0x0;
	s19 =	simm.s32 $0x10770;
	s20 =	simm.s32 $0x2  }
0x8: {  	s22 =	simm.s32 $0x7D0;
	s28 =	simm.s32 $0x1;
	s29 =	simm.s32 $0x80  }
0x9: {  	s30 =	simm.s32 $0x14770;
	s31 =	simm.s32 $0x147F0;
	s11 =	smul.u32 $0x140, s15  }
0xa: {  	s4 =	sand.u32 $0x1, s4;
	[smem:$0x7FF] =	sst s7;
	s13 =	smul.u32 $0x28000, s15  }
0xb: {  	s8 =	sadd.s32 $0xE00, s2;
	s10 =	smul.u32 $0x1400, s4;
	s4 =	ssub.s32 $0x2, s4  }
0xc: {  	s15 =	smul.u32 $0x4E20, s15;
	_ =	strace $0x80000047;
	s23 =	sshrl.u32 s4, $0x1  }
0xd: {  	s13 =	sshrl.u32 s13, $0x2;
	s14 =	sadd.s32 s11, s6;
	s9 =	sadd.s32 s11, s10  }
0xe: {  	s4 =	ssub.s32 s4, s23;
	s12 =	sshll.u32 s9, $0x4;
	s9 =	sshrl.u32 s9, $0x3  }
0xf: {  	s16 =	sadd.s32 s12, s2;
	s2 =	sadd.s32 s9, s2;
	s9 =	sadd.s32 s13, s5  }
.Ltmp0:
0x10: {  	s23 =	simm.s32 $0xFA0;
	s24 =	sadd.s32 $0x2000, s9;
	(pc) =	sbr.rel .LBB2_1-.Ltmp0, $4  }
0x11: {  	s18 =	smax.u32 s4, $0x1;
	s25 =	sadd.s32 $0x4000, s9;
	[dreg:$0x7] =	wrdreg s24  }
0x12: {  	s26 =	sadd.s32 $0x6000, s9;
	s13 =	sadd.s32 $0x8000, s9;
	[dreg:$0x8] =	wrdreg s25  }
0x13: {  	v0 =	vmov s10;
	s16 =	sadd.s32 $0xB200, s16;
	s17 =	sadd.s32 $0xAC00, s2;
	[dreg:$0x9] =	wrdreg s26  }
0x14: {  	v2 =	vimm.f32 $0.0e+00;
	v3 =	vimm.s32 $0x0;
	v1 =	vadd.s32 $0x1400, v0;
	s24 =	simm.s32 $0x1770;
	s25 =	simm.s32 $0x6770;
	s26 =	simm.s32 $0xB770  }
.LBB2_11:
0x15: {  	s2 =	stileid.u32  }
0x16: {  	s2 =	sshll.u32 s2, $0x6  }
0x17: {  	[bflag:$0x0] =	sbarrier.arrive $0xFFFF;
	s4 =	sshrl.u32 s9, $0x3;
	s2 =	sor.u32 $0x1C02, s2  }
0x18: {  	[hbm:s16], [sflag:s2] =	dma.local [spmem:s4], $0x1400  }
0x19: {  	s7 =	sadd.s32 $0x1, s7;
	_ =	swait.ge [sflag:s20], $0x1400  }
0x1a: {  	p0 =	sne.s32 s7, s18;
	[sflag:s20] =	ssyncset.done $0x0  }
.Ltmp1:
0x1b: {  	s21 =	sshrl.u32 s14, $0x3;
	[sflag:s20] =	ssyncadd.s32 $0xFFFFEC00;
	(pc) =	sbr.rel @!p0 .LBB2_12-.Ltmp1, $4  }
0x1c: {  	[hbm:s17], [sflag:s2] =	dma.local [spmem:s21], $0x28  }
0x1d: {  	_ =	swait.ge [sflag:s20], $0x28  }
0x1e: {  	[sflag:s20] =	ssyncset.done $0x0  }
0x1f: {  	[sflag:s20] =	ssyncadd.s32 $0xFFFFFFD8  }
.LBB2_1:
0x20: {  	s2 =	simm.s32 $0x0;
	s4 =	simm.s32 $0x200  }
.LBB2_2:
0x21: {  	p0 =	sne.s32 s4, $0xFE00;
	[tilespmem:s2+$0x107E0] =	vst v2  }
0x22: {  	[tilespmem:s2+$0x10770] =	vst v2  }
0x23: {  	[tilespmem:s2+$0x10780] =	vst v2  }
.Ltmp2:
0x24: {  	[tilespmem:s2+$0x10790] =	vst v2;
	(pc) =	sbr.rel @p0 .LBB2_2-.Ltmp2, $4  }
0x25: {  	[tilespmem:s2+$0x107A0] =	vst v2  }
0x26: {  	[tilespmem:s2+$0x107B0] =	vst v2  }
0x27: {  	[tilespmem:s2+$0x107C0] =	vst v2  }
0x28: {  	[tilespmem:s2+$0x107D0] =	vst v2;
	s2 =	sshra.s32 s4, $0x2;
	s4 =	sadd.s32 $0x200, s4  }
0x29: {  	[tilespmem:s2+$0x107E0] =	vst v2  }
0x2a: {  	[tilespmem:s2+$0x10770] =	vst v2  }
0x2b: {  	[tilespmem:s2+$0x10780] =	vst v2  }
0x2c: {  	[tilespmem:s2+$0x10790] =	vst v2  }
0x2d: {  	[tilespmem:s2+$0x107A0] =	vst v2  }
0x2e: {  	[tilespmem:s2+$0x107B0] =	vst v2  }
0x2f: {  	[tilespmem:s2+$0x107C0] =	vst v2  }
0x30: {  	[tilespmem:s2+$0x107D0] =	vst v2  }
0x31: {  	[tilespmem:$0x14870] =	vst v2  }
0x32: {  	[tilespmem:$0x14880] =	vst v2  }
0x33: {  	[tilespmem:$0x14890] =	vst v2  }
0x34: {  	[tilespmem:$0x148A0] =	vst v2  }
0x35: {  	[tilespmem:$0x148B0] =	vst v2  }
0x36: {  	[tilespmem:$0x148C0] =	vst v2  }
0x37: {  	[tilespmem:$0x148D0] =	vst v2  }
0x38: {  	[tilespmem:$0x148E0] =	vst v2  }
0x39: {  	[tilespmem:$0x148F0] =	vst v2  }
0x3a: {  	[tilespmem:$0x14900] =	vst v2  }
0x3b: {  	[tilespmem:$0x14910] =	vst v2  }
0x3c: {  	[tilespmem:$0x14920] =	vst v2  }
0x3d: {  	[tilespmem:$0x14930] =	vst v2  }
0x3e: {  	[tilespmem:$0x14940] =	vst v2  }
0x3f: {  	[tilespmem:$0x14950] =	vst v2  }
0x40: {  	[tilespmem:$0x14960] =	vst v2  }
0x41: {  	[tilespmem:$0x14970] =	vst v2  }
0x42: {  	[tilespmem:$0x14980] =	vst v2  }
0x43: {  	[tilespmem:$0x14990] =	vst v2  }
0x44: {  	[tilespmem:$0x149A0] =	vst v2  }
0x45: {  	[spmem:s9] =	stream.linear.scatter [tilespmem:s19], [sflag:$0x2], $0x2000, $0x38;
	[tilespmem:$0x1EAF0] =	vst v63  }
0x46: {  	_ =	swait.ge [sflag:s20], $0x2000  }
0x47: {  	[sflag:s20] =	ssyncset.done $0x0  }
0x48: {  	s10 =	rddreg [dreg:$0x7];
	[sflag:s20] =	ssyncadd.s32 $0xFFFFE000  }
0x49: {  	[spmem:s10] =	stream.linear.scatter [tilespmem:s19], [sflag:$0x2], $0x2000, $0x38;
	[tilespmem:$0x1EAF0] =	vst v63  }
0x4a: {  	_ =	swait.ge [sflag:s20], $0x2000  }
0x4b: {  	[sflag:s20] =	ssyncset.done $0x0  }
0x4c: {  	s11 =	rddreg [dreg:$0x8];
	[sflag:s20] =	ssyncadd.s32 $0xFFFFE000  }
0x4d: {  	[spmem:s11] =	stream.linear.scatter [tilespmem:s19], [sflag:$0x2], $0x2000, $0x38;
	[tilespmem:$0x1EAF0] =	vst v63  }
0x4e: {  	_ =	swait.ge [sflag:s20], $0x2000  }
0x4f: {  	[sflag:s20] =	ssyncset.done $0x0  }
0x50: {  	s12 =	rddreg [dreg:$0x9];
	[sflag:s20] =	ssyncadd.s32 $0xFFFFE000  }
0x51: {  	[spmem:s12] =	stream.linear.scatter [tilespmem:s19], [sflag:$0x2], $0x2000, $0x38;
	[tilespmem:$0x1EAF0] =	vst v63  }
0x52: {  	_ =	swait.ge [sflag:s20], $0x2000  }
0x53: {  	[sflag:s20] =	ssyncset.done $0x0  }
0x54: {  	[sflag:s20] =	ssyncadd.s32 $0xFFFFE000  }
0x55: {  	[spmem:s13] =	stream.linear.scatter [tilespmem:s19], [sflag:$0x2], $0x2000, $0x38;
	[tilespmem:$0x1EAF0] =	vst v63  }
0x56: {  	_ =	swait.ge [sflag:s20], $0x2000  }
0x57: {  	[sflag:s20] =	ssyncset.done $0x0  }
0x58: {  	s21 =	simm.s32 $0x14870;
	[sflag:s20] =	ssyncadd.s32 $0xFFFFE000  }
0x59: {  	[spmem:s14] =	stream.linear.scatter [tilespmem:s21], [sflag:$0x2], $0x140, $0x38;
	[tilespmem:$0x1EAF0] =	vst v63  }
0x5a: {  	_ =	swait.ge [sflag:s20], $0x140  }
0x5b: {  	[sflag:s20] =	ssyncset.done $0x0  }
0x5c: {  	s4 =	simm.s32 $0x0;
	[sflag:s20] =	ssyncadd.s32 $0xFFFFFEC0  }
0x5d: {  	s2 =	simm.s32 $0x0;
	s10 =	simm.s32 $0x0;
	[bflag:$0x0] =	sbarrier.arrive $0xFFFF  }
.LBB2_4:
0x5e: {  	s11 =	smul.u32 $0x7D0, s10;
	_ =	sdelay $0x1  }
0x5f: {  	s11 =	sadd.s32 s15, s11  }
0x60: {  	s11 =	sshrl.u32 s11, $0x3  }
0x61: {  	s21 =	sadd.s32 s8, s11  }
0x62: {  	[tilespmem:s4], [sflag:$0x2] =	stream.linear.gather [hbm4b:s21+s4], $0x7D0, $0x38;
	[tilespmem:$0x1EAF0] =	vst v63  }
0x63: {  	_ =	swait.ge [sflag:s20], $0x7D0  }
0x64: {  	[sflag:s20] =	ssyncset.done $0x0  }
0x65: {  	s12 =	sadd.s32 s1, s11;
	[sflag:s20] =	ssyncadd.s32 $0xFFFFF830  }
0x66: {  	[tilespmem:s22], [sflag:$0x2] =	stream.linear.gather [hbm4b:s12+s4], $0x7D0, $0x38;
	[tilespmem:$0x1EAF0] =	vst v63  }
0x67: {  	_ =	swait.ge [sflag:s20], $0x7D0  }
0x68: {  	[sflag:s20] =	ssyncset.done $0x0  }
0x69: {  	s11 =	sadd.s32 s3, s11;
	[sflag:s20] =	ssyncadd.s32 $0xFFFFF830  }
0x6a: {  	[tilespmem:s23], [sflag:$0x2] =	stream.linear.gather [hbm4b:s11+s4], $0x7D0, $0x38;
	[tilespmem:$0x1EAF0] =	vst v63  }
0x6b: {  	_ =	swait.ge [sflag:s20], $0x7D0  }
0x6c: {  	[sflag:s20] =	ssyncset.done $0x0  }
0x6d: {  	s11 =	simm.s32 $0x0;
	[sflag:s20] =	ssyncadd.s32 $0xFFFFF830  }
0x6e: {  	v4 =	vld [tilespmem:s11+$0x7D0];
	_ =	sdelay $0x4  }
0x6f: {  	vm0 =	vge.s32 v4, v0;
	vm1 =	vlt.s32 v4, v1  }
0x70: {  	vm0 =	vmand vm0, vm1  }
0x71: {  	v5 =	vsel vm0, $0x1, v3  }
0x72: {  	(xrf0) =	vadd.scan.msk.s32 $0xffff, v5;
	_ =	sdelay $0x5  }
0x73: {  	s12 =	sadd.s32 $0xFFFFFFFF, s2;
	v5, _, _ =	vpop (xrf0)  }
0x74: {  	v6 =	vld [tilespmem:s11+$0x0];
	v7 =	vadd.s32 s12, v5;
	(v2sf) =	vpush v5, $0xF;
	_ =	sdelay $0x1  }
0x75: {  	v8 =	vld [tilespmem:s11+$0xFA0];
	_ =	sdelay $0x2  }
0x76: {  	v4 =	vsub.s32 v4, v0;
	[tilespmem:v7+s24+$0x0] =	vst.idx.msk vm0, v6  }
0x77: {  	[tilespmem:v7+s25+$0x0] =	vst.idx.msk vm0, v4  }
0x78: {  	s21 =	simm.s32 $0x10;
	s11 =	simm.s32 $0x80;
	[tilespmem:v7+s26+$0x0] =	vst.idx.msk vm0, v8  }
.LBB2_5:
0x79: {  	p0 =	sne.s32 s11, $0x1F00;
	v4 =	vld [tilespmem:s21+$0x7D0]  }
0x7a: {  	v5 =	vld [tilespmem:s21+$0x0]  }
0x7b: {  	v6 =	vld [tilespmem:s21+$0xFA0];
	_ =	sdelay $0x2  }
0x7c: {  	vm0 =	vge.s32 v4, v0;
	vm1 =	vlt.s32 v4, v1;
	v4 =	vsub.s32 v4, v0  }
0x7d: {  	vm0 =	vmand vm0, vm1  }
0x7e: {  	v7 =	vsel vm0, $0x1, v3;
	s21 =	spop (v2sf)  }
0x7f: {  	(xrf0) =	vadd.scan.msk.s32 $0xffff, v7;
	s2 =	sadd.s32 s2, s21  }
0x80: {  	s21 =	sadd.s32 $0xFFFFFFFF, s2;
	_ =	sdelay $0x4  }
0x81: {  	v7, _, _ =	vpop (xrf0)  }
0x82: {  	v8 =	vadd.s32 s21, v7;
	(v2sf) =	vpush v7, $0xF;
	_ =	sdelay $0x2  }
.Ltmp3:
0x83: {  	(pc) =	sbr.rel @p0 .LBB2_5-.Ltmp3, $4  }
0x84: {  	_ = 	snop  }
0x85: {  	[tilespmem:v8+s24+$0x0] =	vst.idx.msk vm0, v5  }
0x86: {  	[tilespmem:v8+s25+$0x0] =	vst.idx.msk vm0, v4  }
0x87: {  	s21 =	sshra.s32 s11, $0x2;
	s11 =	sadd.s32 $0x40, s11;
	[tilespmem:v8+s26+$0x0] =	vst.idx.msk vm0, v6  }
0x88: {  	v4 =	vld [tilespmem:s21+$0x7D0];
	_ =	sdelay $0x4  }
0x89: {  	vm0 =	vge.s32 v4, v0;
	vm1 =	vlt.s32 v4, v1  }
0x8a: {  	vm0 =	vmand vm0, vm1  }
0x8b: {  	v5 =	vsel vm0, $0x1, v3  }
0x8c: {  	(xrf0) =	vadd.scan.msk.s32 $0xffff, v5;
	_ =	sdelay $0x5  }
0x8d: {  	v5, _, _ =	vpop (xrf0)  }
0x8e: {  	(v2sf) =	vpush v5, $0xF;
	_ =	sdelay $0x5  }
0x8f: {  	s11 =	spop (v2sf)  }
0x90: {  	s2 =	sadd.s32 s2, s11  }
0x91: {  	s11 =	sadd.s32 $0xFFFFFFFF, s2  }
0x92: {  	v6 =	vld [tilespmem:s21+$0x0];
	v5 =	vadd.s32 s11, v5  }
0x93: {  	s10 =	sadd.s32 $0x1, s10  }
0x94: {  	v7 =	vld [tilespmem:s21+$0xFA0];
	p0 =	sne.s32 s10, $0xA  }
.Ltmp4:
0x95: {  	_ = 	snop;
	(pc) =	sbr.rel @p0 .LBB2_4-.Ltmp4, $4  }
0x96: {  	_ = 	snop  }
0x97: {  	v4 =	vsub.s32 v4, v0;
	[tilespmem:v5+s24+$0x0] =	vst.idx.msk vm0, v6  }
0x98: {  	[tilespmem:v5+s25+$0x0] =	vst.idx.msk vm0, v4;
	s21 =	spop (v2sf)  }
0x99: {  	[tilespmem:v5+s26+$0x0] =	vst.idx.msk vm0, v7;
	s2 =	sadd.s32 s2, s21  }
0x9a: {  	[tilespmem:s2+$0x1770] =	vst v3  }
0x9b: {  	[tilespmem:s2+$0x6770] =	vst v3  }
0x9c: {  	[tilespmem:s2+$0xB770] =	vst v2  }
0x9d: {  	[tilespmem:s2+$0x1780] =	vst v3  }
0x9e: {  	[tilespmem:s2+$0x6780] =	vst v3  }
0x9f: {  	[tilespmem:s2+$0xB780] =	vst v2  }
0xa0: {  	[tilespmem:s2+$0x1790] =	vst v3  }
0xa1: {  	[tilespmem:s2+$0x6790] =	vst v3  }
0xa2: {  	[tilespmem:s2+$0xB790] =	vst v2  }
0xa3: {  	[tilespmem:s2+$0x17A0] =	vst v3  }
0xa4: {  	[tilespmem:s2+$0x67A0] =	vst v3  }
0xa5: {  	[tilespmem:s2+$0xB7A0] =	vst v2;
	s4 =	sadd.s32 $0x7F, s2  }
0xa6: {  	[tilespmem:s2+$0x17B0] =	vst v3;
	s10 =	sand.u32 $0x7F, s4  }
0xa7: {  	[tilespmem:s2+$0x67B0] =	vst v3;
	s21 =	sshra.s32 s4, $0x1F;
	p1 =	slt.s32 s4, $0x1;
	p0 =	sne.s32 s10, $0x0  }
0xa8: {  	[tilespmem:s2+$0xB7B0] =	vst v2;
	s10 =	sshrl.u32 s21, $0x19;
	p0 =	por !p1, !p0  }
0xa9: {  	[tilespmem:s2+$0x17C0] =	vst v3;
	s4 =	sadd.s32 s10, s4;
	s10 =	simm.s32 $0x1;
	p0 =	por !p0, !p0  }
0xaa: {  	[tilespmem:s2+$0x67C0] =	vst v3;
	s4 =	sshra.s32 s4, $0x7;
	s10 =	simm.s32 @!p0 $0x0  }
0xab: {  	[tilespmem:s2+$0xB7C0] =	vst v2;
	s4 =	ssub.s32 s4, s10  }
0xac: {  	[tilespmem:s2+$0x17D0] =	vst v3;
	p0 =	slt.s32 s4, $0x1  }
.Ltmp5:
0xad: {  	[tilespmem:s2+$0x67D0] =	vst v3;
	(pc) =	sbr.rel @p0 .LBB2_11-.Ltmp5, $4  }
0xae: {  	[tilespmem:s2+$0xB7D0] =	vst v2  }
0xaf: {  	[tilespmem:s2+$0x17E0] =	vst v3  }
0xb0: {  	[tilespmem:s2+$0x67E0] =	vst v3  }
0xb1: {  	[tilespmem:s2+$0xB7E0] =	vst v2;
	s21 =	simm.s32 $0x0  }
.LBB2_8:
0xb2: {  	s2 =	sshll.u32 s21, $0x7  }
0xb3: {  	s10 =	sadd.s32 $0x1770, s2  }
0xb4: {  	[tilespmem:s19], [sflag:$0x1] =	stream.indirect.gather [hbm4b:s0+s29], $0x80, s10, s29, $0xb8;
	[tilespmem:$0x1EAF0] =	vst v63  }
0xb5: {  	_ =	swait.ge [sflag:s28], $0x4000  }
0xb6: {  	[sflag:s28] =	ssyncset.done $0x0  }
0xb7: {  	s10 =	simm.s32 $0x0;
	[sflag:s28] =	ssyncadd.s32 $0xFFFFC000  }
.LBB2_9:
0xb8: {  	s11 =	sshll.u32 s10, $0x4  }
0xb9: {  	s12 =	sor.u32 s2, s11  }
0xba: {  	v4 =	vld [tilespmem:s12+$0xB770];
	_ =	sdelay $0x4  }
0xbb: {  	[tilespmem:s11+$0x147F0] =	vst v4  }
0xbc: {  	v5 =	vld [tilespmem:s12+$0x6770];
	_ =	sdelay $0x3  }
0xbd: {  	s12 =	sshll.u32 s10, $0xB  }
0xbe: {  	s12 =	sand.u32 $0x3FFFF800, s12;
	[tilespmem:s11+$0x14770] =	vst v5  }
0xbf: {  	v5 =	vld [tilespmem:s12+$0x10770]  }
0xc0: {  	v6 =	vld [tilespmem:s12+$0x10780]  }
0xc1: {  	v7 =	vld [tilespmem:s12+$0x10790]  }
0xc2: {  	v8 =	vbroadcast v4, $0x0;
	v9 =	vld [tilespmem:s12+$0x107A0]  }
0xc3: {  	v10 =	vld [tilespmem:s12+$0x107B0]  }
0xc4: {  	v11 =	vld [tilespmem:s12+$0x107C0];
	v5 =	vmul.f32 v5, v8  }
0xc5: {  	v12 =	vld [tilespmem:s12+$0x107D0];
	v6 =	vmul.f32 v6, v8  }
0xc6: {  	v60 =	vld [tilespmem:s12+$0x107E0];
	[tilespmem:s12+$0x10770] =	vst v5;
	v5 =	vmul.f32 v7, v8  }
0xc7: {  	v62 =	vld [tilespmem:s12+$0x107F0];
	v61 =	vmul.f32 v9, v8;
	[tilespmem:s12+$0x10780] =	vst v6  }
0xc8: {  	v63 =	vld [tilespmem:s12+$0x10800];
	[tilespmem:s12+$0x10790] =	vst v5;
	v5 =	vmul.f32 v10, v8  }
0xc9: {  	v17 =	vld [tilespmem:s12+$0x10810];
	v16 =	vmul.f32 v11, v8;
	[tilespmem:s12+$0x107A0] =	vst v61  }
0xca: {  	v18 =	vbroadcast v4, $0x1;
	v13 =	vld [tilespmem:s12+$0x10820];
	[tilespmem:s12+$0x107B0] =	vst v5;
	v5 =	vmul.f32 v12, v8  }
0xcb: {  	v20 =	vld [tilespmem:s12+$0x10830];
	v19 =	vmul.f32 v60, v8;
	[tilespmem:s12+$0x107C0] =	vst v16  }
0xcc: {  	v21 =	vld [tilespmem:s12+$0x10840];
	[tilespmem:s12+$0x107D0] =	vst v5;
	v5 =	vmul.f32 v62, v18  }
0xcd: {  	v23 =	vld [tilespmem:s12+$0x10850];
	v22 =	vmul.f32 v63, v18;
	[tilespmem:s12+$0x107E0] =	vst v19  }
0xce: {  	v24 =	vld [tilespmem:s12+$0x10860];
	[tilespmem:s12+$0x107F0] =	vst v5;
	v5 =	vmul.f32 v17, v18  }
0xcf: {  	v26 =	vld [tilespmem:s12+$0x10870];
	v25 =	vmul.f32 v13, v18;
	[tilespmem:s12+$0x10800] =	vst v22  }
0xd0: {  	v27 =	vld [tilespmem:s12+$0x10880];
	[tilespmem:s12+$0x10810] =	vst v5;
	v5 =	vmul.f32 v20, v18  }
0xd1: {  	v29 =	vld [tilespmem:s12+$0x10890];
	v28 =	vmul.f32 v21, v18;
	[tilespmem:s12+$0x10820] =	vst v25  }
0xd2: {  	v30 =	vbroadcast v4, $0x2;
	v31 =	vld [tilespmem:s12+$0x108A0];
	[tilespmem:s12+$0x10830] =	vst v5;
	v5 =	vmul.f32 v23, v18  }
0xd3: {  	v33 =	vld [tilespmem:s12+$0x108B0];
	v32 =	vmul.f32 v24, v18;
	[tilespmem:s12+$0x10840] =	vst v28  }
0xd4: {  	v34 =	vld [tilespmem:s12+$0x108C0];
	[tilespmem:s12+$0x10850] =	vst v5;
	v5 =	vmul.f32 v26, v30  }
0xd5: {  	v36 =	vld [tilespmem:s12+$0x108D0];
	v35 =	vmul.f32 v27, v30;
	[tilespmem:s12+$0x10860] =	vst v32  }
0xd6: {  	v37 =	vld [tilespmem:s12+$0x108E0];
	[tilespmem:s12+$0x10870] =	vst v5;
	v5 =	vmul.f32 v29, v30  }
0xd7: {  	v39 =	vld [tilespmem:s12+$0x108F0];
	v38 =	vmul.f32 v31, v30;
	[tilespmem:s12+$0x10880] =	vst v35  }
0xd8: {  	v40 =	vld [tilespmem:s12+$0x10900];
	[tilespmem:s12+$0x10890] =	vst v5;
	v5 =	vmul.f32 v33, v30  }
0xd9: {  	v42 =	vld [tilespmem:s12+$0x10910];
	v41 =	vmul.f32 v34, v30;
	[tilespmem:s12+$0x108A0] =	vst v38  }
0xda: {  	v43 =	vbroadcast v4, $0x3;
	v44 =	vld [tilespmem:s12+$0x10920];
	[tilespmem:s12+$0x108B0] =	vst v5;
	v5 =	vmul.f32 v36, v30  }
0xdb: {  	v46 =	vld [tilespmem:s12+$0x10930];
	v45 =	vmul.f32 v37, v30;
	[tilespmem:s12+$0x108C0] =	vst v41  }
0xdc: {  	v47 =	vld [tilespmem:s12+$0x10940];
	[tilespmem:s12+$0x108D0] =	vst v5;
	v5 =	vmul.f32 v39, v43  }
0xdd: {  	v49 =	vld [tilespmem:s12+$0x10950];
	v48 =	vmul.f32 v40, v43;
	[tilespmem:s12+$0x108E0] =	vst v45  }
0xde: {  	v50 =	vld [tilespmem:s12+$0x10960];
	[tilespmem:s12+$0x108F0] =	vst v5;
	v5 =	vmul.f32 v42, v43  }
0xdf: {  	v52 =	vld [tilespmem:s12+$0x10970];
	v51 =	vmul.f32 v44, v43;
	[tilespmem:s12+$0x10900] =	vst v48  }
0xe0: {  	v53 =	vld [tilespmem:s12+$0x10980];
	[tilespmem:s12+$0x10910] =	vst v5;
	v5 =	vmul.f32 v46, v43  }
0xe1: {  	v55 =	vld [tilespmem:s12+$0x10990];
	v54 =	vmul.f32 v47, v43;
	[tilespmem:s12+$0x10920] =	vst v51  }
0xe2: {  	v56 =	vbroadcast v4, $0x4;
	v57 =	vld [tilespmem:s12+$0x109A0];
	[tilespmem:s12+$0x10930] =	vst v5;
	v5 =	vmul.f32 v49, v43  }
0xe3: {  	v59 =	vld [tilespmem:s12+$0x109B0];
	v58 =	vmul.f32 v50, v43;
	[tilespmem:s12+$0x10940] =	vst v54  }
0xe4: {  	v60 =	vld [tilespmem:s12+$0x109C0];
	[tilespmem:s12+$0x10950] =	vst v5;
	v5 =	vmul.f32 v52, v56  }
0xe5: {  	[tilespmem:s12+$0x10960] =	vst v58;
	v61 =	vmul.f32 v53, v56;
	v62 =	vld [tilespmem:s12+$0x109D0]  }
0xe6: {  	v25 =	vld [tilespmem:s12+$0x10A40];
	[tilespmem:s12+$0x10970] =	vst v5;
	v5 =	vmul.f32 v55, v56  }
0xe7: {  	v16 =	vmul.f32 v57, v56;
	[tilespmem:s12+$0x10980] =	vst v61;
	v17 =	vld [tilespmem:s12+$0x109F0]  }
0xe8: {  	v38 =	vld [tilespmem:s12+$0x10AC0];
	[tilespmem:s12+$0x10990] =	vst v5;
	v5 =	vmul.f32 v59, v56  }
0xe9: {  	v21 =	vbroadcast v4, $0x5;
	[tilespmem:s12+$0x109A0] =	vst v16;
	v19 =	vmul.f32 v60, v56;
	v20 =	vld [tilespmem:s12+$0x10A10]  }
0xea: {  	v51 =	vld [tilespmem:s12+$0x10B40];
	[tilespmem:s12+$0x109B0] =	vst v5;
	v5 =	vmul.f32 v62, v56  }
0xeb: {  	v24 =	vld [tilespmem:s12+$0x10A30];
	v34 =	vbroadcast v4, $0x6;
	[tilespmem:s12+$0x109C0] =	vst v19;
	v32 =	vmul.f32 v25, v21  }
0xec: {  	v63 =	vld [tilespmem:s12+$0x109E0];
	[tilespmem:s12+$0x109D0] =	vst v5;
	v5 =	vmul.f32 v17, v21  }
0xed: {  	v27 =	vld [tilespmem:s12+$0x10A50];
	v47 =	vbroadcast v4, $0x7;
	v45 =	vmul.f32 v38, v34;
	[tilespmem:s12+$0x10A40] =	vst v32  }
0xee: {  	v16 =	vld [tilespmem:s12+$0x10BC0];
	[tilespmem:s12+$0x109F0] =	vst v5;
	v5 =	vmul.f32 v20, v21  }
0xef: {  	v58 =	vmul.f32 v51, v47;
	[tilespmem:s12+$0x10AC0] =	vst v45;
	v30 =	vld [tilespmem:s12+$0x10A70]  }
0xf0: {  	v22 =	vld [tilespmem:s12+$0x10A20];
	[tilespmem:s12+$0x10A10] =	vst v5;
	v5 =	vmul.f32 v24, v21  }
0xf1: {  	v60 =	vbroadcast v4, $0x8;
	[tilespmem:s12+$0x10B40] =	vst v58;
	v23 =	vmul.f32 v63, v56;
	v33 =	vld [tilespmem:s12+$0x10A90]  }
0xf2: {  	v18 =	vld [tilespmem:s12+$0x10A00];
	[tilespmem:s12+$0x10A30] =	vst v5;
	v5 =	vmul.f32 v27, v21  }
0xf3: {  	v37 =	vld [tilespmem:s12+$0x10AB0];
	[tilespmem:s12+$0x109E0] =	vst v23;
	v23 =	vmul.f32 v16, v60  }
0xf4: {  	v28 =	vld [tilespmem:s12+$0x10A60];
	[tilespmem:s12+$0x10A50] =	vst v5;
	v5 =	vmul.f32 v30, v34  }
0xf5: {  	v40 =	vld [tilespmem:s12+$0x10AD0];
	v29 =	vmul.f32 v22, v21;
	[tilespmem:s12+$0x10BC0] =	vst v23  }
0xf6: {  	v31 =	vld [tilespmem:s12+$0x10A80];
	[tilespmem:s12+$0x10A70] =	vst v5;
	v5 =	vmul.f32 v33, v34  }
0xf7: {  	v26 =	vmul.f32 v18, v21;
	[tilespmem:s12+$0x10A20] =	vst v29;
	v43 =	vld [tilespmem:s12+$0x10AF0]  }
0xf8: {  	v29 =	vld [tilespmem:s12+$0x10C40];
	[tilespmem:s12+$0x10A90] =	vst v5;
	v5 =	vmul.f32 v37, v34  }
0xf9: {  	[tilespmem:s12+$0x10A00] =	vst v26;
	v36 =	vmul.f32 v28, v21;
	v46 =	vld [tilespmem:s12+$0x10B10]  }
0xfa: {  	v35 =	vld [tilespmem:s12+$0x10AA0];
	[tilespmem:s12+$0x10AB0] =	vst v5;
	v5 =	vmul.f32 v40, v34  }
0xfb: {  	v50 =	vld [tilespmem:s12+$0x10B30];
	v25 =	vbroadcast v4, $0x9;
	[tilespmem:s12+$0x10A60] =	vst v36;
	v39 =	vmul.f32 v31, v34  }
0xfc: {  	v41 =	vld [tilespmem:s12+$0x10AE0];
	[tilespmem:s12+$0x10AD0] =	vst v5;
	v5 =	vmul.f32 v43, v47  }
0xfd: {  	v53 =	vld [tilespmem:s12+$0x10B50];
	v36 =	vmul.f32 v29, v25;
	[tilespmem:s12+$0x10A80] =	vst v39  }
0xfe: {  	v44 =	vld [tilespmem:s12+$0x10B00];
	[tilespmem:s12+$0x10AF0] =	vst v5;
	v5 =	vmul.f32 v46, v47  }
0xff: {  	v42 =	vmul.f32 v35, v34;
	[tilespmem:s12+$0x10C40] =	vst v36;
	v56 =	vld [tilespmem:s12+$0x10B70]  }
0x100: {  	v48 =	vld [tilespmem:s12+$0x10B20];
	[tilespmem:s12+$0x10B10] =	vst v5;
	v5 =	vmul.f32 v50, v47  }
0x101: {  	[tilespmem:s12+$0x10AA0] =	vst v42;
	v49 =	vmul.f32 v41, v34;
	v59 =	vld [tilespmem:s12+$0x10B90]  }
0x102: {  	v42 =	vld [tilespmem:s12+$0x10CC0];
	[tilespmem:s12+$0x10B30] =	vst v5;
	v5 =	vmul.f32 v53, v47  }
0x103: {  	v63 =	vld [tilespmem:s12+$0x10BB0];
	[tilespmem:s12+$0x10AE0] =	vst v49;
	v52 =	vmul.f32 v44, v47  }
0x104: {  	v54 =	vld [tilespmem:s12+$0x10B60];
	[tilespmem:s12+$0x10B50] =	vst v5;
	v5 =	vmul.f32 v56, v60  }
0x105: {  	v38 =	vbroadcast v4, $0xA;
	v18 =	vld [tilespmem:s12+$0x10BD0];
	[tilespmem:s12+$0x10B00] =	vst v52;
	v55 =	vmul.f32 v48, v47  }
0x106: {  	v57 =	vld [tilespmem:s12+$0x10B80];
	[tilespmem:s12+$0x10B70] =	vst v5;
	v5 =	vmul.f32 v59, v60  }
0x107: {  	v49 =	vmul.f32 v42, v38;
	[tilespmem:s12+$0x10B20] =	vst v55;
	v21 =	vld [tilespmem:s12+$0x10BF0]  }
0x108: {  	v55 =	vld [tilespmem:s12+$0x10D40];
	[tilespmem:s12+$0x10B90] =	vst v5;
	v5 =	vmul.f32 v63, v60  }
0x109: {  	[tilespmem:s12+$0x10CC0] =	vst v49;
	v62 =	vmul.f32 v54, v47;
	v24 =	vld [tilespmem:s12+$0x10C10]  }
0x10a: {  	v61 =	vld [tilespmem:s12+$0x10BA0];
	[tilespmem:s12+$0x10BB0] =	vst v5;
	v5 =	vmul.f32 v18, v60  }
0x10b: {  	v51 =	vbroadcast v4, $0xB;
	v28 =	vld [tilespmem:s12+$0x10C30];
	[tilespmem:s12+$0x10B60] =	vst v62;
	v17 =	vmul.f32 v57, v60  }
0x10c: {  	v19 =	vld [tilespmem:s12+$0x10BE0];
	[tilespmem:s12+$0x10BD0] =	vst v5;
	v5 =	vmul.f32 v21, v25  }
0x10d: {  	v31 =	vld [tilespmem:s12+$0x10C50];
	v62 =	vmul.f32 v55, v51;
	[tilespmem:s12+$0x10B80] =	vst v17  }
0x10e: {  	v16 =	vbroadcast v4, $0xC;
	v55 =	vld [tilespmem:s12+$0x10F20];
	[tilespmem:s12+$0x10BF0] =	vst v5;
	v5 =	vmul.f32 v24, v25  }
0x10f: {  	v29 =	vbroadcast v4, $0xD;
	v20 =	vmul.f32 v61, v60;
	[tilespmem:s12+$0x10D40] =	vst v62;
	v34 =	vld [tilespmem:s12+$0x10C70]  }
0x110: {  	v22 =	vld [tilespmem:s12+$0x10C00];
	v42 =	vbroadcast v4, $0xE;
	[tilespmem:s12+$0x10C10] =	vst v5;
	v5 =	vmul.f32 v28, v25  }
0x111: {  	v4 =	vbroadcast v4, $0xF;
	[tilespmem:s12+$0x10BA0] =	vst v20;
	v27 =	vmul.f32 v19, v60;
	v37 =	vld [tilespmem:s12+$0x10C90]  }
0x112: {  	v20 =	vld [tilespmem:s12+$0x10DC0];
	[tilespmem:s12+$0x10C30] =	vst v5;
	v5 =	vmul.f32 v31, v25  }
0x113: {  	v41 =	vld [tilespmem:s12+$0x10CB0];
	v62 =	vmul.f32 v55, v4;
	[tilespmem:s12+$0x10BE0] =	vst v27  }
0x114: {  	v26 =	vld [tilespmem:s12+$0x10C20];
	[tilespmem:s12+$0x10C50] =	vst v5;
	v5 =	vmul.f32 v34, v38  }
0x115: {  	v44 =	vld [tilespmem:s12+$0x10CD0];
	v30 =	vmul.f32 v22, v25;
	[tilespmem:s12+$0x10F20] =	vst v62  }
0x116: {  	v32 =	vld [tilespmem:s12+$0x10C60];
	[tilespmem:s12+$0x10C70] =	vst v5;
	v5 =	vmul.f32 v37, v38  }
0x117: {  	v27 =	vmul.f32 v20, v16;
	[tilespmem:s12+$0x10C00] =	vst v30;
	v47 =	vld [tilespmem:s12+$0x10CF0]  }
0x118: {  	v35 =	vld [tilespmem:s12+$0x10C80];
	[tilespmem:s12+$0x10C90] =	vst v5;
	v5 =	vmul.f32 v41, v38  }
0x119: {  	v33 =	vmul.f32 v26, v25;
	[tilespmem:s12+$0x10DC0] =	vst v27;
	v50 =	vld [tilespmem:s12+$0x10D10]  }
0x11a: {  	v39 =	vld [tilespmem:s12+$0x10CA0];
	[tilespmem:s12+$0x10CB0] =	vst v5;
	v5 =	vmul.f32 v44, v38  }
0x11b: {  	v54 =	vld [tilespmem:s12+$0x10D30];
	[tilespmem:s12+$0x10C20] =	vst v33;
	v40 =	vmul.f32 v32, v25  }
0x11c: {  	v33 =	vld [tilespmem:s12+$0x10E40];
	[tilespmem:s12+$0x10CD0] =	vst v5;
	v5 =	vmul.f32 v47, v51  }
0x11d: {  	v57 =	vld [tilespmem:s12+$0x10D50];
	[tilespmem:s12+$0x10C60] =	vst v40;
	v43 =	vmul.f32 v35, v38  }
0x11e: {  	v45 =	vld [tilespmem:s12+$0x10CE0];
	[tilespmem:s12+$0x10CF0] =	vst v5;
	v5 =	vmul.f32 v50, v51  }
0x11f: {  	[tilespmem:s12+$0x10C80] =	vst v43;
	v46 =	vmul.f32 v39, v38;
	v60 =	vld [tilespmem:s12+$0x10D70]  }
0x120: {  	v48 =	vld [tilespmem:s12+$0x10D00];
	[tilespmem:s12+$0x10D10] =	vst v5;
	v5 =	vmul.f32 v54, v51  }
0x121: {  	v40 =	vmul.f32 v33, v29;
	[tilespmem:s12+$0x10CA0] =	vst v46;
	v63 =	vld [tilespmem:s12+$0x10D90]  }
0x122: {  	v46 =	vld [tilespmem:s12+$0x10EC0];
	[tilespmem:s12+$0x10D30] =	vst v5;
	v5 =	vmul.f32 v57, v51  }
0x123: {  	v19 =	vld [tilespmem:s12+$0x10DB0];
	[tilespmem:s12+$0x10E40] =	vst v40;
	v53 =	vmul.f32 v45, v38  }
0x124: {  	v52 =	vld [tilespmem:s12+$0x10D20];
	[tilespmem:s12+$0x10D50] =	vst v5;
	v5 =	vmul.f32 v60, v16  }
0x125: {  	v22 =	vld [tilespmem:s12+$0x10DD0];
	[tilespmem:s12+$0x10CE0] =	vst v53;
	v56 =	vmul.f32 v48, v51  }
0x126: {  	v49 =	vld [tilespmem:s12+$0x10EE0];
	[tilespmem:s12+$0x10D70] =	vst v5;
	v5 =	vmul.f32 v63, v16  }
0x127: {  	v53 =	vmul.f32 v46, v42;
	[tilespmem:s12+$0x10D00] =	vst v56;
	v25 =	vld [tilespmem:s12+$0x10DF0]  }
0x128: {  	v58 =	vld [tilespmem:s12+$0x10D60];
	[tilespmem:s12+$0x10D90] =	vst v5;
	v5 =	vmul.f32 v19, v16  }
0x129: {  	v59 =	vmul.f32 v52, v51;
	[tilespmem:s12+$0x10EC0] =	vst v53;
	v28 =	vld [tilespmem:s12+$0x10E10]  }
0x12a: {  	v52 =	vld [tilespmem:s12+$0x10F00];
	[tilespmem:s12+$0x10DB0] =	vst v5;
	v5 =	vmul.f32 v22, v16  }
0x12b: {  	v32 =	vld [tilespmem:s12+$0x10E30];
	v56 =	vmul.f32 v49, v42;
	[tilespmem:s12+$0x10D20] =	vst v59  }
0x12c: {  	v61 =	vld [tilespmem:s12+$0x10D80];
	[tilespmem:s12+$0x10DD0] =	vst v5;
	v5 =	vmul.f32 v25, v29  }
0x12d: {  	v35 =	vld [tilespmem:s12+$0x10E50];
	[tilespmem:s12+$0x10EE0] =	vst v56;
	v18 =	vmul.f32 v58, v51  }
0x12e: {  	v17 =	vld [tilespmem:s12+$0x10DA0];
	[tilespmem:s12+$0x10DF0] =	vst v5;
	v5 =	vmul.f32 v28, v29  }
0x12f: {  	v59 =	vmul.f32 v52, v4;
	[tilespmem:s12+$0x10D60] =	vst v18;
	v38 =	vld [tilespmem:s12+$0x10E70]  }
0x130: {  	v23 =	vld [tilespmem:s12+$0x10DE0];
	[tilespmem:s12+$0x10E10] =	vst v5;
	v5 =	vmul.f32 v32, v29  }
0x131: {  	v21 =	vmul.f32 v61, v16;
	[tilespmem:s12+$0x10F00] =	vst v59;
	v41 =	vld [tilespmem:s12+$0x10E90]  }
0x132: {  	v26 =	vld [tilespmem:s12+$0x10E00];
	[tilespmem:s12+$0x10E30] =	vst v5;
	v5 =	vmul.f32 v35, v29  }
0x133: {  	v45 =	vld [tilespmem:s12+$0x10EB0];
	[tilespmem:s12+$0x10D80] =	vst v21;
	v24 =	vmul.f32 v17, v16  }
0x134: {  	v30 =	vld [tilespmem:s12+$0x10E20];
	[tilespmem:s12+$0x10E50] =	vst v5;
	v5 =	vmul.f32 v38, v42  }
0x135: {  	v48 =	vld [tilespmem:s12+$0x10ED0];
	[tilespmem:s12+$0x10DA0] =	vst v24;
	v31 =	vmul.f32 v23, v16  }
0x136: {  	v36 =	vld [tilespmem:s12+$0x10E60];
	[tilespmem:s12+$0x10E70] =	vst v5;
	v5 =	vmul.f32 v41, v42  }
0x137: {  	[tilespmem:s12+$0x10DE0] =	vst v31;
	v34 =	vmul.f32 v26, v29;
	v51 =	vld [tilespmem:s12+$0x10EF0]  }
0x138: {  	v39 =	vld [tilespmem:s12+$0x10E80];
	[tilespmem:s12+$0x10E90] =	vst v5;
	v5 =	vmul.f32 v45, v42  }
0x139: {  	[tilespmem:s12+$0x10E00] =	vst v34;
	v37 =	vmul.f32 v30, v29;
	v54 =	vld [tilespmem:s12+$0x10F10]  }
0x13a: {  	v43 =	vld [tilespmem:s12+$0x10EA0];
	[tilespmem:s12+$0x10EB0] =	vst v5;
	v5 =	vmul.f32 v48, v42  }
0x13b: {  	[tilespmem:s12+$0x10E20] =	vst v37;
	v44 =	vmul.f32 v36, v29;
	v57 =	vld [tilespmem:s12+$0x10F30]  }
0x13c: {  	v58 =	vld [tilespmem:s12+$0x10F40];
	[tilespmem:s12+$0x10ED0] =	vst v5;
	v5 =	vmul.f32 v51, v4  }
0x13d: {  	[tilespmem:s12+$0x10E60] =	vst v44;
	v47 =	vmul.f32 v39, v42;
	v60 =	vld [tilespmem:s12+$0x10F50]  }
0x13e: {  	v61 =	vld [tilespmem:s12+$0x10F60];
	[tilespmem:s12+$0x10EF0] =	vst v5;
	v5 =	vmul.f32 v54, v4  }
0x13f: {  	[tilespmem:s12+$0x10E80] =	vst v47;
	v50 =	vmul.f32 v43, v42  }
0x140: {  	p0 =	sne.s32 s10, $0x7;
	[tilespmem:s12+$0x10F10] =	vst v5;
	v5 =	vmul.f32 v57, v4  }
.Ltmp6:
0x141: {  	[tilespmem:s12+$0x10EA0] =	vst v50;
	v63 =	vmul.f32 v58, v4;
	(pc) =	sbr.rel @p0 .LBB2_9-.Ltmp6, $4  }
0x142: {  	[tilespmem:s12+$0x10F30] =	vst v5;
	v5 =	vmul.f32 v60, v4  }
0x143: {  	[tilespmem:s12+$0x10F40] =	vst v63;
	v4 =	vmul.f32 v61, v4  }
0x144: {  	[tilespmem:s12+$0x10F50] =	vst v5  }
0x145: {  	s10 =	sadd.s32 $0x1, s10;
	[tilespmem:s12+$0x10F60] =	vst v4  }
0x146: {  	[spmem:s5] =	stream.indirect.scatter.add.f32 [tilespmem:s19], [sflag:$0x2], $0x80, s30, s29, $0xb8;
	[tilespmem:$0x1EAF0] =	vst v63  }
0x147: {  	_ =	swait.ge [sflag:s20], $0x4000  }
0x148: {  	s21 =	sadd.s32 $0x1, s21;
	[sflag:s20] =	ssyncset.done $0x0  }
0x149: {  	p0 =	sne.s32 s21, s4;
	[sflag:s20] =	ssyncadd.s32 $0xFFFFC000  }
0x14a: {  	[spmem:s6] =	stream.indirect.scatter.add.f32 [tilespmem:s31], [sflag:$0x2], $0x1, s30, s29, $0xb8;
	[tilespmem:$0x1EAF0] =	vst v63  }
.Ltmp7:
0x14b: {  	_ = 	snop;
	(pc) =	sbr.rel @p0 .LBB2_8-.Ltmp7, $4  }
.Ltmp8:
0x14c: {  	_ = 	snop;
	(pc) =	sbr.rel @!p0 .LBB2_11-.Ltmp8, $4  }
0x14d: {  	_ =	swait.ge [sflag:s20], $0x80  }
0x14e: {  	[sflag:s20] =	ssyncset.done $0x0  }
0x14f: {  	[sflag:s20] =	ssyncadd.s32 $0xFFFFFF80  }
0x150: {  	_ = 	snop  }
.LBB2_12:
0x151: {  	_ =	sfence.sel $0x180000  }
0x152: {  	[bflag:$0x0] =	sbarrier.arrive $0xFFFF  }
0x153: {  	_ =	strace $0x90000047  }
0x154: {  	s0 =	stileid.u32;
	[bflag:$0x2] =	sbarrier.arrive $0xFFFF  }
0x155: {  	p0 =	sne.s32 s0, $0x0;
	s0 =	rddreg [dreg:$0x6]  }
0x156: {  	s0 =	sadd.s32 @!p0 $0x100000, s0  }
0x157: {  	[sflag:s0] =	ssyncadd.tile.s32 @!p0 $0x1;
	_ =	shalt  }
.Lfunc_end2:
_tile_overlayer_lowered:
.L_overlay_start_2:
0x158: {  	(tag) =	ssettag $0x2  }
0x159: {  	s0 =	rddreg [dreg:$0x0];
	s2 =	stileid.u32  }
0x15a: {  	s1 =	rddreg [dreg:$0x1];
	p0 =	sne.s32 s2, $0x0  }
0x15b: {  	s3 =	rddreg [dreg:$0x2];
	[bflag:$0x3] =	sbarrier.arrive $0xFFFF;
	s2 =	simm.s32 @!p0 $0x1C02  }
0x15c: {  	[timem:s3], [sflag:s2] =	dma.local @!p0 [hbm:s0], s1  }
0x15d: {  	s0 =	simm.s32 @!p0 $0x2  }
0x15e: {  	_ =	swait.ge @!p0 [sflag:s0], s1  }
0x15f: {  	s1 =	ssub.s32 @!p0 $0x0, s1;
	[sflag:s0] =	ssyncset.done @!p0 $0x0  }
0x160: {  	[sflag:s0] =	ssyncadd.s32 @!p0 s1  }
0x161: {  	[bflag:$0x3] =	sbarrier.arrive $0xFFFF  }
0x162: {  	_ =	shalt  }

</sc_bundles>
